<compile_context>
chip_gen: v7x
topology: tpu7x:2x2x1
jax: 0.10.2.dev20260603
libtpu: 0.0.44.dev20260713+nightly
codegen_flags: <defaults>
</compile_context>

<pallas_src>
import jax
import jax.numpy as jnp
from jax import lax
from jax.experimental import pallas as pl
from jax.experimental.pallas import tpu as pltpu
from jax.experimental.pallas import tpu_sc as plsc

N = 10000
E = 320000
D = 128
H1 = 64
H2 = 32

NC = 2
NS = 16
NW = NC * NS

C = 128
CH_PW = 80
K0 = 112
K1 = 160 - K0
KMAXH = 56
NCH = NW * CH_PW
EP = NCH * C
NP = 10240
DEG_T = NP // NS

NA = N + 8
RT_N = 632
RL_N = N - (NS - 1) * RT_N
RT_Z = 632
RL_Z = NA - (NS - 1) * RT_Z

_MESH = plsc.VectorSubcoreMesh(core_axis_name="c", subcore_axis_name="s")
f32 = jnp.float32


def _fanout(s, rt, rl, fn):
    @pl.when(s < NS - 1)
    def _():
        fn(pl.multiple_of(s * rt, 8), rt)

    @pl.when(s == NS - 1)
    def _():
        fn(pl.multiple_of((NS - 1) * rt, 8), rl)


def _deg_body(e2d, ones_h, zz, out, dst_v, ones_v, acc):
    c = lax.axis_index("c")
    s = lax.axis_index("s")
    wid = s * NC + c
    pltpu.sync_copy(ones_h, ones_v)
    doff = pl.multiple_of(s * DEG_T, 8)
    pltpu.sync_copy(zz.at[pl.ds(doff, DEG_T)], acc.at[pl.ds(doff, DEG_T)])
    coff = pl.multiple_of(wid * CH_PW, 8)
    pltpu.sync_copy(e2d.at[1, pl.ds(coff, CH_PW)], dst_v)
    plsc.subcore_barrier()

    def step(j, carry):
        pltpu.sync_copy(ones_v, acc.at[dst_v.at[j]], add=True)
        return carry

    lax.fori_loop(0, CH_PW, step, 0)
    plsc.subcore_barrier()
    pltpu.sync_copy(acc.at[pl.ds(doff, DEG_T)],
                    out.at[c, pl.ds(doff, DEG_T)])


_deg_call = pl.kernel(
    _deg_body,
    out_type=jax.ShapeDtypeStruct((NC, NP), f32),
    mesh=_MESH,
    scratch_types=[
        pltpu.VMEM((CH_PW, C), jnp.int32),
        pltpu.VMEM((C,), f32),
        pltpu.VMEM_SHARED((NP,), f32),
    ],
)


FP = 128


def _agg_body(xs, e2d, zz, out, src_v, dst_v, rows2, acc,
              gsem0, gsem1, ssem0, ssem1):
    c = lax.axis_index("c")
    s = lax.axis_index("s")
    _fanout(s, RT_Z, RL_Z, lambda o, n: pltpu.sync_copy(
        zz.at[pl.ds(o, n)], acc.at[pl.ds(o, n)]))
    plsc.subcore_barrier()
    b0 = rows2.at[0]
    b1 = rows2.at[1]

    def gat(j, buf, sem):
        return pltpu.async_copy(xs.at[src_v.at[j]], buf, sem)

    def gat_wait(j, buf, sem):
        pltpu.make_async_copy(xs.at[src_v.at[j]], buf, sem).wait()

    def sca(j, buf, sem):
        return pltpu.async_copy(buf, acc.at[dst_v.at[j]], sem, add=True)

    def sca_wait(j, buf, sem):
        pltpu.make_async_copy(xs.at[src_v.at[j]], buf, sem).wait()

    def run_edges(cbase, half):
        for h in range(2):
            coff = pl.multiple_of(cbase + h * half, 8)
            pltpu.sync_copy(e2d.at[0, pl.ds(coff, half)], src_v.at[pl.ds(0, half)])
            pltpu.sync_copy(e2d.at[1, pl.ds(coff, half)], dst_v.at[pl.ds(0, half)])
            gat(0, b0, gsem0)

            def step(t, carry):
                j0 = 2 * t
                j1 = 2 * t + 1

                @pl.when(t > 0)
                def _():
                    sca_wait(j0 - 1, b1, ssem1)
                gat(j1, b1, gsem1)
                gat_wait(j0, b0, gsem0)
                sca(j0, b0, ssem0)
                gat_wait(j1, b1, gsem1)
                sca(j1, b1, ssem1)
                sca_wait(j0, b0, ssem0)

                @pl.when(t < half // 2 - 1)
                def _():
                    gat(j0 + 2, b0, gsem0)
                return carry

            lax.fori_loop(0, half // 2, step, 0)
            sca_wait(half - 1, b1, ssem1)

    pair_base = s * (K0 + K1)

    @pl.when(c == 0)
    def _():
        run_edges(pair_base, K0 // 2)

    @pl.when(c == 1)
    def _():
        run_edges(pair_base + K0, K1 // 2)
    plsc.subcore_barrier()
    _fanout(s, RT_N, RL_N, lambda o, n: pltpu.sync_copy(
        acc.at[pl.ds(o, n)], out.at[c, pl.ds(o, n)]))


_agg_call = pl.kernel(
    _agg_body,
    out_type=jax.ShapeDtypeStruct((NC, N, FP), f32),
    mesh=_MESH,
    scratch_types=[
        pltpu.VMEM((KMAXH, C), jnp.int32),
        pltpu.VMEM((KMAXH, C), jnp.int32),
        pltpu.VMEM((2, C, FP), f32),
        pltpu.VMEM_SHARED((NA, FP), f32),
        pltpu.SemaphoreType.DMA,
        pltpu.SemaphoreType.DMA,
        pltpu.SemaphoreType.DMA,
        pltpu.SemaphoreType.DMA,
    ],
)


R = 1000
G = N // R


def _dinv(dp_ref):
    dp = dp_ref[...]
    return lax.rsqrt(dp[:, 0] + dp[:, 1] + 1.0)


def _mm1_body(x_ref, w_ref, dp_ref, o_ref):
    dinv = _dinv(dp_ref)
    xw = jnp.dot(x_ref[...], w_ref[...], preferred_element_type=f32)
    o_ref[:, :H1] = xw * dinv[:, None]
    o_ref[:, H1:] = jnp.zeros((R, FP - H1), f32)


_mm1 = pl.pallas_call(
    _mm1_body,
    grid=(G,),
    in_specs=[
        pl.BlockSpec((R, D), lambda i: (i, 0)),
        pl.BlockSpec((D, H1), lambda i: (0, 0)),
        pl.BlockSpec((R, NC), lambda i: (i, 0)),
    ],
    out_specs=pl.BlockSpec((R, FP), lambda i: (i, 0)),
    out_shape=jax.ShapeDtypeStruct((N, FP), f32),
)


def _mm2_body(ag_ref, xs_ref, dp_ref, w_ref, b_ref, o_ref):
    dinv = _dinv(dp_ref)
    agg = ag_ref[0, :, :H1] + ag_ref[1, :, :H1] + xs_ref[:, :H1]
    h = jnp.maximum(agg * dinv[:, None] + b_ref[...], 0.0)
    xw = jnp.dot(h, w_ref[...], preferred_element_type=f32)
    o_ref[:, :H2] = xw * dinv[:, None]
    o_ref[:, H2:] = jnp.zeros((R, FP - H2), f32)


_mm2 = pl.pallas_call(
    _mm2_body,
    grid=(G,),
    in_specs=[
        pl.BlockSpec((NC, R, FP), lambda i: (0, i, 0)),
        pl.BlockSpec((R, FP), lambda i: (i, 0)),
        pl.BlockSpec((R, NC), lambda i: (i, 0)),
        pl.BlockSpec((H1, H2), lambda i: (0, 0)),
        pl.BlockSpec((1, H1), lambda i: (0, 0)),
    ],
    out_specs=pl.BlockSpec((R, FP), lambda i: (i, 0)),
    out_shape=jax.ShapeDtypeStruct((N, FP), f32),
)


def _mm3_body(ag_ref, xs_ref, dp_ref, w_ref, b_ref, bfc_ref, o_ref):
    dinv = _dinv(dp_ref)
    agg = ag_ref[0, :, :H2] + ag_ref[1, :, :H2] + xs_ref[:, :H2]
    h = jnp.maximum(agg * dinv[:, None] + b_ref[...], 0.0)
    o_ref[...] = jnp.dot(h, w_ref[...], preferred_element_type=f32) + bfc_ref[...]


_mm3 = pl.pallas_call(
    _mm3_body,
    grid=(G,),
    in_specs=[
        pl.BlockSpec((NC, R, FP), lambda i: (0, i, 0)),
        pl.BlockSpec((R, FP), lambda i: (i, 0)),
        pl.BlockSpec((R, NC), lambda i: (i, 0)),
        pl.BlockSpec((H2, 1), lambda i: (0, 0)),
        pl.BlockSpec((1, H2), lambda i: (0, 0)),
        pl.BlockSpec((1, 1), lambda i: (0, 0)),
    ],
    out_specs=pl.BlockSpec((R, 1), lambda i: (i, 0)),
    out_shape=jax.ShapeDtypeStruct((N, 1), f32),
)


def kernel(x, edge_index, W1, b1, W2, b2, Wfc, bfc):
    i32 = jnp.int32
    pad = jnp.stack([jnp.zeros((EP - E,), i32), jnp.full((EP - E,), N, i32)])
    e2d = jnp.concatenate([edge_index, pad], axis=1).reshape(2, NCH, C)
    z_np = jnp.zeros((NP,), f32)
    z = jnp.zeros((NA, FP), f32)

    degp = _deg_call(e2d, jnp.ones((C,), f32), z_np)[:, :N].T
    xs1 = _mm1(x, W1, degp)
    ag1 = _agg_call(xs1, e2d, z)
    xs2 = _mm2(ag1, xs1, degp, W2, b1.reshape(1, H1))
    ag2 = _agg_call(xs2, e2d, z)
    return _mm3(ag2, xs2, degp, Wfc, b2.reshape(1, H2), bfc.reshape(1, 1))

# --- scband reference (transcript-rebuilt; emitter-appended) ---
"""Pipeline reference for scband-gnnmodel-59665685676469 (READ-ONLY COPY).

The authoritative reference and input builder live on the scoring server;
editing this copy changes nothing except your own understanding.
"""

import jax, jax.numpy as jnp
import numpy as np

N = 10000
E = 320000
D = 128
H1 = 64
H2 = 32


def setup_inputs(seed: int = 0) -> dict:
    key = jax.random.key(seed)
    ks = jax.random.split(key, 8)
    x = jax.random.normal(ks[0], (N, D), dtype=jnp.float32)
    edge_index = jax.random.randint(ks[1], (2, E), 0, N, dtype=jnp.int32)
    W1 = jax.random.normal(ks[2], (D, H1), dtype=jnp.float32) * (1.0 / np.sqrt(D))
    b1 = jnp.zeros((H1,), dtype=jnp.float32)
    W2 = jax.random.normal(ks[3], (H1, H2), dtype=jnp.float32) * (1.0 / np.sqrt(H1))
    b2 = jnp.zeros((H2,), dtype=jnp.float32)
    Wfc = jax.random.normal(ks[4], (H2, 1), dtype=jnp.float32) * (1.0 / np.sqrt(H2))
    bfc = jnp.zeros((1,), dtype=jnp.float32)
    return {"x": x, "edge_index": edge_index, "W1": W1, "b1": b1, "W2": W2, "b2": b2, "Wfc": Wfc, "bfc": bfc}


def gcn_conv(x, edge_index, W, b):
    # GCNConv: x' = D^{-1/2} (A + I) D^{-1/2} X W + b (add_self_loops=True, sym norm)
    n = x.shape[0]
    loop = jnp.arange(n, dtype=edge_index.dtype)
    src = jnp.concatenate([edge_index[0], loop])
    dst = jnp.concatenate([edge_index[1], loop])
    deg = jnp.zeros((n,), dtype=x.dtype).at[dst].add(1.0)
    dinv = jnp.where(deg > 0, 1.0 / jnp.sqrt(deg), 0.0)
    norm = dinv[src] * dinv[dst]
    xw = x @ W
    msg = xw[src] * norm[:, None]
    out = jnp.zeros((n, W.shape[1]), dtype=x.dtype).at[dst].add(msg)
    return out + b


def reference(x, edge_index, W1, b1, W2, b2, Wfc, bfc):
    h = jax.nn.relu(gcn_conv(x, edge_index, W1, b1))
    h = jax.nn.relu(gcn_conv(h, edge_index, W2, b2))
    return h @ Wfc + bfc

if __name__ == "__main__":
    import jax
    _d = setup_inputs()
    print(jax.jit(kernel)(*tuple(_d.values())))

</pallas_src>

<mosaic_0001>
#map = affine_map<(d0, d1) -> (0, 0)>
#map1 = affine_map<(d0, d1) -> (0, 0, 0)>
module attributes {stable_mosaic.version = 14 : i64} {
  func.func @_agg_body(%arg0: i32, %arg1: i32, %arg2: memref<10000x128xf32, #tpu.memory_space<hbm>>, %arg3: memref<2x2560x128xi32, #tpu.memory_space<hbm>>, %arg4: memref<10008x128xf32, #tpu.memory_space<hbm>>, %arg5: memref<2x10000x128xf32, #tpu.memory_space<hbm>>, %arg6: memref<56x128xi32, #tpu.memory_space<vmem>>, %arg7: memref<56x128xi32, #tpu.memory_space<vmem>>, %arg8: memref<2x128x128xf32, #tpu.memory_space<vmem>>, %arg9: memref<10008x128xf32, #tpu.memory_space<vmem_shared>>, %arg10: memref<!tpu.dma_semaphore, #tpu.memory_space<semaphore_mem>>, %arg11: memref<!tpu.dma_semaphore, #tpu.memory_space<semaphore_mem>>, %arg12: memref<!tpu.dma_semaphore, #tpu.memory_space<semaphore_mem>>, %arg13: memref<!tpu.dma_semaphore, #tpu.memory_space<semaphore_mem>>) attributes {dimension_semantics = [#tpu.dimension_semantics<core_parallel>, #tpu.dimension_semantics<subcore_parallel>], iteration_bounds = array<i64: 2, 16>, scalar_prefetch = 0 : i64, scratch_operands = 8 : i64, tpu.core_type = #tpu.core_type<sc_vector_subcore>, window_params = [{transform_indices = #map}, {transform_indices = #map1}, {transform_indices = #map}, {transform_indices = #map1}]} {
    %lt3A = arith.constant 15 : i32
    %lt3A_0 = arith.cmpi slt, %arg1, %lt3A : i32
    %convert_element_type3A = arith.extui %lt3A_0 : i1 to i32
    %cond3A = arith.constant 0 : i32
    %cond3A_1 = arith.cmpi ne, %convert_element_type3A, %cond3A : i32
    scf.if %cond3A_1 {
      %mul3A_32 = arith.constant 632 : i32
      %mul3A_33 = arith.muli %arg1, %mul3A_32 : i32
      %multiple_of3A = tpu.assume_multiple %mul3A_33, 8 : i32
      "tpu.region"() ({
        %run_scoped3A = tpu.sem_alloc : memref<!tpu.dma_semaphore, #tpu.memory_space<semaphore_mem>>
        %dma_start3A = arith.constant 0 : i32
        %dma_start3A_34 = tpu.memref_slice %arg9[%multiple_of3A, %dma_start3A] : memref<10008x128xf32, #tpu.memory_space<vmem_shared>> -> memref<632x128xf32, #tpu.memory_space<vmem_shared>>
        %dma_start3A_35 = arith.constant 0 : i32
        %dma_start3A_36 = tpu.memref_slice %arg4[%multiple_of3A, %dma_start3A_35] : memref<10008x128xf32, #tpu.memory_space<hbm>> -> memref<632x128xf32, #tpu.memory_space<hbm>>
        tpu.enqueue_dma source(%dma_start3A_36 : memref<632x128xf32, #tpu.memory_space<hbm>>) target(%dma_start3A_34 : memref<632x128xf32, #tpu.memory_space<vmem_shared>>) target_semaphore(%run_scoped3A : memref<!tpu.dma_semaphore, #tpu.memory_space<semaphore_mem>>)
        %dma_wait3A = arith.constant 0 : i32
        %dma_wait3A_37 = tpu.memref_slice %arg9[%multiple_of3A, %dma_wait3A] : memref<10008x128xf32, #tpu.memory_space<vmem_shared>> -> memref<632x128xf32, #tpu.memory_space<vmem_shared>>
        %dma_wait3A_38 = arith.constant 0 : i32
        %dma_wait3A_39 = tpu.memref_slice %arg4[%multiple_of3A, %dma_wait3A_38] : memref<10008x128xf32, #tpu.memory_space<hbm>> -> memref<632x128xf32, #tpu.memory_space<hbm>>
        tpu.wait_dma2 semaphore(%run_scoped3A : memref<!tpu.dma_semaphore, #tpu.memory_space<semaphore_mem>>) src(%dma_wait3A_39 : memref<632x128xf32, #tpu.memory_space<hbm>>) dst(%dma_wait3A_37 : memref<632x128xf32, #tpu.memory_space<vmem_shared>>)
        tpu.yield
      }) : () -> ()
    } else {
    }
    %eq3A = arith.constant 15 : i32
    %eq3A_2 = arith.cmpi eq, %arg1, %eq3A : i32
    %convert_element_type3A_3 = arith.extui %eq3A_2 : i1 to i32
    %cond3A_4 = arith.constant 0 : i32
    %cond3A_5 = arith.cmpi ne, %convert_element_type3A_3, %cond3A_4 : i32
    scf.if %cond3A_5 {
      %multiple_of3A = arith.constant 9480 : i32
      %multiple_of3A_32 = tpu.assume_multiple %multiple_of3A, 8 : i32
      "tpu.region"() ({
        %run_scoped3A = tpu.sem_alloc : memref<!tpu.dma_semaphore, #tpu.memory_space<semaphore_mem>>
        %dma_start3A = arith.constant 0 : i32
        %dma_start3A_33 = tpu.memref_slice %arg9[%multiple_of3A_32, %dma_start3A] : memref<10008x128xf32, #tpu.memory_space<vmem_shared>> -> memref<528x128xf32, #tpu.memory_space<vmem_shared>>
        %dma_start3A_34 = arith.constant 0 : i32
        %dma_start3A_35 = tpu.memref_slice %arg4[%multiple_of3A_32, %dma_start3A_34] : memref<10008x128xf32, #tpu.memory_space<hbm>> -> memref<528x128xf32, #tpu.memory_space<hbm>>
        tpu.enqueue_dma source(%dma_start3A_35 : memref<528x128xf32, #tpu.memory_space<hbm>>) target(%dma_start3A_33 : memref<528x128xf32, #tpu.memory_space<vmem_shared>>) target_semaphore(%run_scoped3A : memref<!tpu.dma_semaphore, #tpu.memory_space<semaphore_mem>>)
        %dma_wait3A = arith.constant 0 : i32
        %dma_wait3A_36 = tpu.memref_slice %arg9[%multiple_of3A_32, %dma_wait3A] : memref<10008x128xf32, #tpu.memory_space<vmem_shared>> -> memref<528x128xf32, #tpu.memory_space<vmem_shared>>
        %dma_wait3A_37 = arith.constant 0 : i32
        %dma_wait3A_38 = tpu.memref_slice %arg4[%multiple_of3A_32, %dma_wait3A_37] : memref<10008x128xf32, #tpu.memory_space<hbm>> -> memref<528x128xf32, #tpu.memory_space<hbm>>
        tpu.wait_dma2 semaphore(%run_scoped3A : memref<!tpu.dma_semaphore, #tpu.memory_space<semaphore_mem>>) src(%dma_wait3A_38 : memref<528x128xf32, #tpu.memory_space<hbm>>) dst(%dma_wait3A_36 : memref<528x128xf32, #tpu.memory_space<vmem_shared>>)
        tpu.yield
      }) : () -> ()
    } else {
    }
    %barrier3A = arith.constant 0 : index
    tpu.barrier barrier_id(%barrier3A)
    %mul3A = arith.constant 160 : i32
    %mul3A_6 = arith.muli %arg1, %mul3A : i32
    %eq3A_7 = arith.constant 0 : i32
    %eq3A_8 = arith.cmpi eq, %arg0, %eq3A_7 : i32
    %convert_element_type3A_9 = arith.extui %eq3A_8 : i1 to i32
    %cond3A_10 = arith.constant 0 : i32
    %cond3A_11 = arith.constant 1 : i32
    %cond3A_12 = arith.constant 0 : i32
    %cond3A_13 = arith.cmpi ne, %convert_element_type3A_9, %cond3A_12 : i32
    scf.if %cond3A_13 {
      %add3A = arith.constant 0 : i32
      %add3A_32 = arith.addi %mul3A_6, %add3A : i32
      %multiple_of3A = tpu.assume_multiple %add3A_32, 8 : i32
      %run_scoped3A = arith.constant 0 : i32
      "tpu.region"() ({
        %run_scoped3A_92 = tpu.sem_alloc : memref<!tpu.dma_semaphore, #tpu.memory_space<semaphore_mem>>
        %dma_start3A_93 = arith.constant 0 : i32
        %dma_start3A_94 = arith.constant 0 : i32
        %dma_start3A_95 = tpu.memref_slice %arg6[%dma_start3A_93, %dma_start3A_94] : memref<56x128xi32, #tpu.memory_space<vmem>> -> memref<56x128xi32, #tpu.memory_space<vmem>>
        %dma_start3A_96 = arith.constant 0 : i32
        %dma_start3A_97 = tpu.memref_slice %arg3[%run_scoped3A, %multiple_of3A, %dma_start3A_96] : memref<2x2560x128xi32, #tpu.memory_space<hbm>> -> memref<1x56x128xi32, #tpu.memory_space<hbm>>
        %dma_start3A_98 = tpu.memref_squeeze %dma_start3A_97 : memref<1x56x128xi32, #tpu.memory_space<hbm>> -> memref<56x128xi32, #tpu.memory_space<hbm>>
        %dma_start3A_99 = arith.constant 0 : i32
        %dma_start3A_100 = arith.constant 0 : i32
        %dma_start3A_101 = tpu.memref_slice %arg6[%dma_start3A_99, %dma_start3A_100] : memref<56x128xi32, #tpu.memory_space<vmem>> -> memref<56x128xi32, #tpu.memory_space<vmem>>
        %dma_start3A_102 = arith.constant 0 : i32
        %dma_start3A_103 = tpu.memref_slice %arg3[%run_scoped3A, %multiple_of3A, %dma_start3A_102] : memref<2x2560x128xi32, #tpu.memory_space<hbm>> -> memref<1x56x128xi32, #tpu.memory_space<hbm>>
        %dma_start3A_104 = tpu.memref_squeeze %dma_start3A_103 : memref<1x56x128xi32, #tpu.memory_space<hbm>> -> memref<56x128xi32, #tpu.memory_space<hbm>>
        tpu.enqueue_dma source(%dma_start3A_104 : memref<56x128xi32, #tpu.memory_space<hbm>>) target(%dma_start3A_101 : memref<56x128xi32, #tpu.memory_space<vmem>>) target_semaphore(%run_scoped3A_92 : memref<!tpu.dma_semaphore, #tpu.memory_space<semaphore_mem>>)
        %dma_wait3A_105 = arith.constant 0 : i32
        %dma_wait3A_106 = arith.constant 0 : i32
        %dma_wait3A_107 = tpu.memref_slice %arg6[%dma_wait3A_105, %dma_wait3A_106] : memref<56x128xi32, #tpu.memory_space<vmem>> -> memref<56x128xi32, #tpu.memory_space<vmem>>
        %dma_wait3A_108 = arith.constant 0 : i32
        %dma_wait3A_109 = tpu.memref_slice %arg3[%run_scoped3A, %multiple_of3A, %dma_wait3A_108] : memref<2x2560x128xi32, #tpu.memory_space<hbm>> -> memref<1x56x128xi32, #tpu.memory_space<hbm>>
        %dma_wait3A_110 = tpu.memref_squeeze %dma_wait3A_109 : memref<1x56x128xi32, #tpu.memory_space<hbm>> -> memref<56x128xi32, #tpu.memory_space<hbm>>
        %dma_wait3A_111 = arith.constant 0 : i32
        %dma_wait3A_112 = arith.constant 0 : i32
        %dma_wait3A_113 = tpu.memref_slice %arg6[%dma_wait3A_111, %dma_wait3A_112] : memref<56x128xi32, #tpu.memory_space<vmem>> -> memref<56x128xi32, #tpu.memory_space<vmem>>
        %dma_wait3A_114 = arith.constant 0 : i32
        %dma_wait3A_115 = tpu.memref_slice %arg3[%run_scoped3A, %multiple_of3A, %dma_wait3A_114] : memref<2x2560x128xi32, #tpu.memory_space<hbm>> -> memref<1x56x128xi32, #tpu.memory_space<hbm>>
        %dma_wait3A_116 = tpu.memref_squeeze %dma_wait3A_115 : memref<1x56x128xi32, #tpu.memory_space<hbm>> -> memref<56x128xi32, #tpu.memory_space<hbm>>
        tpu.wait_dma2 semaphore(%run_scoped3A_92 : memref<!tpu.dma_semaphore, #tpu.memory_space<semaphore_mem>>) src(%dma_wait3A_116 : memref<56x128xi32, #tpu.memory_space<hbm>>) dst(%dma_wait3A_113 : memref<56x128xi32, #tpu.memory_space<vmem>>)
        tpu.yield
      }) : () -> ()
      %run_scoped3A_33 = arith.constant 1 : i32
      "tpu.region"() ({
        %run_scoped3A_92 = tpu.sem_alloc : memref<!tpu.dma_semaphore, #tpu.memory_space<semaphore_mem>>
        %dma_start3A_93 = arith.constant 0 : i32
        %dma_start3A_94 = arith.constant 0 : i32
        %dma_start3A_95 = tpu.memref_slice %arg7[%dma_start3A_93, %dma_start3A_94] : memref<56x128xi32, #tpu.memory_space<vmem>> -> memref<56x128xi32, #tpu.memory_space<vmem>>
        %dma_start3A_96 = arith.constant 0 : i32
        %dma_start3A_97 = tpu.memref_slice %arg3[%run_scoped3A_33, %multiple_of3A, %dma_start3A_96] : memref<2x2560x128xi32, #tpu.memory_space<hbm>> -> memref<1x56x128xi32, #tpu.memory_space<hbm>>
        %dma_start3A_98 = tpu.memref_squeeze %dma_start3A_97 : memref<1x56x128xi32, #tpu.memory_space<hbm>> -> memref<56x128xi32, #tpu.memory_space<hbm>>
        %dma_start3A_99 = arith.constant 0 : i32
        %dma_start3A_100 = arith.constant 0 : i32
        %dma_start3A_101 = tpu.memref_slice %arg7[%dma_start3A_99, %dma_start3A_100] : memref<56x128xi32, #tpu.memory_space<vmem>> -> memref<56x128xi32, #tpu.memory_space<vmem>>
        %dma_start3A_102 = arith.constant 0 : i32
        %dma_start3A_103 = tpu.memref_slice %arg3[%run_scoped3A_33, %multiple_of3A, %dma_start3A_102] : memref<2x2560x128xi32, #tpu.memory_space<hbm>> -> memref<1x56x128xi32, #tpu.memory_space<hbm>>
        %dma_start3A_104 = tpu.memref_squeeze %dma_start3A_103 : memref<1x56x128xi32, #tpu.memory_space<hbm>> -> memref<56x128xi32, #tpu.memory_space<hbm>>
        tpu.enqueue_dma source(%dma_start3A_104 : memref<56x128xi32, #tpu.memory_space<hbm>>) target(%dma_start3A_101 : memref<56x128xi32, #tpu.memory_space<vmem>>) target_semaphore(%run_scoped3A_92 : memref<!tpu.dma_semaphore, #tpu.memory_space<semaphore_mem>>)
        %dma_wait3A_105 = arith.constant 0 : i32
        %dma_wait3A_106 = arith.constant 0 : i32
        %dma_wait3A_107 = tpu.memref_slice %arg7[%dma_wait3A_105, %dma_wait3A_106] : memref<56x128xi32, #tpu.memory_space<vmem>> -> memref<56x128xi32, #tpu.memory_space<vmem>>
        %dma_wait3A_108 = arith.constant 0 : i32
        %dma_wait3A_109 = tpu.memref_slice %arg3[%run_scoped3A_33, %multiple_of3A, %dma_wait3A_108] : memref<2x2560x128xi32, #tpu.memory_space<hbm>> -> memref<1x56x128xi32, #tpu.memory_space<hbm>>
        %dma_wait3A_110 = tpu.memref_squeeze %dma_wait3A_109 : memref<1x56x128xi32, #tpu.memory_space<hbm>> -> memref<56x128xi32, #tpu.memory_space<hbm>>
        %dma_wait3A_111 = arith.constant 0 : i32
        %dma_wait3A_112 = arith.constant 0 : i32
        %dma_wait3A_113 = tpu.memref_slice %arg7[%dma_wait3A_111, %dma_wait3A_112] : memref<56x128xi32, #tpu.memory_space<vmem>> -> memref<56x128xi32, #tpu.memory_space<vmem>>
        %dma_wait3A_114 = arith.constant 0 : i32
        %dma_wait3A_115 = tpu.memref_slice %arg3[%run_scoped3A_33, %multiple_of3A, %dma_wait3A_114] : memref<2x2560x128xi32, #tpu.memory_space<hbm>> -> memref<1x56x128xi32, #tpu.memory_space<hbm>>
        %dma_wait3A_116 = tpu.memref_squeeze %dma_wait3A_115 : memref<1x56x128xi32, #tpu.memory_space<hbm>> -> memref<56x128xi32, #tpu.memory_space<hbm>>
        tpu.wait_dma2 semaphore(%run_scoped3A_92 : memref<!tpu.dma_semaphore, #tpu.memory_space<semaphore_mem>>) src(%dma_wait3A_116 : memref<56x128xi32, #tpu.memory_space<hbm>>) dst(%dma_wait3A_113 : memref<56x128xi32, #tpu.memory_space<vmem>>)
        tpu.yield
      }) : () -> ()
      %dma_start3A = arith.constant 0 : i32
      %dma_start3A_34 = arith.constant 0 : i32
      %dma_start3A_35 = arith.constant 0 : i32
      %dma_start3A_36 = tpu.memref_slice %arg8[%cond3A_10, %dma_start3A_34, %dma_start3A_35] : memref<2x128x128xf32, #tpu.memory_space<vmem>> -> memref<1x128x128xf32, #tpu.memory_space<vmem>>
      %dma_start3A_37 = tpu.memref_squeeze %dma_start3A_36 : memref<1x128x128xf32, #tpu.memory_space<vmem>> -> memref<128x128xf32, #tpu.memory_space<vmem>>
      %dma_start3A_38 = arith.constant 0 : i32
      %dma_start3A_39 = tpu.memref_slice %arg6[%dma_start3A, %dma_start3A_38] : memref<56x128xi32, #tpu.memory_space<vmem>> -> memref<1x128xi32, #tpu.memory_space<vmem>>
      %dma_start3A_40 = tpu.memref_squeeze %dma_start3A_39 : memref<1x128xi32, #tpu.memory_space<vmem>> -> memref<128xi32, #tpu.memory_space<vmem>>
      %dma_start3A_41 = arith.constant 0 : i32
      %dma_start3A_42 = arith.constant 0 : i32
      %dma_start3A_43 = tpu.memref_slice %arg2[%dma_start3A_41, %dma_start3A_42] : memref<10000x128xf32, #tpu.memory_space<hbm>> -> memref<10000x128xf32, #tpu.memory_space<hbm>>
      tpu.enqueue_indirect_dma source(%dma_start3A_43 : memref<10000x128xf32, #tpu.memory_space<hbm>>) target(%dma_start3A_37 : memref<128x128xf32, #tpu.memory_space<vmem>>) offsets(%dma_start3A_40 : memref<128xi32, #tpu.memory_space<vmem>>) semaphore(%arg10 : memref<!tpu.dma_semaphore, #tpu.memory_space<semaphore_mem>>)
      %scan3A = arith.constant 0 : i32
      %scan3A_44 = arith.constant 0 : i32
      %scan3A_45 = arith.constant 28 : i32
      %scan3A_46 = arith.addi %scan3A_44, %scan3A_45 : i32
      %scan3A_47 = arith.constant 1 : i32
      scf.for %scan3A_92 = %scan3A_44 to %scan3A_46 step %scan3A_47  : i32 {
        %mul3A_93 = arith.constant 2 : i32
        %mul3A_94 = arith.muli %mul3A_93, %scan3A_92 : i32
        %mul3A_95 = arith.constant 2 : i32
        %mul3A_96 = arith.muli %mul3A_95, %scan3A_92 : i32
        %add3A_97 = arith.constant 1 : i32
        %add3A_98 = arith.addi %mul3A_96, %add3A_97 : i32
        %gt3A = arith.constant 0 : i32
        %gt3A_99 = arith.cmpi sgt, %scan3A_92, %gt3A : i32
        %convert_element_type3A_100 = arith.extui %gt3A_99 : i1 to i32
        %cond3A_101 = arith.constant 0 : i32
        %cond3A_102 = arith.cmpi ne, %convert_element_type3A_100, %cond3A_101 : i32
        scf.if %cond3A_102 {
          %sub3A = arith.constant 1 : i32
          %sub3A_168 = arith.subi %mul3A_94, %sub3A : i32
          %dma_wait3A_169 = arith.constant 0 : i32
          %dma_wait3A_170 = arith.constant 0 : i32
          %dma_wait3A_171 = tpu.memref_slice %arg8[%cond3A_11, %dma_wait3A_169, %dma_wait3A_170] : memref<2x128x128xf32, #tpu.memory_space<vmem>> -> memref<1x128x128xf32, #tpu.memory_space<vmem>>
          %dma_wait3A_172 = tpu.memref_squeeze %dma_wait3A_171 : memref<1x128x128xf32, #tpu.memory_space<vmem>> -> memref<128x128xf32, #tpu.memory_space<vmem>>
          %dma_wait3A_173 = arith.constant 0 : i32
          %dma_wait3A_174 = tpu.memref_slice %arg6[%sub3A_168, %dma_wait3A_173] : memref<56x128xi32, #tpu.memory_space<vmem>> -> memref<1x128xi32, #tpu.memory_space<vmem>>
          %dma_wait3A_175 = tpu.memref_squeeze %dma_wait3A_174 : memref<1x128xi32, #tpu.memory_space<vmem>> -> memref<128xi32, #tpu.memory_space<vmem>>
          %dma_wait3A_176 = arith.constant 0 : i32
          %dma_wait3A_177 = arith.constant 0 : i32
          %dma_wait3A_178 = tpu.memref_slice %arg2[%dma_wait3A_176, %dma_wait3A_177] : memref<10000x128xf32, #tpu.memory_space<hbm>> -> memref<10000x128xf32, #tpu.memory_space<hbm>>
          tpu.wait_indirect_dma semaphore(%arg13 : memref<!tpu.dma_semaphore, #tpu.memory_space<semaphore_mem>>) src(%dma_wait3A_178 : memref<10000x128xf32, #tpu.memory_space<hbm>>) dst(%dma_wait3A_172 : memref<128x128xf32, #tpu.memory_space<vmem>>)
        } else {
        }
        %dma_start3A_103 = arith.constant 0 : i32
        %dma_start3A_104 = arith.constant 0 : i32
        %dma_start3A_105 = tpu.memref_slice %arg8[%cond3A_11, %dma_start3A_103, %dma_start3A_104] : memref<2x128x128xf32, #tpu.memory_space<vmem>> -> memref<1x128x128xf32, #tpu.memory_space<vmem>>
        %dma_start3A_106 = tpu.memref_squeeze %dma_start3A_105 : memref<1x128x128xf32, #tpu.memory_space<vmem>> -> memref<128x128xf32, #tpu.memory_space<vmem>>
        %dma_start3A_107 = arith.constant 0 : i32
        %dma_start3A_108 = tpu.memref_slice %arg6[%add3A_98, %dma_start3A_107] : memref<56x128xi32, #tpu.memory_space<vmem>> -> memref<1x128xi32, #tpu.memory_space<vmem>>
        %dma_start3A_109 = tpu.memref_squeeze %dma_start3A_108 : memref<1x128xi32, #tpu.memory_space<vmem>> -> memref<128xi32, #tpu.memory_space<vmem>>
        %dma_start3A_110 = arith.constant 0 : i32
        %dma_start3A_111 = arith.constant 0 : i32
        %dma_start3A_112 = tpu.memref_slice %arg2[%dma_start3A_110, %dma_start3A_111] : memref<10000x128xf32, #tpu.memory_space<hbm>> -> memref<10000x128xf32, #tpu.memory_space<hbm>>
        tpu.enqueue_indirect_dma source(%dma_start3A_112 : memref<10000x128xf32, #tpu.memory_space<hbm>>) target(%dma_start3A_106 : memref<128x128xf32, #tpu.memory_space<vmem>>) offsets(%dma_start3A_109 : memref<128xi32, #tpu.memory_space<vmem>>) semaphore(%arg11 : memref<!tpu.dma_semaphore, #tpu.memory_space<semaphore_mem>>)
        %dma_wait3A_113 = arith.constant 0 : i32
        %dma_wait3A_114 = arith.constant 0 : i32
        %dma_wait3A_115 = tpu.memref_slice %arg8[%cond3A_10, %dma_wait3A_113, %dma_wait3A_114] : memref<2x128x128xf32, #tpu.memory_space<vmem>> -> memref<1x128x128xf32, #tpu.memory_space<vmem>>
        %dma_wait3A_116 = tpu.memref_squeeze %dma_wait3A_115 : memref<1x128x128xf32, #tpu.memory_space<vmem>> -> memref<128x128xf32, #tpu.memory_space<vmem>>
        %dma_wait3A_117 = arith.constant 0 : i32
        %dma_wait3A_118 = tpu.memref_slice %arg6[%mul3A_94, %dma_wait3A_117] : memref<56x128xi32, #tpu.memory_space<vmem>> -> memref<1x128xi32, #tpu.memory_space<vmem>>
        %dma_wait3A_119 = tpu.memref_squeeze %dma_wait3A_118 : memref<1x128xi32, #tpu.memory_space<vmem>> -> memref<128xi32, #tpu.memory_space<vmem>>
        %dma_wait3A_120 = arith.constant 0 : i32
        %dma_wait3A_121 = arith.constant 0 : i32
        %dma_wait3A_122 = tpu.memref_slice %arg2[%dma_wait3A_120, %dma_wait3A_121] : memref<10000x128xf32, #tpu.memory_space<hbm>> -> memref<10000x128xf32, #tpu.memory_space<hbm>>
        tpu.wait_indirect_dma semaphore(%arg10 : memref<!tpu.dma_semaphore, #tpu.memory_space<semaphore_mem>>) src(%dma_wait3A_122 : memref<10000x128xf32, #tpu.memory_space<hbm>>) dst(%dma_wait3A_116 : memref<128x128xf32, #tpu.memory_space<vmem>>)
        %dma_start3A_123 = arith.constant 0 : i32
        %dma_start3A_124 = arith.constant 0 : i32
        %dma_start3A_125 = tpu.memref_slice %arg8[%cond3A_10, %dma_start3A_123, %dma_start3A_124] : memref<2x128x128xf32, #tpu.memory_space<vmem>> -> memref<1x128x128xf32, #tpu.memory_space<vmem>>
        %dma_start3A_126 = tpu.memref_squeeze %dma_start3A_125 : memref<1x128x128xf32, #tpu.memory_space<vmem>> -> memref<128x128xf32, #tpu.memory_space<vmem>>
        %dma_start3A_127 = arith.constant 0 : i32
        %dma_start3A_128 = tpu.memref_slice %arg7[%mul3A_94, %dma_start3A_127] : memref<56x128xi32, #tpu.memory_space<vmem>> -> memref<1x128xi32, #tpu.memory_space<vmem>>
        %dma_start3A_129 = tpu.memref_squeeze %dma_start3A_128 : memref<1x128xi32, #tpu.memory_space<vmem>> -> memref<128xi32, #tpu.memory_space<vmem>>
        %dma_start3A_130 = arith.constant 0 : i32
        %dma_start3A_131 = arith.constant 0 : i32
        %dma_start3A_132 = tpu.memref_slice %arg9[%dma_start3A_130, %dma_start3A_131] : memref<10008x128xf32, #tpu.memory_space<vmem_shared>> -> memref<10008x128xf32, #tpu.memory_space<vmem_shared>>
        tpu.enqueue_indirect_dma source(%dma_start3A_126 : memref<128x128xf32, #tpu.memory_space<vmem>>) target(%dma_start3A_132 : memref<10008x128xf32, #tpu.memory_space<vmem_shared>>) offsets(%dma_start3A_129 : memref<128xi32, #tpu.memory_space<vmem>>) semaphore(%arg12 : memref<!tpu.dma_semaphore, #tpu.memory_space<semaphore_mem>>) {add = true}
        %dma_wait3A_133 = arith.constant 0 : i32
        %dma_wait3A_134 = arith.constant 0 : i32
        %dma_wait3A_135 = tpu.memref_slice %arg8[%cond3A_11, %dma_wait3A_133, %dma_wait3A_134] : memref<2x128x128xf32, #tpu.memory_space<vmem>> -> memref<1x128x128xf32, #tpu.memory_space<vmem>>
        %dma_wait3A_136 = tpu.memref_squeeze %dma_wait3A_135 : memref<1x128x128xf32, #tpu.memory_space<vmem>> -> memref<128x128xf32, #tpu.memory_space<vmem>>
        %dma_wait3A_137 = arith.constant 0 : i32
        %dma_wait3A_138 = tpu.memref_slice %arg6[%add3A_98, %dma_wait3A_137] : memref<56x128xi32, #tpu.memory_space<vmem>> -> memref<1x128xi32, #tpu.memory_space<vmem>>
        %dma_wait3A_139 = tpu.memref_squeeze %dma_wait3A_138 : memref<1x128xi32, #tpu.memory_space<vmem>> -> memref<128xi32, #tpu.memory_space<vmem>>
        %dma_wait3A_140 = arith.constant 0 : i32
        %dma_wait3A_141 = arith.constant 0 : i32
        %dma_wait3A_142 = tpu.memref_slice %arg2[%dma_wait3A_140, %dma_wait3A_141] : memref<10000x128xf32, #tpu.memory_space<hbm>> -> memref<10000x128xf32, #tpu.memory_space<hbm>>
        tpu.wait_indirect_dma semaphore(%arg11 : memref<!tpu.dma_semaphore, #tpu.memory_space<semaphore_mem>>) src(%dma_wait3A_142 : memref<10000x128xf32, #tpu.memory_space<hbm>>) dst(%dma_wait3A_136 : memref<128x128xf32, #tpu.memory_space<vmem>>)
        %dma_start3A_143 = arith.constant 0 : i32
        %dma_start3A_144 = arith.constant 0 : i32
        %dma_start3A_145 = tpu.memref_slice %arg8[%cond3A_11, %dma_start3A_143, %dma_start3A_144] : memref<2x128x128xf32, #tpu.memory_space<vmem>> -> memref<1x128x128xf32, #tpu.memory_space<vmem>>
        %dma_start3A_146 = tpu.memref_squeeze %dma_start3A_145 : memref<1x128x128xf32, #tpu.memory_space<vmem>> -> memref<128x128xf32, #tpu.memory_space<vmem>>
        %dma_start3A_147 = arith.constant 0 : i32
        %dma_start3A_148 = tpu.memref_slice %arg7[%add3A_98, %dma_start3A_147] : memref<56x128xi32, #tpu.memory_space<vmem>> -> memref<1x128xi32, #tpu.memory_space<vmem>>
        %dma_start3A_149 = tpu.memref_squeeze %dma_start3A_148 : memref<1x128xi32, #tpu.memory_space<vmem>> -> memref<128xi32, #tpu.memory_space<vmem>>
        %dma_start3A_150 = arith.constant 0 : i32
        %dma_start3A_151 = arith.constant 0 : i32
        %dma_start3A_152 = tpu.memref_slice %arg9[%dma_start3A_150, %dma_start3A_151] : memref<10008x128xf32, #tpu.memory_space<vmem_shared>> -> memref<10008x128xf32, #tpu.memory_space<vmem_shared>>
        tpu.enqueue_indirect_dma source(%dma_start3A_146 : memref<128x128xf32, #tpu.memory_space<vmem>>) target(%dma_start3A_152 : memref<10008x128xf32, #tpu.memory_space<vmem_shared>>) offsets(%dma_start3A_149 : memref<128xi32, #tpu.memory_space<vmem>>) semaphore(%arg13 : memref<!tpu.dma_semaphore, #tpu.memory_space<semaphore_mem>>) {add = true}
        %dma_wait3A_153 = arith.constant 0 : i32
        %dma_wait3A_154 = arith.constant 0 : i32
        %dma_wait3A_155 = tpu.memref_slice %arg8[%cond3A_10, %dma_wait3A_153, %dma_wait3A_154] : memref<2x128x128xf32, #tpu.memory_space<vmem>> -> memref<1x128x128xf32, #tpu.memory_space<vmem>>
        %dma_wait3A_156 = tpu.memref_squeeze %dma_wait3A_155 : memref<1x128x128xf32, #tpu.memory_space<vmem>> -> memref<128x128xf32, #tpu.memory_space<vmem>>
        %dma_wait3A_157 = arith.constant 0 : i32
        %dma_wait3A_158 = tpu.memref_slice %arg6[%mul3A_94, %dma_wait3A_157] : memref<56x128xi32, #tpu.memory_space<vmem>> -> memref<1x128xi32, #tpu.memory_space<vmem>>
        %dma_wait3A_159 = tpu.memref_squeeze %dma_wait3A_158 : memref<1x128xi32, #tpu.memory_space<vmem>> -> memref<128xi32, #tpu.memory_space<vmem>>
        %dma_wait3A_160 = arith.constant 0 : i32
        %dma_wait3A_161 = arith.constant 0 : i32
        %dma_wait3A_162 = tpu.memref_slice %arg2[%dma_wait3A_160, %dma_wait3A_161] : memref<10000x128xf32, #tpu.memory_space<hbm>> -> memref<10000x128xf32, #tpu.memory_space<hbm>>
        tpu.wait_indirect_dma semaphore(%arg12 : memref<!tpu.dma_semaphore, #tpu.memory_space<semaphore_mem>>) src(%dma_wait3A_162 : memref<10000x128xf32, #tpu.memory_space<hbm>>) dst(%dma_wait3A_156 : memref<128x128xf32, #tpu.memory_space<vmem>>)
        %lt3A_163 = arith.constant 27 : i32
        %lt3A_164 = arith.cmpi slt, %scan3A_92, %lt3A_163 : i32
        %convert_element_type3A_165 = arith.extui %lt3A_164 : i1 to i32
        %cond3A_166 = arith.constant 0 : i32
        %cond3A_167 = arith.cmpi ne, %convert_element_type3A_165, %cond3A_166 : i32
        scf.if %cond3A_167 {
          %add3A_168 = arith.constant 2 : i32
          %add3A_169 = arith.addi %mul3A_94, %add3A_168 : i32
          %dma_start3A_170 = arith.constant 0 : i32
          %dma_start3A_171 = arith.constant 0 : i32
          %dma_start3A_172 = tpu.memref_slice %arg8[%cond3A_10, %dma_start3A_170, %dma_start3A_171] : memref<2x128x128xf32, #tpu.memory_space<vmem>> -> memref<1x128x128xf32, #tpu.memory_space<vmem>>
          %dma_start3A_173 = tpu.memref_squeeze %dma_start3A_172 : memref<1x128x128xf32, #tpu.memory_space<vmem>> -> memref<128x128xf32, #tpu.memory_space<vmem>>
          %dma_start3A_174 = arith.constant 0 : i32
          %dma_start3A_175 = tpu.memref_slice %arg6[%add3A_169, %dma_start3A_174] : memref<56x128xi32, #tpu.memory_space<vmem>> -> memref<1x128xi32, #tpu.memory_space<vmem>>
          %dma_start3A_176 = tpu.memref_squeeze %dma_start3A_175 : memref<1x128xi32, #tpu.memory_space<vmem>> -> memref<128xi32, #tpu.memory_space<vmem>>
          %dma_start3A_177 = arith.constant 0 : i32
          %dma_start3A_178 = arith.constant 0 : i32
          %dma_start3A_179 = tpu.memref_slice %arg2[%dma_start3A_177, %dma_start3A_178] : memref<10000x128xf32, #tpu.memory_space<hbm>> -> memref<10000x128xf32, #tpu.memory_space<hbm>>
          tpu.enqueue_indirect_dma source(%dma_start3A_179 : memref<10000x128xf32, #tpu.memory_space<hbm>>) target(%dma_start3A_173 : memref<128x128xf32, #tpu.memory_space<vmem>>) offsets(%dma_start3A_176 : memref<128xi32, #tpu.memory_space<vmem>>) semaphore(%arg10 : memref<!tpu.dma_semaphore, #tpu.memory_space<semaphore_mem>>)
        } else {
        }
      }
      %scan3A_48 = arith.constant 28 : i32
      %dma_wait3A = arith.constant 55 : i32
      %dma_wait3A_49 = arith.constant 0 : i32
      %dma_wait3A_50 = arith.constant 0 : i32
      %dma_wait3A_51 = tpu.memref_slice %arg8[%cond3A_11, %dma_wait3A_49, %dma_wait3A_50] : memref<2x128x128xf32, #tpu.memory_space<vmem>> -> memref<1x128x128xf32, #tpu.memory_space<vmem>>
      %dma_wait3A_52 = tpu.memref_squeeze %dma_wait3A_51 : memref<1x128x128xf32, #tpu.memory_space<vmem>> -> memref<128x128xf32, #tpu.memory_space<vmem>>
      %dma_wait3A_53 = arith.constant 0 : i32
      %dma_wait3A_54 = tpu.memref_slice %arg6[%dma_wait3A, %dma_wait3A_53] : memref<56x128xi32, #tpu.memory_space<vmem>> -> memref<1x128xi32, #tpu.memory_space<vmem>>
      %dma_wait3A_55 = tpu.memref_squeeze %dma_wait3A_54 : memref<1x128xi32, #tpu.memory_space<vmem>> -> memref<128xi32, #tpu.memory_space<vmem>>
      %dma_wait3A_56 = arith.constant 0 : i32
      %dma_wait3A_57 = arith.constant 0 : i32
      %dma_wait3A_58 = tpu.memref_slice %arg2[%dma_wait3A_56, %dma_wait3A_57] : memref<10000x128xf32, #tpu.memory_space<hbm>> -> memref<10000x128xf32, #tpu.memory_space<hbm>>
      tpu.wait_indirect_dma semaphore(%arg13 : memref<!tpu.dma_semaphore, #tpu.memory_space<semaphore_mem>>) src(%dma_wait3A_58 : memref<10000x128xf32, #tpu.memory_space<hbm>>) dst(%dma_wait3A_52 : memref<128x128xf32, #tpu.memory_space<vmem>>)
      %add3A_59 = arith.constant 56 : i32
      %add3A_60 = arith.addi %mul3A_6, %add3A_59 : i32
      %multiple_of3A_61 = tpu.assume_multiple %add3A_60, 8 : i32
      %run_scoped3A_62 = arith.constant 0 : i32
      "tpu.region"() ({
        %run_scoped3A_92 = tpu.sem_alloc : memref<!tpu.dma_semaphore, #tpu.memory_space<semaphore_mem>>
        %dma_start3A_93 = arith.constant 0 : i32
        %dma_start3A_94 = arith.constant 0 : i32
        %dma_start3A_95 = tpu.memref_slice %arg6[%dma_start3A_93, %dma_start3A_94] : memref<56x128xi32, #tpu.memory_space<vmem>> -> memref<56x128xi32, #tpu.memory_space<vmem>>
        %dma_start3A_96 = arith.constant 0 : i32
        %dma_start3A_97 = tpu.memref_slice %arg3[%run_scoped3A_62, %multiple_of3A_61, %dma_start3A_96] : memref<2x2560x128xi32, #tpu.memory_space<hbm>> -> memref<1x56x128xi32, #tpu.memory_space<hbm>>
        %dma_start3A_98 = tpu.memref_squeeze %dma_start3A_97 : memref<1x56x128xi32, #tpu.memory_space<hbm>> -> memref<56x128xi32, #tpu.memory_space<hbm>>
        %dma_start3A_99 = arith.constant 0 : i32
        %dma_start3A_100 = arith.constant 0 : i32
        %dma_start3A_101 = tpu.memref_slice %arg6[%dma_start3A_99, %dma_start3A_100] : memref<56x128xi32, #tpu.memory_space<vmem>> -> memref<56x128xi32, #tpu.memory_space<vmem>>
        %dma_start3A_102 = arith.constant 0 : i32
        %dma_start3A_103 = tpu.memref_slice %arg3[%run_scoped3A_62, %multiple_of3A_61, %dma_start3A_102] : memref<2x2560x128xi32, #tpu.memory_space<hbm>> -> memref<1x56x128xi32, #tpu.memory_space<hbm>>
        %dma_start3A_104 = tpu.memref_squeeze %dma_start3A_103 : memref<1x56x128xi32, #tpu.memory_space<hbm>> -> memref<56x128xi32, #tpu.memory_space<hbm>>
        tpu.enqueue_dma source(%dma_start3A_104 : memref<56x128xi32, #tpu.memory_space<hbm>>) target(%dma_start3A_101 : memref<56x128xi32, #tpu.memory_space<vmem>>) target_semaphore(%run_scoped3A_92 : memref<!tpu.dma_semaphore, #tpu.memory_space<semaphore_mem>>)
        %dma_wait3A_105 = arith.constant 0 : i32
        %dma_wait3A_106 = arith.constant 0 : i32
        %dma_wait3A_107 = tpu.memref_slice %arg6[%dma_wait3A_105, %dma_wait3A_106] : memref<56x128xi32, #tpu.memory_space<vmem>> -> memref<56x128xi32, #tpu.memory_space<vmem>>
        %dma_wait3A_108 = arith.constant 0 : i32
        %dma_wait3A_109 = tpu.memref_slice %arg3[%run_scoped3A_62, %multiple_of3A_61, %dma_wait3A_108] : memref<2x2560x128xi32, #tpu.memory_space<hbm>> -> memref<1x56x128xi32, #tpu.memory_space<hbm>>
        %dma_wait3A_110 = tpu.memref_squeeze %dma_wait3A_109 : memref<1x56x128xi32, #tpu.memory_space<hbm>> -> memref<56x128xi32, #tpu.memory_space<hbm>>
        %dma_wait3A_111 = arith.constant 0 : i32
        %dma_wait3A_112 = arith.constant 0 : i32
        %dma_wait3A_113 = tpu.memref_slice %arg6[%dma_wait3A_111, %dma_wait3A_112] : memref<56x128xi32, #tpu.memory_space<vmem>> -> memref<56x128xi32, #tpu.memory_space<vmem>>
        %dma_wait3A_114 = arith.constant 0 : i32
        %dma_wait3A_115 = tpu.memref_slice %arg3[%run_scoped3A_62, %multiple_of3A_61, %dma_wait3A_114] : memref<2x2560x128xi32, #tpu.memory_space<hbm>> -> memref<1x56x128xi32, #tpu.memory_space<hbm>>
        %dma_wait3A_116 = tpu.memref_squeeze %dma_wait3A_115 : memref<1x56x128xi32, #tpu.memory_space<hbm>> -> memref<56x128xi32, #tpu.memory_space<hbm>>
        tpu.wait_dma2 semaphore(%run_scoped3A_92 : memref<!tpu.dma_semaphore, #tpu.memory_space<semaphore_mem>>) src(%dma_wait3A_116 : memref<56x128xi32, #tpu.memory_space<hbm>>) dst(%dma_wait3A_113 : memref<56x128xi32, #tpu.memory_space<vmem>>)
        tpu.yield
      }) : () -> ()
      %run_scoped3A_63 = arith.constant 1 : i32
      "tpu.region"() ({
        %run_scoped3A_92 = tpu.sem_alloc : memref<!tpu.dma_semaphore, #tpu.memory_space<semaphore_mem>>
        %dma_start3A_93 = arith.constant 0 : i32
        %dma_start3A_94 = arith.constant 0 : i32
        %dma_start3A_95 = tpu.memref_slice %arg7[%dma_start3A_93, %dma_start3A_94] : memref<56x128xi32, #tpu.memory_space<vmem>> -> memref<56x128xi32, #tpu.memory_space<vmem>>
        %dma_start3A_96 = arith.constant 0 : i32
        %dma_start3A_97 = tpu.memref_slice %arg3[%run_scoped3A_63, %multiple_of3A_61, %dma_start3A_96] : memref<2x2560x128xi32, #tpu.memory_space<hbm>> -> memref<1x56x128xi32, #tpu.memory_space<hbm>>
        %dma_start3A_98 = tpu.memref_squeeze %dma_start3A_97 : memref<1x56x128xi32, #tpu.memory_space<hbm>> -> memref<56x128xi32, #tpu.memory_space<hbm>>
        %dma_start3A_99 = arith.constant 0 : i32
        %dma_start3A_100 = arith.constant 0 : i32
        %dma_start3A_101 = tpu.memref_slice %arg7[%dma_start3A_99, %dma_start3A_100] : memref<56x128xi32, #tpu.memory_space<vmem>> -> memref<56x128xi32, #tpu.memory_space<vmem>>
        %dma_start3A_102 = arith.constant 0 : i32
        %dma_start3A_103 = tpu.memref_slice %arg3[%run_scoped3A_63, %multiple_of3A_61, %dma_start3A_102] : memref<2x2560x128xi32, #tpu.memory_space<hbm>> -> memref<1x56x128xi32, #tpu.memory_space<hbm>>
        %dma_start3A_104 = tpu.memref_squeeze %dma_start3A_103 : memref<1x56x128xi32, #tpu.memory_space<hbm>> -> memref<56x128xi32, #tpu.memory_space<hbm>>
        tpu.enqueue_dma source(%dma_start3A_104 : memref<56x128xi32, #tpu.memory_space<hbm>>) target(%dma_start3A_101 : memref<56x128xi32, #tpu.memory_space<vmem>>) target_semaphore(%run_scoped3A_92 : memref<!tpu.dma_semaphore, #tpu.memory_space<semaphore_mem>>)
        %dma_wait3A_105 = arith.constant 0 : i32
        %dma_wait3A_106 = arith.constant 0 : i32
        %dma_wait3A_107 = tpu.memref_slice %arg7[%dma_wait3A_105, %dma_wait3A_106] : memref<56x128xi32, #tpu.memory_space<vmem>> -> memref<56x128xi32, #tpu.memory_space<vmem>>
        %dma_wait3A_108 = arith.constant 0 : i32
        %dma_wait3A_109 = tpu.memref_slice %arg3[%run_scoped3A_63, %multiple_of3A_61, %dma_wait3A_108] : memref<2x2560x128xi32, #tpu.memory_space<hbm>> -> memref<1x56x128xi32, #tpu.memory_space<hbm>>
        %dma_wait3A_110 = tpu.memref_squeeze %dma_wait3A_109 : memref<1x56x128xi32, #tpu.memory_space<hbm>> -> memref<56x128xi32, #tpu.memory_space<hbm>>
        %dma_wait3A_111 = arith.constant 0 : i32
        %dma_wait3A_112 = arith.constant 0 : i32
        %dma_wait3A_113 = tpu.memref_slice %arg7[%dma_wait3A_111, %dma_wait3A_112] : memref<56x128xi32, #tpu.memory_space<vmem>> -> memref<56x128xi32, #tpu.memory_space<vmem>>
        %dma_wait3A_114 = arith.constant 0 : i32
        %dma_wait3A_115 = tpu.memref_slice %arg3[%run_scoped3A_63, %multiple_of3A_61, %dma_wait3A_114] : memref<2x2560x128xi32, #tpu.memory_space<hbm>> -> memref<1x56x128xi32, #tpu.memory_space<hbm>>
        %dma_wait3A_116 = tpu.memref_squeeze %dma_wait3A_115 : memref<1x56x128xi32, #tpu.memory_space<hbm>> -> memref<56x128xi32, #tpu.memory_space<hbm>>
        tpu.wait_dma2 semaphore(%run_scoped3A_92 : memref<!tpu.dma_semaphore, #tpu.memory_space<semaphore_mem>>) src(%dma_wait3A_116 : memref<56x128xi32, #tpu.memory_space<hbm>>) dst(%dma_wait3A_113 : memref<56x128xi32, #tpu.memory_space<vmem>>)
        tpu.yield
      }) : () -> ()
      %dma_start3A_64 = arith.constant 0 : i32
      %dma_start3A_65 = arith.constant 0 : i32
      %dma_start3A_66 = arith.constant 0 : i32
      %dma_start3A_67 = tpu.memref_slice %arg8[%cond3A_10, %dma_start3A_65, %dma_start3A_66] : memref<2x128x128xf32, #tpu.memory_space<vmem>> -> memref<1x128x128xf32, #tpu.memory_space<vmem>>
      %dma_start3A_68 = tpu.memref_squeeze %dma_start3A_67 : memref<1x128x128xf32, #tpu.memory_space<vmem>> -> memref<128x128xf32, #tpu.memory_space<vmem>>
      %dma_start3A_69 = arith.constant 0 : i32
      %dma_start3A_70 = tpu.memref_slice %arg6[%dma_start3A_64, %dma_start3A_69] : memref<56x128xi32, #tpu.memory_space<vmem>> -> memref<1x128xi32, #tpu.memory_space<vmem>>
      %dma_start3A_71 = tpu.memref_squeeze %dma_start3A_70 : memref<1x128xi32, #tpu.memory_space<vmem>> -> memref<128xi32, #tpu.memory_space<vmem>>
      %dma_start3A_72 = arith.constant 0 : i32
      %dma_start3A_73 = arith.constant 0 : i32
      %dma_start3A_74 = tpu.memref_slice %arg2[%dma_start3A_72, %dma_start3A_73] : memref<10000x128xf32, #tpu.memory_space<hbm>> -> memref<10000x128xf32, #tpu.memory_space<hbm>>
      tpu.enqueue_indirect_dma source(%dma_start3A_74 : memref<10000x128xf32, #tpu.memory_space<hbm>>) target(%dma_start3A_68 : memref<128x128xf32, #tpu.memory_space<vmem>>) offsets(%dma_start3A_71 : memref<128xi32, #tpu.memory_space<vmem>>) semaphore(%arg10 : memref<!tpu.dma_semaphore, #tpu.memory_space<semaphore_mem>>)
      %scan3A_75 = arith.constant 0 : i32
      %scan3A_76 = arith.constant 0 : i32
      %scan3A_77 = arith.constant 28 : i32
      %scan3A_78 = arith.addi %scan3A_76, %scan3A_77 : i32
      %scan3A_79 = arith.constant 1 : i32
      scf.for %scan3A_92 = %scan3A_76 to %scan3A_78 step %scan3A_79  : i32 {
        %mul3A_93 = arith.constant 2 : i32
        %mul3A_94 = arith.muli %mul3A_93, %scan3A_92 : i32
        %mul3A_95 = arith.constant 2 : i32
        %mul3A_96 = arith.muli %mul3A_95, %scan3A_92 : i32
        %add3A_97 = arith.constant 1 : i32
        %add3A_98 = arith.addi %mul3A_96, %add3A_97 : i32
        %gt3A = arith.constant 0 : i32
        %gt3A_99 = arith.cmpi sgt, %scan3A_92, %gt3A : i32
        %convert_element_type3A_100 = arith.extui %gt3A_99 : i1 to i32
        %cond3A_101 = arith.constant 0 : i32
        %cond3A_102 = arith.cmpi ne, %convert_element_type3A_100, %cond3A_101 : i32
        scf.if %cond3A_102 {
          %sub3A = arith.constant 1 : i32
          %sub3A_168 = arith.subi %mul3A_94, %sub3A : i32
          %dma_wait3A_169 = arith.constant 0 : i32
          %dma_wait3A_170 = arith.constant 0 : i32
          %dma_wait3A_171 = tpu.memref_slice %arg8[%cond3A_11, %dma_wait3A_169, %dma_wait3A_170] : memref<2x128x128xf32, #tpu.memory_space<vmem>> -> memref<1x128x128xf32, #tpu.memory_space<vmem>>
          %dma_wait3A_172 = tpu.memref_squeeze %dma_wait3A_171 : memref<1x128x128xf32, #tpu.memory_space<vmem>> -> memref<128x128xf32, #tpu.memory_space<vmem>>
          %dma_wait3A_173 = arith.constant 0 : i32
          %dma_wait3A_174 = tpu.memref_slice %arg6[%sub3A_168, %dma_wait3A_173] : memref<56x128xi32, #tpu.memory_space<vmem>> -> memref<1x128xi32, #tpu.memory_space<vmem>>
          %dma_wait3A_175 = tpu.memref_squeeze %dma_wait3A_174 : memref<1x128xi32, #tpu.memory_space<vmem>> -> memref<128xi32, #tpu.memory_space<vmem>>
          %dma_wait3A_176 = arith.constant 0 : i32
          %dma_wait3A_177 = arith.constant 0 : i32
          %dma_wait3A_178 = tpu.memref_slice %arg2[%dma_wait3A_176, %dma_wait3A_177] : memref<10000x128xf32, #tpu.memory_space<hbm>> -> memref<10000x128xf32, #tpu.memory_space<hbm>>
          tpu.wait_indirect_dma semaphore(%arg13 : memref<!tpu.dma_semaphore, #tpu.memory_space<semaphore_mem>>) src(%dma_wait3A_178 : memref<10000x128xf32, #tpu.memory_space<hbm>>) dst(%dma_wait3A_172 : memref<128x128xf32, #tpu.memory_space<vmem>>)
        } else {
        }
        %dma_start3A_103 = arith.constant 0 : i32
        %dma_start3A_104 = arith.constant 0 : i32
        %dma_start3A_105 = tpu.memref_slice %arg8[%cond3A_11, %dma_start3A_103, %dma_start3A_104] : memref<2x128x128xf32, #tpu.memory_space<vmem>> -> memref<1x128x128xf32, #tpu.memory_space<vmem>>
        %dma_start3A_106 = tpu.memref_squeeze %dma_start3A_105 : memref<1x128x128xf32, #tpu.memory_space<vmem>> -> memref<128x128xf32, #tpu.memory_space<vmem>>
        %dma_start3A_107 = arith.constant 0 : i32
        %dma_start3A_108 = tpu.memref_slice %arg6[%add3A_98, %dma_start3A_107] : memref<56x128xi32, #tpu.memory_space<vmem>> -> memref<1x128xi32, #tpu.memory_space<vmem>>
        %dma_start3A_109 = tpu.memref_squeeze %dma_start3A_108 : memref<1x128xi32, #tpu.memory_space<vmem>> -> memref<128xi32, #tpu.memory_space<vmem>>
        %dma_start3A_110 = arith.constant 0 : i32
        %dma_start3A_111 = arith.constant 0 : i32
        %dma_start3A_112 = tpu.memref_slice %arg2[%dma_start3A_110, %dma_start3A_111] : memref<10000x128xf32, #tpu.memory_space<hbm>> -> memref<10000x128xf32, #tpu.memory_space<hbm>>
        tpu.enqueue_indirect_dma source(%dma_start3A_112 : memref<10000x128xf32, #tpu.memory_space<hbm>>) target(%dma_start3A_106 : memref<128x128xf32, #tpu.memory_space<vmem>>) offsets(%dma_start3A_109 : memref<128xi32, #tpu.memory_space<vmem>>) semaphore(%arg11 : memref<!tpu.dma_semaphore, #tpu.memory_space<semaphore_mem>>)
        %dma_wait3A_113 = arith.constant 0 : i32
        %dma_wait3A_114 = arith.constant 0 : i32
        %dma_wait3A_115 = tpu.memref_slice %arg8[%cond3A_10, %dma_wait3A_113, %dma_wait3A_114] : memref<2x128x128xf32, #tpu.memory_space<vmem>> -> memref<1x128x128xf32, #tpu.memory_space<vmem>>
        %dma_wait3A_116 = tpu.memref_squeeze %dma_wait3A_115 : memref<1x128x128xf32, #tpu.memory_space<vmem>> -> memref<128x128xf32, #tpu.memory_space<vmem>>
        %dma_wait3A_117 = arith.constant 0 : i32
        %dma_wait3A_118 = tpu.memref_slice %arg6[%mul3A_94, %dma_wait3A_117] : memref<56x128xi32, #tpu.memory_space<vmem>> -> memref<1x128xi32, #tpu.memory_space<vmem>>
        %dma_wait3A_119 = tpu.memref_squeeze %dma_wait3A_118 : memref<1x128xi32, #tpu.memory_space<vmem>> -> memref<128xi32, #tpu.memory_space<vmem>>
        %dma_wait3A_120 = arith.constant 0 : i32
        %dma_wait3A_121 = arith.constant 0 : i32
        %dma_wait3A_122 = tpu.memref_slice %arg2[%dma_wait3A_120, %dma_wait3A_121] : memref<10000x128xf32, #tpu.memory_space<hbm>> -> memref<10000x128xf32, #tpu.memory_space<hbm>>
        tpu.wait_indirect_dma semaphore(%arg10 : memref<!tpu.dma_semaphore, #tpu.memory_space<semaphore_mem>>) src(%dma_wait3A_122 : memref<10000x128xf32, #tpu.memory_space<hbm>>) dst(%dma_wait3A_116 : memref<128x128xf32, #tpu.memory_space<vmem>>)
        %dma_start3A_123 = arith.constant 0 : i32
        %dma_start3A_124 = arith.constant 0 : i32
        %dma_start3A_125 = tpu.memref_slice %arg8[%cond3A_10, %dma_start3A_123, %dma_start3A_124] : memref<2x128x128xf32, #tpu.memory_space<vmem>> -> memref<1x128x128xf32, #tpu.memory_space<vmem>>
        %dma_start3A_126 = tpu.memref_squeeze %dma_start3A_125 : memref<1x128x128xf32, #tpu.memory_space<vmem>> -> memref<128x128xf32, #tpu.memory_space<vmem>>
        %dma_start3A_127 = arith.constant 0 : i32
        %dma_start3A_128 = tpu.memref_slice %arg7[%mul3A_94, %dma_start3A_127] : memref<56x128xi32, #tpu.memory_space<vmem>> -> memref<1x128xi32, #tpu.memory_space<vmem>>
        %dma_start3A_129 = tpu.memref_squeeze %dma_start3A_128 : memref<1x128xi32, #tpu.memory_space<vmem>> -> memref<128xi32, #tpu.memory_space<vmem>>
        %dma_start3A_130 = arith.constant 0 : i32
        %dma_start3A_131 = arith.constant 0 : i32
        %dma_start3A_132 = tpu.memref_slice %arg9[%dma_start3A_130, %dma_start3A_131] : memref<10008x128xf32, #tpu.memory_space<vmem_shared>> -> memref<10008x128xf32, #tpu.memory_space<vmem_shared>>
        tpu.enqueue_indirect_dma source(%dma_start3A_126 : memref<128x128xf32, #tpu.memory_space<vmem>>) target(%dma_start3A_132 : memref<10008x128xf32, #tpu.memory_space<vmem_shared>>) offsets(%dma_start3A_129 : memref<128xi32, #tpu.memory_space<vmem>>) semaphore(%arg12 : memref<!tpu.dma_semaphore, #tpu.memory_space<semaphore_mem>>) {add = true}
        %dma_wait3A_133 = arith.constant 0 : i32
        %dma_wait3A_134 = arith.constant 0 : i32
        %dma_wait3A_135 = tpu.memref_slice %arg8[%cond3A_11, %dma_wait3A_133, %dma_wait3A_134] : memref<2x128x128xf32, #tpu.memory_space<vmem>> -> memref<1x128x128xf32, #tpu.memory_space<vmem>>
        %dma_wait3A_136 = tpu.memref_squeeze %dma_wait3A_135 : memref<1x128x128xf32, #tpu.memory_space<vmem>> -> memref<128x128xf32, #tpu.memory_space<vmem>>
        %dma_wait3A_137 = arith.constant 0 : i32
        %dma_wait3A_138 = tpu.memref_slice %arg6[%add3A_98, %dma_wait3A_137] : memref<56x128xi32, #tpu.memory_space<vmem>> -> memref<1x128xi32, #tpu.memory_space<vmem>>
        %dma_wait3A_139 = tpu.memref_squeeze %dma_wait3A_138 : memref<1x128xi32, #tpu.memory_space<vmem>> -> memref<128xi32, #tpu.memory_space<vmem>>
        %dma_wait3A_140 = arith.constant 0 : i32
        %dma_wait3A_141 = arith.constant 0 : i32
        %dma_wait3A_142 = tpu.memref_slice %arg2[%dma_wait3A_140, %dma_wait3A_141] : memref<10000x128xf32, #tpu.memory_space<hbm>> -> memref<10000x128xf32, #tpu.memory_space<hbm>>
        tpu.wait_indirect_dma semaphore(%arg11 : memref<!tpu.dma_semaphore, #tpu.memory_space<semaphore_mem>>) src(%dma_wait3A_142 : memref<10000x128xf32, #tpu.memory_space<hbm>>) dst(%dma_wait3A_136 : memref<128x128xf32, #tpu.memory_space<vmem>>)
        %dma_start3A_143 = arith.constant 0 : i32
        %dma_start3A_144 = arith.constant 0 : i32
        %dma_start3A_145 = tpu.memref_slice %arg8[%cond3A_11, %dma_start3A_143, %dma_start3A_144] : memref<2x128x128xf32, #tpu.memory_space<vmem>> -> memref<1x128x128xf32, #tpu.memory_space<vmem>>
        %dma_start3A_146 = tpu.memref_squeeze %dma_start3A_145 : memref<1x128x128xf32, #tpu.memory_space<vmem>> -> memref<128x128xf32, #tpu.memory_space<vmem>>
        %dma_start3A_147 = arith.constant 0 : i32
        %dma_start3A_148 = tpu.memref_slice %arg7[%add3A_98, %dma_start3A_147] : memref<56x128xi32, #tpu.memory_space<vmem>> -> memref<1x128xi32, #tpu.memory_space<vmem>>
        %dma_start3A_149 = tpu.memref_squeeze %dma_start3A_148 : memref<1x128xi32, #tpu.memory_space<vmem>> -> memref<128xi32, #tpu.memory_space<vmem>>
        %dma_start3A_150 = arith.constant 0 : i32
        %dma_start3A_151 = arith.constant 0 : i32
        %dma_start3A_152 = tpu.memref_slice %arg9[%dma_start3A_150, %dma_start3A_151] : memref<10008x128xf32, #tpu.memory_space<vmem_shared>> -> memref<10008x128xf32, #tpu.memory_space<vmem_shared>>
        tpu.enqueue_indirect_dma source(%dma_start3A_146 : memref<128x128xf32, #tpu.memory_space<vmem>>) target(%dma_start3A_152 : memref<10008x128xf32, #tpu.memory_space<vmem_shared>>) offsets(%dma_start3A_149 : memref<128xi32, #tpu.memory_space<vmem>>) semaphore(%arg13 : memref<!tpu.dma_semaphore, #tpu.memory_space<semaphore_mem>>) {add = true}
        %dma_wait3A_153 = arith.constant 0 : i32
        %dma_wait3A_154 = arith.constant 0 : i32
        %dma_wait3A_155 = tpu.memref_slice %arg8[%cond3A_10, %dma_wait3A_153, %dma_wait3A_154] : memref<2x128x128xf32, #tpu.memory_space<vmem>> -> memref<1x128x128xf32, #tpu.memory_space<vmem>>
        %dma_wait3A_156 = tpu.memref_squeeze %dma_wait3A_155 : memref<1x128x128xf32, #tpu.memory_space<vmem>> -> memref<128x128xf32, #tpu.memory_space<vmem>>
        %dma_wait3A_157 = arith.constant 0 : i32
        %dma_wait3A_158 = tpu.memref_slice %arg6[%mul3A_94, %dma_wait3A_157] : memref<56x128xi32, #tpu.memory_space<vmem>> -> memref<1x128xi32, #tpu.memory_space<vmem>>
        %dma_wait3A_159 = tpu.memref_squeeze %dma_wait3A_158 : memref<1x128xi32, #tpu.memory_space<vmem>> -> memref<128xi32, #tpu.memory_space<vmem>>
        %dma_wait3A_160 = arith.constant 0 : i32
        %dma_wait3A_161 = arith.constant 0 : i32
        %dma_wait3A_162 = tpu.memref_slice %arg2[%dma_wait3A_160, %dma_wait3A_161] : memref<10000x128xf32, #tpu.memory_space<hbm>> -> memref<10000x128xf32, #tpu.memory_space<hbm>>
        tpu.wait_indirect_dma semaphore(%arg12 : memref<!tpu.dma_semaphore, #tpu.memory_space<semaphore_mem>>) src(%dma_wait3A_162 : memref<10000x128xf32, #tpu.memory_space<hbm>>) dst(%dma_wait3A_156 : memref<128x128xf32, #tpu.memory_space<vmem>>)
        %lt3A_163 = arith.constant 27 : i32
        %lt3A_164 = arith.cmpi slt, %scan3A_92, %lt3A_163 : i32
        %convert_element_type3A_165 = arith.extui %lt3A_164 : i1 to i32
        %cond3A_166 = arith.constant 0 : i32
        %cond3A_167 = arith.cmpi ne, %convert_element_type3A_165, %cond3A_166 : i32
        scf.if %cond3A_167 {
          %add3A_168 = arith.constant 2 : i32
          %add3A_169 = arith.addi %mul3A_94, %add3A_168 : i32
          %dma_start3A_170 = arith.constant 0 : i32
          %dma_start3A_171 = arith.constant 0 : i32
          %dma_start3A_172 = tpu.memref_slice %arg8[%cond3A_10, %dma_start3A_170, %dma_start3A_171] : memref<2x128x128xf32, #tpu.memory_space<vmem>> -> memref<1x128x128xf32, #tpu.memory_space<vmem>>
          %dma_start3A_173 = tpu.memref_squeeze %dma_start3A_172 : memref<1x128x128xf32, #tpu.memory_space<vmem>> -> memref<128x128xf32, #tpu.memory_space<vmem>>
          %dma_start3A_174 = arith.constant 0 : i32
          %dma_start3A_175 = tpu.memref_slice %arg6[%add3A_169, %dma_start3A_174] : memref<56x128xi32, #tpu.memory_space<vmem>> -> memref<1x128xi32, #tpu.memory_space<vmem>>
          %dma_start3A_176 = tpu.memref_squeeze %dma_start3A_175 : memref<1x128xi32, #tpu.memory_space<vmem>> -> memref<128xi32, #tpu.memory_space<vmem>>
          %dma_start3A_177 = arith.constant 0 : i32
          %dma_start3A_178 = arith.constant 0 : i32
          %dma_start3A_179 = tpu.memref_slice %arg2[%dma_start3A_177, %dma_start3A_178] : memref<10000x128xf32, #tpu.memory_space<hbm>> -> memref<10000x128xf32, #tpu.memory_space<hbm>>
          tpu.enqueue_indirect_dma source(%dma_start3A_179 : memref<10000x128xf32, #tpu.memory_space<hbm>>) target(%dma_start3A_173 : memref<128x128xf32, #tpu.memory_space<vmem>>) offsets(%dma_start3A_176 : memref<128xi32, #tpu.memory_space<vmem>>) semaphore(%arg10 : memref<!tpu.dma_semaphore, #tpu.memory_space<semaphore_mem>>)
        } else {
        }
      }
      %scan3A_80 = arith.constant 28 : i32
      %dma_wait3A_81 = arith.constant 55 : i32
      %dma_wait3A_82 = arith.constant 0 : i32
      %dma_wait3A_83 = arith.constant 0 : i32
      %dma_wait3A_84 = tpu.memref_slice %arg8[%cond3A_11, %dma_wait3A_82, %dma_wait3A_83] : memref<2x128x128xf32, #tpu.memory_space<vmem>> -> memref<1x128x128xf32, #tpu.memory_space<vmem>>
      %dma_wait3A_85 = tpu.memref_squeeze %dma_wait3A_84 : memref<1x128x128xf32, #tpu.memory_space<vmem>> -> memref<128x128xf32, #tpu.memory_space<vmem>>
      %dma_wait3A_86 = arith.constant 0 : i32
      %dma_wait3A_87 = tpu.memref_slice %arg6[%dma_wait3A_81, %dma_wait3A_86] : memref<56x128xi32, #tpu.memory_space<vmem>> -> memref<1x128xi32, #tpu.memory_space<vmem>>
      %dma_wait3A_88 = tpu.memref_squeeze %dma_wait3A_87 : memref<1x128xi32, #tpu.memory_space<vmem>> -> memref<128xi32, #tpu.memory_space<vmem>>
      %dma_wait3A_89 = arith.constant 0 : i32
      %dma_wait3A_90 = arith.constant 0 : i32
      %dma_wait3A_91 = tpu.memref_slice %arg2[%dma_wait3A_89, %dma_wait3A_90] : memref<10000x128xf32, #tpu.memory_space<hbm>> -> memref<10000x128xf32, #tpu.memory_space<hbm>>
      tpu.wait_indirect_dma semaphore(%arg13 : memref<!tpu.dma_semaphore, #tpu.memory_space<semaphore_mem>>) src(%dma_wait3A_91 : memref<10000x128xf32, #tpu.memory_space<hbm>>) dst(%dma_wait3A_85 : memref<128x128xf32, #tpu.memory_space<vmem>>)
    } else {
    }
    %eq3A_14 = arith.constant 1 : i32
    %eq3A_15 = arith.cmpi eq, %arg0, %eq3A_14 : i32
    %convert_element_type3A_16 = arith.extui %eq3A_15 : i1 to i32
    %cond3A_17 = arith.constant 0 : i32
    %cond3A_18 = arith.constant 1 : i32
    %cond3A_19 = arith.constant 0 : i32
    %cond3A_20 = arith.cmpi ne, %convert_element_type3A_16, %cond3A_19 : i32
    scf.if %cond3A_20 {
      %add3A = arith.constant 112 : i32
      %add3A_32 = arith.addi %mul3A_6, %add3A : i32
      %add3A_33 = arith.constant 0 : i32
      %add3A_34 = arith.addi %add3A_32, %add3A_33 : i32
      %multiple_of3A = tpu.assume_multiple %add3A_34, 8 : i32
      %run_scoped3A = arith.constant 0 : i32
      "tpu.region"() ({
        %run_scoped3A_94 = tpu.sem_alloc : memref<!tpu.dma_semaphore, #tpu.memory_space<semaphore_mem>>
        %dma_start3A_95 = arith.constant 0 : i32
        %dma_start3A_96 = arith.constant 0 : i32
        %dma_start3A_97 = tpu.memref_slice %arg6[%dma_start3A_95, %dma_start3A_96] : memref<56x128xi32, #tpu.memory_space<vmem>> -> memref<24x128xi32, #tpu.memory_space<vmem>>
        %dma_start3A_98 = arith.constant 0 : i32
        %dma_start3A_99 = tpu.memref_slice %arg3[%run_scoped3A, %multiple_of3A, %dma_start3A_98] : memref<2x2560x128xi32, #tpu.memory_space<hbm>> -> memref<1x24x128xi32, #tpu.memory_space<hbm>>
        %dma_start3A_100 = tpu.memref_squeeze %dma_start3A_99 : memref<1x24x128xi32, #tpu.memory_space<hbm>> -> memref<24x128xi32, #tpu.memory_space<hbm>>
        %dma_start3A_101 = arith.constant 0 : i32
        %dma_start3A_102 = arith.constant 0 : i32
        %dma_start3A_103 = tpu.memref_slice %arg6[%dma_start3A_101, %dma_start3A_102] : memref<56x128xi32, #tpu.memory_space<vmem>> -> memref<24x128xi32, #tpu.memory_space<vmem>>
        %dma_start3A_104 = arith.constant 0 : i32
        %dma_start3A_105 = tpu.memref_slice %arg3[%run_scoped3A, %multiple_of3A, %dma_start3A_104] : memref<2x2560x128xi32, #tpu.memory_space<hbm>> -> memref<1x24x128xi32, #tpu.memory_space<hbm>>
        %dma_start3A_106 = tpu.memref_squeeze %dma_start3A_105 : memref<1x24x128xi32, #tpu.memory_space<hbm>> -> memref<24x128xi32, #tpu.memory_space<hbm>>
        tpu.enqueue_dma source(%dma_start3A_106 : memref<24x128xi32, #tpu.memory_space<hbm>>) target(%dma_start3A_103 : memref<24x128xi32, #tpu.memory_space<vmem>>) target_semaphore(%run_scoped3A_94 : memref<!tpu.dma_semaphore, #tpu.memory_space<semaphore_mem>>)
        %dma_wait3A_107 = arith.constant 0 : i32
        %dma_wait3A_108 = arith.constant 0 : i32
        %dma_wait3A_109 = tpu.memref_slice %arg6[%dma_wait3A_107, %dma_wait3A_108] : memref<56x128xi32, #tpu.memory_space<vmem>> -> memref<24x128xi32, #tpu.memory_space<vmem>>
        %dma_wait3A_110 = arith.constant 0 : i32
        %dma_wait3A_111 = tpu.memref_slice %arg3[%run_scoped3A, %multiple_of3A, %dma_wait3A_110] : memref<2x2560x128xi32, #tpu.memory_space<hbm>> -> memref<1x24x128xi32, #tpu.memory_space<hbm>>
        %dma_wait3A_112 = tpu.memref_squeeze %dma_wait3A_111 : memref<1x24x128xi32, #tpu.memory_space<hbm>> -> memref<24x128xi32, #tpu.memory_space<hbm>>
        %dma_wait3A_113 = arith.constant 0 : i32
        %dma_wait3A_114 = arith.constant 0 : i32
        %dma_wait3A_115 = tpu.memref_slice %arg6[%dma_wait3A_113, %dma_wait3A_114] : memref<56x128xi32, #tpu.memory_space<vmem>> -> memref<24x128xi32, #tpu.memory_space<vmem>>
        %dma_wait3A_116 = arith.constant 0 : i32
        %dma_wait3A_117 = tpu.memref_slice %arg3[%run_scoped3A, %multiple_of3A, %dma_wait3A_116] : memref<2x2560x128xi32, #tpu.memory_space<hbm>> -> memref<1x24x128xi32, #tpu.memory_space<hbm>>
        %dma_wait3A_118 = tpu.memref_squeeze %dma_wait3A_117 : memref<1x24x128xi32, #tpu.memory_space<hbm>> -> memref<24x128xi32, #tpu.memory_space<hbm>>
        tpu.wait_dma2 semaphore(%run_scoped3A_94 : memref<!tpu.dma_semaphore, #tpu.memory_space<semaphore_mem>>) src(%dma_wait3A_118 : memref<24x128xi32, #tpu.memory_space<hbm>>) dst(%dma_wait3A_115 : memref<24x128xi32, #tpu.memory_space<vmem>>)
        tpu.yield
      }) : () -> ()
      %run_scoped3A_35 = arith.constant 1 : i32
      "tpu.region"() ({
        %run_scoped3A_94 = tpu.sem_alloc : memref<!tpu.dma_semaphore, #tpu.memory_space<semaphore_mem>>
        %dma_start3A_95 = arith.constant 0 : i32
        %dma_start3A_96 = arith.constant 0 : i32
        %dma_start3A_97 = tpu.memref_slice %arg7[%dma_start3A_95, %dma_start3A_96] : memref<56x128xi32, #tpu.memory_space<vmem>> -> memref<24x128xi32, #tpu.memory_space<vmem>>
        %dma_start3A_98 = arith.constant 0 : i32
        %dma_start3A_99 = tpu.memref_slice %arg3[%run_scoped3A_35, %multiple_of3A, %dma_start3A_98] : memref<2x2560x128xi32, #tpu.memory_space<hbm>> -> memref<1x24x128xi32, #tpu.memory_space<hbm>>
        %dma_start3A_100 = tpu.memref_squeeze %dma_start3A_99 : memref<1x24x128xi32, #tpu.memory_space<hbm>> -> memref<24x128xi32, #tpu.memory_space<hbm>>
        %dma_start3A_101 = arith.constant 0 : i32
        %dma_start3A_102 = arith.constant 0 : i32
        %dma_start3A_103 = tpu.memref_slice %arg7[%dma_start3A_101, %dma_start3A_102] : memref<56x128xi32, #tpu.memory_space<vmem>> -> memref<24x128xi32, #tpu.memory_space<vmem>>
        %dma_start3A_104 = arith.constant 0 : i32
        %dma_start3A_105 = tpu.memref_slice %arg3[%run_scoped3A_35, %multiple_of3A, %dma_start3A_104] : memref<2x2560x128xi32, #tpu.memory_space<hbm>> -> memref<1x24x128xi32, #tpu.memory_space<hbm>>
        %dma_start3A_106 = tpu.memref_squeeze %dma_start3A_105 : memref<1x24x128xi32, #tpu.memory_space<hbm>> -> memref<24x128xi32, #tpu.memory_space<hbm>>
        tpu.enqueue_dma source(%dma_start3A_106 : memref<24x128xi32, #tpu.memory_space<hbm>>) target(%dma_start3A_103 : memref<24x128xi32, #tpu.memory_space<vmem>>) target_semaphore(%run_scoped3A_94 : memref<!tpu.dma_semaphore, #tpu.memory_space<semaphore_mem>>)
        %dma_wait3A_107 = arith.constant 0 : i32
        %dma_wait3A_108 = arith.constant 0 : i32
        %dma_wait3A_109 = tpu.memref_slice %arg7[%dma_wait3A_107, %dma_wait3A_108] : memref<56x128xi32, #tpu.memory_space<vmem>> -> memref<24x128xi32, #tpu.memory_space<vmem>>
        %dma_wait3A_110 = arith.constant 0 : i32
        %dma_wait3A_111 = tpu.memref_slice %arg3[%run_scoped3A_35, %multiple_of3A, %dma_wait3A_110] : memref<2x2560x128xi32, #tpu.memory_space<hbm>> -> memref<1x24x128xi32, #tpu.memory_space<hbm>>
        %dma_wait3A_112 = tpu.memref_squeeze %dma_wait3A_111 : memref<1x24x128xi32, #tpu.memory_space<hbm>> -> memref<24x128xi32, #tpu.memory_space<hbm>>
        %dma_wait3A_113 = arith.constant 0 : i32
        %dma_wait3A_114 = arith.constant 0 : i32
        %dma_wait3A_115 = tpu.memref_slice %arg7[%dma_wait3A_113, %dma_wait3A_114] : memref<56x128xi32, #tpu.memory_space<vmem>> -> memref<24x128xi32, #tpu.memory_space<vmem>>
        %dma_wait3A_116 = arith.constant 0 : i32
        %dma_wait3A_117 = tpu.memref_slice %arg3[%run_scoped3A_35, %multiple_of3A, %dma_wait3A_116] : memref<2x2560x128xi32, #tpu.memory_space<hbm>> -> memref<1x24x128xi32, #tpu.memory_space<hbm>>
        %dma_wait3A_118 = tpu.memref_squeeze %dma_wait3A_117 : memref<1x24x128xi32, #tpu.memory_space<hbm>> -> memref<24x128xi32, #tpu.memory_space<hbm>>
        tpu.wait_dma2 semaphore(%run_scoped3A_94 : memref<!tpu.dma_semaphore, #tpu.memory_space<semaphore_mem>>) src(%dma_wait3A_118 : memref<24x128xi32, #tpu.memory_space<hbm>>) dst(%dma_wait3A_115 : memref<24x128xi32, #tpu.memory_space<vmem>>)
        tpu.yield
      }) : () -> ()
      %dma_start3A = arith.constant 0 : i32
      %dma_start3A_36 = arith.constant 0 : i32
      %dma_start3A_37 = arith.constant 0 : i32
      %dma_start3A_38 = tpu.memref_slice %arg8[%cond3A_17, %dma_start3A_36, %dma_start3A_37] : memref<2x128x128xf32, #tpu.memory_space<vmem>> -> memref<1x128x128xf32, #tpu.memory_space<vmem>>
      %dma_start3A_39 = tpu.memref_squeeze %dma_start3A_38 : memref<1x128x128xf32, #tpu.memory_space<vmem>> -> memref<128x128xf32, #tpu.memory_space<vmem>>
      %dma_start3A_40 = arith.constant 0 : i32
      %dma_start3A_41 = tpu.memref_slice %arg6[%dma_start3A, %dma_start3A_40] : memref<56x128xi32, #tpu.memory_space<vmem>> -> memref<1x128xi32, #tpu.memory_space<vmem>>
      %dma_start3A_42 = tpu.memref_squeeze %dma_start3A_41 : memref<1x128xi32, #tpu.memory_space<vmem>> -> memref<128xi32, #tpu.memory_space<vmem>>
      %dma_start3A_43 = arith.constant 0 : i32
      %dma_start3A_44 = arith.constant 0 : i32
      %dma_start3A_45 = tpu.memref_slice %arg2[%dma_start3A_43, %dma_start3A_44] : memref<10000x128xf32, #tpu.memory_space<hbm>> -> memref<10000x128xf32, #tpu.memory_space<hbm>>
      tpu.enqueue_indirect_dma source(%dma_start3A_45 : memref<10000x128xf32, #tpu.memory_space<hbm>>) target(%dma_start3A_39 : memref<128x128xf32, #tpu.memory_space<vmem>>) offsets(%dma_start3A_42 : memref<128xi32, #tpu.memory_space<vmem>>) semaphore(%arg10 : memref<!tpu.dma_semaphore, #tpu.memory_space<semaphore_mem>>)
      %scan3A = arith.constant 0 : i32
      %scan3A_46 = arith.constant 0 : i32
      %scan3A_47 = arith.constant 12 : i32
      %scan3A_48 = arith.addi %scan3A_46, %scan3A_47 : i32
      %scan3A_49 = arith.constant 1 : i32
      scf.for %scan3A_94 = %scan3A_46 to %scan3A_48 step %scan3A_49  : i32 {
        %mul3A_95 = arith.constant 2 : i32
        %mul3A_96 = arith.muli %mul3A_95, %scan3A_94 : i32
        %mul3A_97 = arith.constant 2 : i32
        %mul3A_98 = arith.muli %mul3A_97, %scan3A_94 : i32
        %add3A_99 = arith.constant 1 : i32
        %add3A_100 = arith.addi %mul3A_98, %add3A_99 : i32
        %gt3A = arith.constant 0 : i32
        %gt3A_101 = arith.cmpi sgt, %scan3A_94, %gt3A : i32
        %convert_element_type3A_102 = arith.extui %gt3A_101 : i1 to i32
        %cond3A_103 = arith.constant 0 : i32
        %cond3A_104 = arith.cmpi ne, %convert_element_type3A_102, %cond3A_103 : i32
        scf.if %cond3A_104 {
          %sub3A = arith.constant 1 : i32
          %sub3A_170 = arith.subi %mul3A_96, %sub3A : i32
          %dma_wait3A_171 = arith.constant 0 : i32
          %dma_wait3A_172 = arith.constant 0 : i32
          %dma_wait3A_173 = tpu.memref_slice %arg8[%cond3A_18, %dma_wait3A_171, %dma_wait3A_172] : memref<2x128x128xf32, #tpu.memory_space<vmem>> -> memref<1x128x128xf32, #tpu.memory_space<vmem>>
          %dma_wait3A_174 = tpu.memref_squeeze %dma_wait3A_173 : memref<1x128x128xf32, #tpu.memory_space<vmem>> -> memref<128x128xf32, #tpu.memory_space<vmem>>
          %dma_wait3A_175 = arith.constant 0 : i32
          %dma_wait3A_176 = tpu.memref_slice %arg6[%sub3A_170, %dma_wait3A_175] : memref<56x128xi32, #tpu.memory_space<vmem>> -> memref<1x128xi32, #tpu.memory_space<vmem>>
          %dma_wait3A_177 = tpu.memref_squeeze %dma_wait3A_176 : memref<1x128xi32, #tpu.memory_space<vmem>> -> memref<128xi32, #tpu.memory_space<vmem>>
          %dma_wait3A_178 = arith.constant 0 : i32
          %dma_wait3A_179 = arith.constant 0 : i32
          %dma_wait3A_180 = tpu.memref_slice %arg2[%dma_wait3A_178, %dma_wait3A_179] : memref<10000x128xf32, #tpu.memory_space<hbm>> -> memref<10000x128xf32, #tpu.memory_space<hbm>>
          tpu.wait_indirect_dma semaphore(%arg13 : memref<!tpu.dma_semaphore, #tpu.memory_space<semaphore_mem>>) src(%dma_wait3A_180 : memref<10000x128xf32, #tpu.memory_space<hbm>>) dst(%dma_wait3A_174 : memref<128x128xf32, #tpu.memory_space<vmem>>)
        } else {
        }
        %dma_start3A_105 = arith.constant 0 : i32
        %dma_start3A_106 = arith.constant 0 : i32
        %dma_start3A_107 = tpu.memref_slice %arg8[%cond3A_18, %dma_start3A_105, %dma_start3A_106] : memref<2x128x128xf32, #tpu.memory_space<vmem>> -> memref<1x128x128xf32, #tpu.memory_space<vmem>>
        %dma_start3A_108 = tpu.memref_squeeze %dma_start3A_107 : memref<1x128x128xf32, #tpu.memory_space<vmem>> -> memref<128x128xf32, #tpu.memory_space<vmem>>
        %dma_start3A_109 = arith.constant 0 : i32
        %dma_start3A_110 = tpu.memref_slice %arg6[%add3A_100, %dma_start3A_109] : memref<56x128xi32, #tpu.memory_space<vmem>> -> memref<1x128xi32, #tpu.memory_space<vmem>>
        %dma_start3A_111 = tpu.memref_squeeze %dma_start3A_110 : memref<1x128xi32, #tpu.memory_space<vmem>> -> memref<128xi32, #tpu.memory_space<vmem>>
        %dma_start3A_112 = arith.constant 0 : i32
        %dma_start3A_113 = arith.constant 0 : i32
        %dma_start3A_114 = tpu.memref_slice %arg2[%dma_start3A_112, %dma_start3A_113] : memref<10000x128xf32, #tpu.memory_space<hbm>> -> memref<10000x128xf32, #tpu.memory_space<hbm>>
        tpu.enqueue_indirect_dma source(%dma_start3A_114 : memref<10000x128xf32, #tpu.memory_space<hbm>>) target(%dma_start3A_108 : memref<128x128xf32, #tpu.memory_space<vmem>>) offsets(%dma_start3A_111 : memref<128xi32, #tpu.memory_space<vmem>>) semaphore(%arg11 : memref<!tpu.dma_semaphore, #tpu.memory_space<semaphore_mem>>)
        %dma_wait3A_115 = arith.constant 0 : i32
        %dma_wait3A_116 = arith.constant 0 : i32
        %dma_wait3A_117 = tpu.memref_slice %arg8[%cond3A_17, %dma_wait3A_115, %dma_wait3A_116] : memref<2x128x128xf32, #tpu.memory_space<vmem>> -> memref<1x128x128xf32, #tpu.memory_space<vmem>>
        %dma_wait3A_118 = tpu.memref_squeeze %dma_wait3A_117 : memref<1x128x128xf32, #tpu.memory_space<vmem>> -> memref<128x128xf32, #tpu.memory_space<vmem>>
        %dma_wait3A_119 = arith.constant 0 : i32
        %dma_wait3A_120 = tpu.memref_slice %arg6[%mul3A_96, %dma_wait3A_119] : memref<56x128xi32, #tpu.memory_space<vmem>> -> memref<1x128xi32, #tpu.memory_space<vmem>>
        %dma_wait3A_121 = tpu.memref_squeeze %dma_wait3A_120 : memref<1x128xi32, #tpu.memory_space<vmem>> -> memref<128xi32, #tpu.memory_space<vmem>>
        %dma_wait3A_122 = arith.constant 0 : i32
        %dma_wait3A_123 = arith.constant 0 : i32
        %dma_wait3A_124 = tpu.memref_slice %arg2[%dma_wait3A_122, %dma_wait3A_123] : memref<10000x128xf32, #tpu.memory_space<hbm>> -> memref<10000x128xf32, #tpu.memory_space<hbm>>
        tpu.wait_indirect_dma semaphore(%arg10 : memref<!tpu.dma_semaphore, #tpu.memory_space<semaphore_mem>>) src(%dma_wait3A_124 : memref<10000x128xf32, #tpu.memory_space<hbm>>) dst(%dma_wait3A_118 : memref<128x128xf32, #tpu.memory_space<vmem>>)
        %dma_start3A_125 = arith.constant 0 : i32
        %dma_start3A_126 = arith.constant 0 : i32
        %dma_start3A_127 = tpu.memref_slice %arg8[%cond3A_17, %dma_start3A_125, %dma_start3A_126] : memref<2x128x128xf32, #tpu.memory_space<vmem>> -> memref<1x128x128xf32, #tpu.memory_space<vmem>>
        %dma_start3A_128 = tpu.memref_squeeze %dma_start3A_127 : memref<1x128x128xf32, #tpu.memory_space<vmem>> -> memref<128x128xf32, #tpu.memory_space<vmem>>
        %dma_start3A_129 = arith.constant 0 : i32
        %dma_start3A_130 = tpu.memref_slice %arg7[%mul3A_96, %dma_start3A_129] : memref<56x128xi32, #tpu.memory_space<vmem>> -> memref<1x128xi32, #tpu.memory_space<vmem>>
        %dma_start3A_131 = tpu.memref_squeeze %dma_start3A_130 : memref<1x128xi32, #tpu.memory_space<vmem>> -> memref<128xi32, #tpu.memory_space<vmem>>
        %dma_start3A_132 = arith.constant 0 : i32
        %dma_start3A_133 = arith.constant 0 : i32
        %dma_start3A_134 = tpu.memref_slice %arg9[%dma_start3A_132, %dma_start3A_133] : memref<10008x128xf32, #tpu.memory_space<vmem_shared>> -> memref<10008x128xf32, #tpu.memory_space<vmem_shared>>
        tpu.enqueue_indirect_dma source(%dma_start3A_128 : memref<128x128xf32, #tpu.memory_space<vmem>>) target(%dma_start3A_134 : memref<10008x128xf32, #tpu.memory_space<vmem_shared>>) offsets(%dma_start3A_131 : memref<128xi32, #tpu.memory_space<vmem>>) semaphore(%arg12 : memref<!tpu.dma_semaphore, #tpu.memory_space<semaphore_mem>>) {add = true}
        %dma_wait3A_135 = arith.constant 0 : i32
        %dma_wait3A_136 = arith.constant 0 : i32
        %dma_wait3A_137 = tpu.memref_slice %arg8[%cond3A_18, %dma_wait3A_135, %dma_wait3A_136] : memref<2x128x128xf32, #tpu.memory_space<vmem>> -> memref<1x128x128xf32, #tpu.memory_space<vmem>>
        %dma_wait3A_138 = tpu.memref_squeeze %dma_wait3A_137 : memref<1x128x128xf32, #tpu.memory_space<vmem>> -> memref<128x128xf32, #tpu.memory_space<vmem>>
        %dma_wait3A_139 = arith.constant 0 : i32
        %dma_wait3A_140 = tpu.memref_slice %arg6[%add3A_100, %dma_wait3A_139] : memref<56x128xi32, #tpu.memory_space<vmem>> -> memref<1x128xi32, #tpu.memory_space<vmem>>
        %dma_wait3A_141 = tpu.memref_squeeze %dma_wait3A_140 : memref<1x128xi32, #tpu.memory_space<vmem>> -> memref<128xi32, #tpu.memory_space<vmem>>
        %dma_wait3A_142 = arith.constant 0 : i32
        %dma_wait3A_143 = arith.constant 0 : i32
        %dma_wait3A_144 = tpu.memref_slice %arg2[%dma_wait3A_142, %dma_wait3A_143] : memref<10000x128xf32, #tpu.memory_space<hbm>> -> memref<10000x128xf32, #tpu.memory_space<hbm>>
        tpu.wait_indirect_dma semaphore(%arg11 : memref<!tpu.dma_semaphore, #tpu.memory_space<semaphore_mem>>) src(%dma_wait3A_144 : memref<10000x128xf32, #tpu.memory_space<hbm>>) dst(%dma_wait3A_138 : memref<128x128xf32, #tpu.memory_space<vmem>>)
        %dma_start3A_145 = arith.constant 0 : i32
        %dma_start3A_146 = arith.constant 0 : i32
        %dma_start3A_147 = tpu.memref_slice %arg8[%cond3A_18, %dma_start3A_145, %dma_start3A_146] : memref<2x128x128xf32, #tpu.memory_space<vmem>> -> memref<1x128x128xf32, #tpu.memory_space<vmem>>
        %dma_start3A_148 = tpu.memref_squeeze %dma_start3A_147 : memref<1x128x128xf32, #tpu.memory_space<vmem>> -> memref<128x128xf32, #tpu.memory_space<vmem>>
        %dma_start3A_149 = arith.constant 0 : i32
        %dma_start3A_150 = tpu.memref_slice %arg7[%add3A_100, %dma_start3A_149] : memref<56x128xi32, #tpu.memory_space<vmem>> -> memref<1x128xi32, #tpu.memory_space<vmem>>
        %dma_start3A_151 = tpu.memref_squeeze %dma_start3A_150 : memref<1x128xi32, #tpu.memory_space<vmem>> -> memref<128xi32, #tpu.memory_space<vmem>>
        %dma_start3A_152 = arith.constant 0 : i32
        %dma_start3A_153 = arith.constant 0 : i32
        %dma_start3A_154 = tpu.memref_slice %arg9[%dma_start3A_152, %dma_start3A_153] : memref<10008x128xf32, #tpu.memory_space<vmem_shared>> -> memref<10008x128xf32, #tpu.memory_space<vmem_shared>>
        tpu.enqueue_indirect_dma source(%dma_start3A_148 : memref<128x128xf32, #tpu.memory_space<vmem>>) target(%dma_start3A_154 : memref<10008x128xf32, #tpu.memory_space<vmem_shared>>) offsets(%dma_start3A_151 : memref<128xi32, #tpu.memory_space<vmem>>) semaphore(%arg13 : memref<!tpu.dma_semaphore, #tpu.memory_space<semaphore_mem>>) {add = true}
        %dma_wait3A_155 = arith.constant 0 : i32
        %dma_wait3A_156 = arith.constant 0 : i32
        %dma_wait3A_157 = tpu.memref_slice %arg8[%cond3A_17, %dma_wait3A_155, %dma_wait3A_156] : memref<2x128x128xf32, #tpu.memory_space<vmem>> -> memref<1x128x128xf32, #tpu.memory_space<vmem>>
        %dma_wait3A_158 = tpu.memref_squeeze %dma_wait3A_157 : memref<1x128x128xf32, #tpu.memory_space<vmem>> -> memref<128x128xf32, #tpu.memory_space<vmem>>
        %dma_wait3A_159 = arith.constant 0 : i32
        %dma_wait3A_160 = tpu.memref_slice %arg6[%mul3A_96, %dma_wait3A_159] : memref<56x128xi32, #tpu.memory_space<vmem>> -> memref<1x128xi32, #tpu.memory_space<vmem>>
        %dma_wait3A_161 = tpu.memref_squeeze %dma_wait3A_160 : memref<1x128xi32, #tpu.memory_space<vmem>> -> memref<128xi32, #tpu.memory_space<vmem>>
        %dma_wait3A_162 = arith.constant 0 : i32
        %dma_wait3A_163 = arith.constant 0 : i32
        %dma_wait3A_164 = tpu.memref_slice %arg2[%dma_wait3A_162, %dma_wait3A_163] : memref<10000x128xf32, #tpu.memory_space<hbm>> -> memref<10000x128xf32, #tpu.memory_space<hbm>>
        tpu.wait_indirect_dma semaphore(%arg12 : memref<!tpu.dma_semaphore, #tpu.memory_space<semaphore_mem>>) src(%dma_wait3A_164 : memref<10000x128xf32, #tpu.memory_space<hbm>>) dst(%dma_wait3A_158 : memref<128x128xf32, #tpu.memory_space<vmem>>)
        %lt3A_165 = arith.constant 11 : i32
        %lt3A_166 = arith.cmpi slt, %scan3A_94, %lt3A_165 : i32
        %convert_element_type3A_167 = arith.extui %lt3A_166 : i1 to i32
        %cond3A_168 = arith.constant 0 : i32
        %cond3A_169 = arith.cmpi ne, %convert_element_type3A_167, %cond3A_168 : i32
        scf.if %cond3A_169 {
          %add3A_170 = arith.constant 2 : i32
          %add3A_171 = arith.addi %mul3A_96, %add3A_170 : i32
          %dma_start3A_172 = arith.constant 0 : i32
          %dma_start3A_173 = arith.constant 0 : i32
          %dma_start3A_174 = tpu.memref_slice %arg8[%cond3A_17, %dma_start3A_172, %dma_start3A_173] : memref<2x128x128xf32, #tpu.memory_space<vmem>> -> memref<1x128x128xf32, #tpu.memory_space<vmem>>
          %dma_start3A_175 = tpu.memref_squeeze %dma_start3A_174 : memref<1x128x128xf32, #tpu.memory_space<vmem>> -> memref<128x128xf32, #tpu.memory_space<vmem>>
          %dma_start3A_176 = arith.constant 0 : i32
          %dma_start3A_177 = tpu.memref_slice %arg6[%add3A_171, %dma_start3A_176] : memref<56x128xi32, #tpu.memory_space<vmem>> -> memref<1x128xi32, #tpu.memory_space<vmem>>
          %dma_start3A_178 = tpu.memref_squeeze %dma_start3A_177 : memref<1x128xi32, #tpu.memory_space<vmem>> -> memref<128xi32, #tpu.memory_space<vmem>>
          %dma_start3A_179 = arith.constant 0 : i32
          %dma_start3A_180 = arith.constant 0 : i32
          %dma_start3A_181 = tpu.memref_slice %arg2[%dma_start3A_179, %dma_start3A_180] : memref<10000x128xf32, #tpu.memory_space<hbm>> -> memref<10000x128xf32, #tpu.memory_space<hbm>>
          tpu.enqueue_indirect_dma source(%dma_start3A_181 : memref<10000x128xf32, #tpu.memory_space<hbm>>) target(%dma_start3A_175 : memref<128x128xf32, #tpu.memory_space<vmem>>) offsets(%dma_start3A_178 : memref<128xi32, #tpu.memory_space<vmem>>) semaphore(%arg10 : memref<!tpu.dma_semaphore, #tpu.memory_space<semaphore_mem>>)
        } else {
        }
      }
      %scan3A_50 = arith.constant 12 : i32
      %dma_wait3A = arith.constant 23 : i32
      %dma_wait3A_51 = arith.constant 0 : i32
      %dma_wait3A_52 = arith.constant 0 : i32
      %dma_wait3A_53 = tpu.memref_slice %arg8[%cond3A_18, %dma_wait3A_51, %dma_wait3A_52] : memref<2x128x128xf32, #tpu.memory_space<vmem>> -> memref<1x128x128xf32, #tpu.memory_space<vmem>>
      %dma_wait3A_54 = tpu.memref_squeeze %dma_wait3A_53 : memref<1x128x128xf32, #tpu.memory_space<vmem>> -> memref<128x128xf32, #tpu.memory_space<vmem>>
      %dma_wait3A_55 = arith.constant 0 : i32
      %dma_wait3A_56 = tpu.memref_slice %arg6[%dma_wait3A, %dma_wait3A_55] : memref<56x128xi32, #tpu.memory_space<vmem>> -> memref<1x128xi32, #tpu.memory_space<vmem>>
      %dma_wait3A_57 = tpu.memref_squeeze %dma_wait3A_56 : memref<1x128xi32, #tpu.memory_space<vmem>> -> memref<128xi32, #tpu.memory_space<vmem>>
      %dma_wait3A_58 = arith.constant 0 : i32
      %dma_wait3A_59 = arith.constant 0 : i32
      %dma_wait3A_60 = tpu.memref_slice %arg2[%dma_wait3A_58, %dma_wait3A_59] : memref<10000x128xf32, #tpu.memory_space<hbm>> -> memref<10000x128xf32, #tpu.memory_space<hbm>>
      tpu.wait_indirect_dma semaphore(%arg13 : memref<!tpu.dma_semaphore, #tpu.memory_space<semaphore_mem>>) src(%dma_wait3A_60 : memref<10000x128xf32, #tpu.memory_space<hbm>>) dst(%dma_wait3A_54 : memref<128x128xf32, #tpu.memory_space<vmem>>)
      %add3A_61 = arith.constant 24 : i32
      %add3A_62 = arith.addi %add3A_32, %add3A_61 : i32
      %multiple_of3A_63 = tpu.assume_multiple %add3A_62, 8 : i32
      %run_scoped3A_64 = arith.constant 0 : i32
      "tpu.region"() ({
        %run_scoped3A_94 = tpu.sem_alloc : memref<!tpu.dma_semaphore, #tpu.memory_space<semaphore_mem>>
        %dma_start3A_95 = arith.constant 0 : i32
        %dma_start3A_96 = arith.constant 0 : i32
        %dma_start3A_97 = tpu.memref_slice %arg6[%dma_start3A_95, %dma_start3A_96] : memref<56x128xi32, #tpu.memory_space<vmem>> -> memref<24x128xi32, #tpu.memory_space<vmem>>
        %dma_start3A_98 = arith.constant 0 : i32
        %dma_start3A_99 = tpu.memref_slice %arg3[%run_scoped3A_64, %multiple_of3A_63, %dma_start3A_98] : memref<2x2560x128xi32, #tpu.memory_space<hbm>> -> memref<1x24x128xi32, #tpu.memory_space<hbm>>
        %dma_start3A_100 = tpu.memref_squeeze %dma_start3A_99 : memref<1x24x128xi32, #tpu.memory_space<hbm>> -> memref<24x128xi32, #tpu.memory_space<hbm>>
        %dma_start3A_101 = arith.constant 0 : i32
        %dma_start3A_102 = arith.constant 0 : i32
        %dma_start3A_103 = tpu.memref_slice %arg6[%dma_start3A_101, %dma_start3A_102] : memref<56x128xi32, #tpu.memory_space<vmem>> -> memref<24x128xi32, #tpu.memory_space<vmem>>
        %dma_start3A_104 = arith.constant 0 : i32
        %dma_start3A_105 = tpu.memref_slice %arg3[%run_scoped3A_64, %multiple_of3A_63, %dma_start3A_104] : memref<2x2560x128xi32, #tpu.memory_space<hbm>> -> memref<1x24x128xi32, #tpu.memory_space<hbm>>
        %dma_start3A_106 = tpu.memref_squeeze %dma_start3A_105 : memref<1x24x128xi32, #tpu.memory_space<hbm>> -> memref<24x128xi32, #tpu.memory_space<hbm>>
        tpu.enqueue_dma source(%dma_start3A_106 : memref<24x128xi32, #tpu.memory_space<hbm>>) target(%dma_start3A_103 : memref<24x128xi32, #tpu.memory_space<vmem>>) target_semaphore(%run_scoped3A_94 : memref<!tpu.dma_semaphore, #tpu.memory_space<semaphore_mem>>)
        %dma_wait3A_107 = arith.constant 0 : i32
        %dma_wait3A_108 = arith.constant 0 : i32
        %dma_wait3A_109 = tpu.memref_slice %arg6[%dma_wait3A_107, %dma_wait3A_108] : memref<56x128xi32, #tpu.memory_space<vmem>> -> memref<24x128xi32, #tpu.memory_space<vmem>>
        %dma_wait3A_110 = arith.constant 0 : i32
        %dma_wait3A_111 = tpu.memref_slice %arg3[%run_scoped3A_64, %multiple_of3A_63, %dma_wait3A_110] : memref<2x2560x128xi32, #tpu.memory_space<hbm>> -> memref<1x24x128xi32, #tpu.memory_space<hbm>>
        %dma_wait3A_112 = tpu.memref_squeeze %dma_wait3A_111 : memref<1x24x128xi32, #tpu.memory_space<hbm>> -> memref<24x128xi32, #tpu.memory_space<hbm>>
        %dma_wait3A_113 = arith.constant 0 : i32
        %dma_wait3A_114 = arith.constant 0 : i32
        %dma_wait3A_115 = tpu.memref_slice %arg6[%dma_wait3A_113, %dma_wait3A_114] : memref<56x128xi32, #tpu.memory_space<vmem>> -> memref<24x128xi32, #tpu.memory_space<vmem>>
        %dma_wait3A_116 = arith.constant 0 : i32
        %dma_wait3A_117 = tpu.memref_slice %arg3[%run_scoped3A_64, %multiple_of3A_63, %dma_wait3A_116] : memref<2x2560x128xi32, #tpu.memory_space<hbm>> -> memref<1x24x128xi32, #tpu.memory_space<hbm>>
        %dma_wait3A_118 = tpu.memref_squeeze %dma_wait3A_117 : memref<1x24x128xi32, #tpu.memory_space<hbm>> -> memref<24x128xi32, #tpu.memory_space<hbm>>
        tpu.wait_dma2 semaphore(%run_scoped3A_94 : memref<!tpu.dma_semaphore, #tpu.memory_space<semaphore_mem>>) src(%dma_wait3A_118 : memref<24x128xi32, #tpu.memory_space<hbm>>) dst(%dma_wait3A_115 : memref<24x128xi32, #tpu.memory_space<vmem>>)
        tpu.yield
      }) : () -> ()
      %run_scoped3A_65 = arith.constant 1 : i32
      "tpu.region"() ({
        %run_scoped3A_94 = tpu.sem_alloc : memref<!tpu.dma_semaphore, #tpu.memory_space<semaphore_mem>>
        %dma_start3A_95 = arith.constant 0 : i32
        %dma_start3A_96 = arith.constant 0 : i32
        %dma_start3A_97 = tpu.memref_slice %arg7[%dma_start3A_95, %dma_start3A_96] : memref<56x128xi32, #tpu.memory_space<vmem>> -> memref<24x128xi32, #tpu.memory_space<vmem>>
        %dma_start3A_98 = arith.constant 0 : i32
        %dma_start3A_99 = tpu.memref_slice %arg3[%run_scoped3A_65, %multiple_of3A_63, %dma_start3A_98] : memref<2x2560x128xi32, #tpu.memory_space<hbm>> -> memref<1x24x128xi32, #tpu.memory_space<hbm>>
        %dma_start3A_100 = tpu.memref_squeeze %dma_start3A_99 : memref<1x24x128xi32, #tpu.memory_space<hbm>> -> memref<24x128xi32, #tpu.memory_space<hbm>>
        %dma_start3A_101 = arith.constant 0 : i32
        %dma_start3A_102 = arith.constant 0 : i32
        %dma_start3A_103 = tpu.memref_slice %arg7[%dma_start3A_101, %dma_start3A_102] : memref<56x128xi32, #tpu.memory_space<vmem>> -> memref<24x128xi32, #tpu.memory_space<vmem>>
        %dma_start3A_104 = arith.constant 0 : i32
        %dma_start3A_105 = tpu.memref_slice %arg3[%run_scoped3A_65, %multiple_of3A_63, %dma_start3A_104] : memref<2x2560x128xi32, #tpu.memory_space<hbm>> -> memref<1x24x128xi32, #tpu.memory_space<hbm>>
        %dma_start3A_106 = tpu.memref_squeeze %dma_start3A_105 : memref<1x24x128xi32, #tpu.memory_space<hbm>> -> memref<24x128xi32, #tpu.memory_space<hbm>>
        tpu.enqueue_dma source(%dma_start3A_106 : memref<24x128xi32, #tpu.memory_space<hbm>>) target(%dma_start3A_103 : memref<24x128xi32, #tpu.memory_space<vmem>>) target_semaphore(%run_scoped3A_94 : memref<!tpu.dma_semaphore, #tpu.memory_space<semaphore_mem>>)
        %dma_wait3A_107 = arith.constant 0 : i32
        %dma_wait3A_108 = arith.constant 0 : i32
        %dma_wait3A_109 = tpu.memref_slice %arg7[%dma_wait3A_107, %dma_wait3A_108] : memref<56x128xi32, #tpu.memory_space<vmem>> -> memref<24x128xi32, #tpu.memory_space<vmem>>
        %dma_wait3A_110 = arith.constant 0 : i32
        %dma_wait3A_111 = tpu.memref_slice %arg3[%run_scoped3A_65, %multiple_of3A_63, %dma_wait3A_110] : memref<2x2560x128xi32, #tpu.memory_space<hbm>> -> memref<1x24x128xi32, #tpu.memory_space<hbm>>
        %dma_wait3A_112 = tpu.memref_squeeze %dma_wait3A_111 : memref<1x24x128xi32, #tpu.memory_space<hbm>> -> memref<24x128xi32, #tpu.memory_space<hbm>>
        %dma_wait3A_113 = arith.constant 0 : i32
        %dma_wait3A_114 = arith.constant 0 : i32
        %dma_wait3A_115 = tpu.memref_slice %arg7[%dma_wait3A_113, %dma_wait3A_114] : memref<56x128xi32, #tpu.memory_space<vmem>> -> memref<24x128xi32, #tpu.memory_space<vmem>>
        %dma_wait3A_116 = arith.constant 0 : i32
        %dma_wait3A_117 = tpu.memref_slice %arg3[%run_scoped3A_65, %multiple_of3A_63, %dma_wait3A_116] : memref<2x2560x128xi32, #tpu.memory_space<hbm>> -> memref<1x24x128xi32, #tpu.memory_space<hbm>>
        %dma_wait3A_118 = tpu.memref_squeeze %dma_wait3A_117 : memref<1x24x128xi32, #tpu.memory_space<hbm>> -> memref<24x128xi32, #tpu.memory_space<hbm>>
        tpu.wait_dma2 semaphore(%run_scoped3A_94 : memref<!tpu.dma_semaphore, #tpu.memory_space<semaphore_mem>>) src(%dma_wait3A_118 : memref<24x128xi32, #tpu.memory_space<hbm>>) dst(%dma_wait3A_115 : memref<24x128xi32, #tpu.memory_space<vmem>>)
        tpu.yield
      }) : () -> ()
      %dma_start3A_66 = arith.constant 0 : i32
      %dma_start3A_67 = arith.constant 0 : i32
      %dma_start3A_68 = arith.constant 0 : i32
      %dma_start3A_69 = tpu.memref_slice %arg8[%cond3A_17, %dma_start3A_67, %dma_start3A_68] : memref<2x128x128xf32, #tpu.memory_space<vmem>> -> memref<1x128x128xf32, #tpu.memory_space<vmem>>
      %dma_start3A_70 = tpu.memref_squeeze %dma_start3A_69 : memref<1x128x128xf32, #tpu.memory_space<vmem>> -> memref<128x128xf32, #tpu.memory_space<vmem>>
      %dma_start3A_71 = arith.constant 0 : i32
      %dma_start3A_72 = tpu.memref_slice %arg6[%dma_start3A_66, %dma_start3A_71] : memref<56x128xi32, #tpu.memory_space<vmem>> -> memref<1x128xi32, #tpu.memory_space<vmem>>
      %dma_start3A_73 = tpu.memref_squeeze %dma_start3A_72 : memref<1x128xi32, #tpu.memory_space<vmem>> -> memref<128xi32, #tpu.memory_space<vmem>>
      %dma_start3A_74 = arith.constant 0 : i32
      %dma_start3A_75 = arith.constant 0 : i32
      %dma_start3A_76 = tpu.memref_slice %arg2[%dma_start3A_74, %dma_start3A_75] : memref<10000x128xf32, #tpu.memory_space<hbm>> -> memref<10000x128xf32, #tpu.memory_space<hbm>>
      tpu.enqueue_indirect_dma source(%dma_start3A_76 : memref<10000x128xf32, #tpu.memory_space<hbm>>) target(%dma_start3A_70 : memref<128x128xf32, #tpu.memory_space<vmem>>) offsets(%dma_start3A_73 : memref<128xi32, #tpu.memory_space<vmem>>) semaphore(%arg10 : memref<!tpu.dma_semaphore, #tpu.memory_space<semaphore_mem>>)
      %scan3A_77 = arith.constant 0 : i32
      %scan3A_78 = arith.constant 0 : i32
      %scan3A_79 = arith.constant 12 : i32
      %scan3A_80 = arith.addi %scan3A_78, %scan3A_79 : i32
      %scan3A_81 = arith.constant 1 : i32
      scf.for %scan3A_94 = %scan3A_78 to %scan3A_80 step %scan3A_81  : i32 {
        %mul3A_95 = arith.constant 2 : i32
        %mul3A_96 = arith.muli %mul3A_95, %scan3A_94 : i32
        %mul3A_97 = arith.constant 2 : i32
        %mul3A_98 = arith.muli %mul3A_97, %scan3A_94 : i32
        %add3A_99 = arith.constant 1 : i32
        %add3A_100 = arith.addi %mul3A_98, %add3A_99 : i32
        %gt3A = arith.constant 0 : i32
        %gt3A_101 = arith.cmpi sgt, %scan3A_94, %gt3A : i32
        %convert_element_type3A_102 = arith.extui %gt3A_101 : i1 to i32
        %cond3A_103 = arith.constant 0 : i32
        %cond3A_104 = arith.cmpi ne, %convert_element_type3A_102, %cond3A_103 : i32
        scf.if %cond3A_104 {
          %sub3A = arith.constant 1 : i32
          %sub3A_170 = arith.subi %mul3A_96, %sub3A : i32
          %dma_wait3A_171 = arith.constant 0 : i32
          %dma_wait3A_172 = arith.constant 0 : i32
          %dma_wait3A_173 = tpu.memref_slice %arg8[%cond3A_18, %dma_wait3A_171, %dma_wait3A_172] : memref<2x128x128xf32, #tpu.memory_space<vmem>> -> memref<1x128x128xf32, #tpu.memory_space<vmem>>
          %dma_wait3A_174 = tpu.memref_squeeze %dma_wait3A_173 : memref<1x128x128xf32, #tpu.memory_space<vmem>> -> memref<128x128xf32, #tpu.memory_space<vmem>>
          %dma_wait3A_175 = arith.constant 0 : i32
          %dma_wait3A_176 = tpu.memref_slice %arg6[%sub3A_170, %dma_wait3A_175] : memref<56x128xi32, #tpu.memory_space<vmem>> -> memref<1x128xi32, #tpu.memory_space<vmem>>
          %dma_wait3A_177 = tpu.memref_squeeze %dma_wait3A_176 : memref<1x128xi32, #tpu.memory_space<vmem>> -> memref<128xi32, #tpu.memory_space<vmem>>
          %dma_wait3A_178 = arith.constant 0 : i32
          %dma_wait3A_179 = arith.constant 0 : i32
          %dma_wait3A_180 = tpu.memref_slice %arg2[%dma_wait3A_178, %dma_wait3A_179] : memref<10000x128xf32, #tpu.memory_space<hbm>> -> memref<10000x128xf32, #tpu.memory_space<hbm>>
          tpu.wait_indirect_dma semaphore(%arg13 : memref<!tpu.dma_semaphore, #tpu.memory_space<semaphore_mem>>) src(%dma_wait3A_180 : memref<10000x128xf32, #tpu.memory_space<hbm>>) dst(%dma_wait3A_174 : memref<128x128xf32, #tpu.memory_space<vmem>>)
        } else {
        }
        %dma_start3A_105 = arith.constant 0 : i32
        %dma_start3A_106 = arith.constant 0 : i32
        %dma_start3A_107 = tpu.memref_slice %arg8[%cond3A_18, %dma_start3A_105, %dma_start3A_106] : memref<2x128x128xf32, #tpu.memory_space<vmem>> -> memref<1x128x128xf32, #tpu.memory_space<vmem>>
        %dma_start3A_108 = tpu.memref_squeeze %dma_start3A_107 : memref<1x128x128xf32, #tpu.memory_space<vmem>> -> memref<128x128xf32, #tpu.memory_space<vmem>>
        %dma_start3A_109 = arith.constant 0 : i32
        %dma_start3A_110 = tpu.memref_slice %arg6[%add3A_100, %dma_start3A_109] : memref<56x128xi32, #tpu.memory_space<vmem>> -> memref<1x128xi32, #tpu.memory_space<vmem>>
        %dma_start3A_111 = tpu.memref_squeeze %dma_start3A_110 : memref<1x128xi32, #tpu.memory_space<vmem>> -> memref<128xi32, #tpu.memory_space<vmem>>
        %dma_start3A_112 = arith.constant 0 : i32
        %dma_start3A_113 = arith.constant 0 : i32
        %dma_start3A_114 = tpu.memref_slice %arg2[%dma_start3A_112, %dma_start3A_113] : memref<10000x128xf32, #tpu.memory_space<hbm>> -> memref<10000x128xf32, #tpu.memory_space<hbm>>
        tpu.enqueue_indirect_dma source(%dma_start3A_114 : memref<10000x128xf32, #tpu.memory_space<hbm>>) target(%dma_start3A_108 : memref<128x128xf32, #tpu.memory_space<vmem>>) offsets(%dma_start3A_111 : memref<128xi32, #tpu.memory_space<vmem>>) semaphore(%arg11 : memref<!tpu.dma_semaphore, #tpu.memory_space<semaphore_mem>>)
        %dma_wait3A_115 = arith.constant 0 : i32
        %dma_wait3A_116 = arith.constant 0 : i32
        %dma_wait3A_117 = tpu.memref_slice %arg8[%cond3A_17, %dma_wait3A_115, %dma_wait3A_116] : memref<2x128x128xf32, #tpu.memory_space<vmem>> -> memref<1x128x128xf32, #tpu.memory_space<vmem>>
        %dma_wait3A_118 = tpu.memref_squeeze %dma_wait3A_117 : memref<1x128x128xf32, #tpu.memory_space<vmem>> -> memref<128x128xf32, #tpu.memory_space<vmem>>
        %dma_wait3A_119 = arith.constant 0 : i32
        %dma_wait3A_120 = tpu.memref_slice %arg6[%mul3A_96, %dma_wait3A_119] : memref<56x128xi32, #tpu.memory_space<vmem>> -> memref<1x128xi32, #tpu.memory_space<vmem>>
        %dma_wait3A_121 = tpu.memref_squeeze %dma_wait3A_120 : memref<1x128xi32, #tpu.memory_space<vmem>> -> memref<128xi32, #tpu.memory_space<vmem>>
        %dma_wait3A_122 = arith.constant 0 : i32
        %dma_wait3A_123 = arith.constant 0 : i32
        %dma_wait3A_124 = tpu.memref_slice %arg2[%dma_wait3A_122, %dma_wait3A_123] : memref<10000x128xf32, #tpu.memory_space<hbm>> -> memref<10000x128xf32, #tpu.memory_space<hbm>>
        tpu.wait_indirect_dma semaphore(%arg10 : memref<!tpu.dma_semaphore, #tpu.memory_space<semaphore_mem>>) src(%dma_wait3A_124 : memref<10000x128xf32, #tpu.memory_space<hbm>>) dst(%dma_wait3A_118 : memref<128x128xf32, #tpu.memory_space<vmem>>)
        %dma_start3A_125 = arith.constant 0 : i32
        %dma_start3A_126 = arith.constant 0 : i32
        %dma_start3A_127 = tpu.memref_slice %arg8[%cond3A_17, %dma_start3A_125, %dma_start3A_126] : memref<2x128x128xf32, #tpu.memory_space<vmem>> -> memref<1x128x128xf32, #tpu.memory_space<vmem>>
        %dma_start3A_128 = tpu.memref_squeeze %dma_start3A_127 : memref<1x128x128xf32, #tpu.memory_space<vmem>> -> memref<128x128xf32, #tpu.memory_space<vmem>>
        %dma_start3A_129 = arith.constant 0 : i32
        %dma_start3A_130 = tpu.memref_slice %arg7[%mul3A_96, %dma_start3A_129] : memref<56x128xi32, #tpu.memory_space<vmem>> -> memref<1x128xi32, #tpu.memory_space<vmem>>
        %dma_start3A_131 = tpu.memref_squeeze %dma_start3A_130 : memref<1x128xi32, #tpu.memory_space<vmem>> -> memref<128xi32, #tpu.memory_space<vmem>>
        %dma_start3A_132 = arith.constant 0 : i32
        %dma_start3A_133 = arith.constant 0 : i32
        %dma_start3A_134 = tpu.memref_slice %arg9[%dma_start3A_132, %dma_start3A_133] : memref<10008x128xf32, #tpu.memory_space<vmem_shared>> -> memref<10008x128xf32, #tpu.memory_space<vmem_shared>>
        tpu.enqueue_indirect_dma source(%dma_start3A_128 : memref<128x128xf32, #tpu.memory_space<vmem>>) target(%dma_start3A_134 : memref<10008x128xf32, #tpu.memory_space<vmem_shared>>) offsets(%dma_start3A_131 : memref<128xi32, #tpu.memory_space<vmem>>) semaphore(%arg12 : memref<!tpu.dma_semaphore, #tpu.memory_space<semaphore_mem>>) {add = true}
        %dma_wait3A_135 = arith.constant 0 : i32
        %dma_wait3A_136 = arith.constant 0 : i32
        %dma_wait3A_137 = tpu.memref_slice %arg8[%cond3A_18, %dma_wait3A_135, %dma_wait3A_136] : memref<2x128x128xf32, #tpu.memory_space<vmem>> -> memref<1x128x128xf32, #tpu.memory_space<vmem>>
        %dma_wait3A_138 = tpu.memref_squeeze %dma_wait3A_137 : memref<1x128x128xf32, #tpu.memory_space<vmem>> -> memref<128x128xf32, #tpu.memory_space<vmem>>
        %dma_wait3A_139 = arith.constant 0 : i32
        %dma_wait3A_140 = tpu.memref_slice %arg6[%add3A_100, %dma_wait3A_139] : memref<56x128xi32, #tpu.memory_space<vmem>> -> memref<1x128xi32, #tpu.memory_space<vmem>>
        %dma_wait3A_141 = tpu.memref_squeeze %dma_wait3A_140 : memref<1x128xi32, #tpu.memory_space<vmem>> -> memref<128xi32, #tpu.memory_space<vmem>>
        %dma_wait3A_142 = arith.constant 0 : i32
        %dma_wait3A_143 = arith.constant 0 : i32
        %dma_wait3A_144 = tpu.memref_slice %arg2[%dma_wait3A_142, %dma_wait3A_143] : memref<10000x128xf32, #tpu.memory_space<hbm>> -> memref<10000x128xf32, #tpu.memory_space<hbm>>
        tpu.wait_indirect_dma semaphore(%arg11 : memref<!tpu.dma_semaphore, #tpu.memory_space<semaphore_mem>>) src(%dma_wait3A_144 : memref<10000x128xf32, #tpu.memory_space<hbm>>) dst(%dma_wait3A_138 : memref<128x128xf32, #tpu.memory_space<vmem>>)
        %dma_start3A_145 = arith.constant 0 : i32
        %dma_start3A_146 = arith.constant 0 : i32
        %dma_start3A_147 = tpu.memref_slice %arg8[%cond3A_18, %dma_start3A_145, %dma_start3A_146] : memref<2x128x128xf32, #tpu.memory_space<vmem>> -> memref<1x128x128xf32, #tpu.memory_space<vmem>>
        %dma_start3A_148 = tpu.memref_squeeze %dma_start3A_147 : memref<1x128x128xf32, #tpu.memory_space<vmem>> -> memref<128x128xf32, #tpu.memory_space<vmem>>
        %dma_start3A_149 = arith.constant 0 : i32
        %dma_start3A_150 = tpu.memref_slice %arg7[%add3A_100, %dma_start3A_149] : memref<56x128xi32, #tpu.memory_space<vmem>> -> memref<1x128xi32, #tpu.memory_space<vmem>>
        %dma_start3A_151 = tpu.memref_squeeze %dma_start3A_150 : memref<1x128xi32, #tpu.memory_space<vmem>> -> memref<128xi32, #tpu.memory_space<vmem>>
        %dma_start3A_152 = arith.constant 0 : i32
        %dma_start3A_153 = arith.constant 0 : i32
        %dma_start3A_154 = tpu.memref_slice %arg9[%dma_start3A_152, %dma_start3A_153] : memref<10008x128xf32, #tpu.memory_space<vmem_shared>> -> memref<10008x128xf32, #tpu.memory_space<vmem_shared>>
        tpu.enqueue_indirect_dma source(%dma_start3A_148 : memref<128x128xf32, #tpu.memory_space<vmem>>) target(%dma_start3A_154 : memref<10008x128xf32, #tpu.memory_space<vmem_shared>>) offsets(%dma_start3A_151 : memref<128xi32, #tpu.memory_space<vmem>>) semaphore(%arg13 : memref<!tpu.dma_semaphore, #tpu.memory_space<semaphore_mem>>) {add = true}
        %dma_wait3A_155 = arith.constant 0 : i32
        %dma_wait3A_156 = arith.constant 0 : i32
        %dma_wait3A_157 = tpu.memref_slice %arg8[%cond3A_17, %dma_wait3A_155, %dma_wait3A_156] : memref<2x128x128xf32, #tpu.memory_space<vmem>> -> memref<1x128x128xf32, #tpu.memory_space<vmem>>
        %dma_wait3A_158 = tpu.memref_squeeze %dma_wait3A_157 : memref<1x128x128xf32, #tpu.memory_space<vmem>> -> memref<128x128xf32, #tpu.memory_space<vmem>>
        %dma_wait3A_159 = arith.constant 0 : i32
        %dma_wait3A_160 = tpu.memref_slice %arg6[%mul3A_96, %dma_wait3A_159] : memref<56x128xi32, #tpu.memory_space<vmem>> -> memref<1x128xi32, #tpu.memory_space<vmem>>
        %dma_wait3A_161 = tpu.memref_squeeze %dma_wait3A_160 : memref<1x128xi32, #tpu.memory_space<vmem>> -> memref<128xi32, #tpu.memory_space<vmem>>
        %dma_wait3A_162 = arith.constant 0 : i32
        %dma_wait3A_163 = arith.constant 0 : i32
        %dma_wait3A_164 = tpu.memref_slice %arg2[%dma_wait3A_162, %dma_wait3A_163] : memref<10000x128xf32, #tpu.memory_space<hbm>> -> memref<10000x128xf32, #tpu.memory_space<hbm>>
        tpu.wait_indirect_dma semaphore(%arg12 : memref<!tpu.dma_semaphore, #tpu.memory_space<semaphore_mem>>) src(%dma_wait3A_164 : memref<10000x128xf32, #tpu.memory_space<hbm>>) dst(%dma_wait3A_158 : memref<128x128xf32, #tpu.memory_space<vmem>>)
        %lt3A_165 = arith.constant 11 : i32
        %lt3A_166 = arith.cmpi slt, %scan3A_94, %lt3A_165 : i32
        %convert_element_type3A_167 = arith.extui %lt3A_166 : i1 to i32
        %cond3A_168 = arith.constant 0 : i32
        %cond3A_169 = arith.cmpi ne, %convert_element_type3A_167, %cond3A_168 : i32
        scf.if %cond3A_169 {
          %add3A_170 = arith.constant 2 : i32
          %add3A_171 = arith.addi %mul3A_96, %add3A_170 : i32
          %dma_start3A_172 = arith.constant 0 : i32
          %dma_start3A_173 = arith.constant 0 : i32
          %dma_start3A_174 = tpu.memref_slice %arg8[%cond3A_17, %dma_start3A_172, %dma_start3A_173] : memref<2x128x128xf32, #tpu.memory_space<vmem>> -> memref<1x128x128xf32, #tpu.memory_space<vmem>>
          %dma_start3A_175 = tpu.memref_squeeze %dma_start3A_174 : memref<1x128x128xf32, #tpu.memory_space<vmem>> -> memref<128x128xf32, #tpu.memory_space<vmem>>
          %dma_start3A_176 = arith.constant 0 : i32
          %dma_start3A_177 = tpu.memref_slice %arg6[%add3A_171, %dma_start3A_176] : memref<56x128xi32, #tpu.memory_space<vmem>> -> memref<1x128xi32, #tpu.memory_space<vmem>>
          %dma_start3A_178 = tpu.memref_squeeze %dma_start3A_177 : memref<1x128xi32, #tpu.memory_space<vmem>> -> memref<128xi32, #tpu.memory_space<vmem>>
          %dma_start3A_179 = arith.constant 0 : i32
          %dma_start3A_180 = arith.constant 0 : i32
          %dma_start3A_181 = tpu.memref_slice %arg2[%dma_start3A_179, %dma_start3A_180] : memref<10000x128xf32, #tpu.memory_space<hbm>> -> memref<10000x128xf32, #tpu.memory_space<hbm>>
          tpu.enqueue_indirect_dma source(%dma_start3A_181 : memref<10000x128xf32, #tpu.memory_space<hbm>>) target(%dma_start3A_175 : memref<128x128xf32, #tpu.memory_space<vmem>>) offsets(%dma_start3A_178 : memref<128xi32, #tpu.memory_space<vmem>>) semaphore(%arg10 : memref<!tpu.dma_semaphore, #tpu.memory_space<semaphore_mem>>)
        } else {
        }
      }
      %scan3A_82 = arith.constant 12 : i32
      %dma_wait3A_83 = arith.constant 23 : i32
      %dma_wait3A_84 = arith.constant 0 : i32
      %dma_wait3A_85 = arith.constant 0 : i32
      %dma_wait3A_86 = tpu.memref_slice %arg8[%cond3A_18, %dma_wait3A_84, %dma_wait3A_85] : memref<2x128x128xf32, #tpu.memory_space<vmem>> -> memref<1x128x128xf32, #tpu.memory_space<vmem>>
      %dma_wait3A_87 = tpu.memref_squeeze %dma_wait3A_86 : memref<1x128x128xf32, #tpu.memory_space<vmem>> -> memref<128x128xf32, #tpu.memory_space<vmem>>
      %dma_wait3A_88 = arith.constant 0 : i32
      %dma_wait3A_89 = tpu.memref_slice %arg6[%dma_wait3A_83, %dma_wait3A_88] : memref<56x128xi32, #tpu.memory_space<vmem>> -> memref<1x128xi32, #tpu.memory_space<vmem>>
      %dma_wait3A_90 = tpu.memref_squeeze %dma_wait3A_89 : memref<1x128xi32, #tpu.memory_space<vmem>> -> memref<128xi32, #tpu.memory_space<vmem>>
      %dma_wait3A_91 = arith.constant 0 : i32
      %dma_wait3A_92 = arith.constant 0 : i32
      %dma_wait3A_93 = tpu.memref_slice %arg2[%dma_wait3A_91, %dma_wait3A_92] : memref<10000x128xf32, #tpu.memory_space<hbm>> -> memref<10000x128xf32, #tpu.memory_space<hbm>>
      tpu.wait_indirect_dma semaphore(%arg13 : memref<!tpu.dma_semaphore, #tpu.memory_space<semaphore_mem>>) src(%dma_wait3A_93 : memref<10000x128xf32, #tpu.memory_space<hbm>>) dst(%dma_wait3A_87 : memref<128x128xf32, #tpu.memory_space<vmem>>)
    } else {
    }
    %barrier3A_21 = arith.constant 0 : index
    tpu.barrier barrier_id(%barrier3A_21)
    %lt3A_22 = arith.constant 15 : i32
    %lt3A_23 = arith.cmpi slt, %arg1, %lt3A_22 : i32
    %convert_element_type3A_24 = arith.extui %lt3A_23 : i1 to i32
    %cond3A_25 = arith.constant 0 : i32
    %cond3A_26 = arith.cmpi ne, %convert_element_type3A_24, %cond3A_25 : i32
    scf.if %cond3A_26 {
      %mul3A_32 = arith.constant 632 : i32
      %mul3A_33 = arith.muli %arg1, %mul3A_32 : i32
      %multiple_of3A = tpu.assume_multiple %mul3A_33, 8 : i32
      "tpu.region"() ({
        %run_scoped3A = tpu.sem_alloc : memref<!tpu.dma_semaphore, #tpu.memory_space<semaphore_mem>>
        %dma_start3A = arith.constant 0 : i32
        %dma_start3A_34 = tpu.memref_slice %arg5[%arg0, %multiple_of3A, %dma_start3A] : memref<2x10000x128xf32, #tpu.memory_space<hbm>> -> memref<1x632x128xf32, #tpu.memory_space<hbm>>
        %dma_start3A_35 = tpu.memref_squeeze %dma_start3A_34 : memref<1x632x128xf32, #tpu.memory_space<hbm>> -> memref<632x128xf32, #tpu.memory_space<hbm>>
        %dma_start3A_36 = arith.constant 0 : i32
        %dma_start3A_37 = tpu.memref_slice %arg9[%multiple_of3A, %dma_start3A_36] : memref<10008x128xf32, #tpu.memory_space<vmem_shared>> -> memref<632x128xf32, #tpu.memory_space<vmem_shared>>
        tpu.enqueue_dma source(%dma_start3A_37 : memref<632x128xf32, #tpu.memory_space<vmem_shared>>) target(%dma_start3A_35 : memref<632x128xf32, #tpu.memory_space<hbm>>) target_semaphore(%run_scoped3A : memref<!tpu.dma_semaphore, #tpu.memory_space<semaphore_mem>>)
        %dma_wait3A = arith.constant 0 : i32
        %dma_wait3A_38 = tpu.memref_slice %arg5[%arg0, %multiple_of3A, %dma_wait3A] : memref<2x10000x128xf32, #tpu.memory_space<hbm>> -> memref<1x632x128xf32, #tpu.memory_space<hbm>>
        %dma_wait3A_39 = tpu.memref_squeeze %dma_wait3A_38 : memref<1x632x128xf32, #tpu.memory_space<hbm>> -> memref<632x128xf32, #tpu.memory_space<hbm>>
        %dma_wait3A_40 = arith.constant 0 : i32
        %dma_wait3A_41 = tpu.memref_slice %arg9[%multiple_of3A, %dma_wait3A_40] : memref<10008x128xf32, #tpu.memory_space<vmem_shared>> -> memref<632x128xf32, #tpu.memory_space<vmem_shared>>
        tpu.wait_dma2 semaphore(%run_scoped3A : memref<!tpu.dma_semaphore, #tpu.memory_space<semaphore_mem>>) src(%dma_wait3A_41 : memref<632x128xf32, #tpu.memory_space<vmem_shared>>) dst(%dma_wait3A_39 : memref<632x128xf32, #tpu.memory_space<hbm>>)
        tpu.yield
      }) : () -> ()
    } else {
    }
    %eq3A_27 = arith.constant 15 : i32
    %eq3A_28 = arith.cmpi eq, %arg1, %eq3A_27 : i32
    %convert_element_type3A_29 = arith.extui %eq3A_28 : i1 to i32
    %cond3A_30 = arith.constant 0 : i32
    %cond3A_31 = arith.cmpi ne, %convert_element_type3A_29, %cond3A_30 : i32
    scf.if %cond3A_31 {
      %multiple_of3A = arith.constant 9480 : i32
      %multiple_of3A_32 = tpu.assume_multiple %multiple_of3A, 8 : i32
      "tpu.region"() ({
        %run_scoped3A = tpu.sem_alloc : memref<!tpu.dma_semaphore, #tpu.memory_space<semaphore_mem>>
        %dma_start3A = arith.constant 0 : i32
        %dma_start3A_33 = tpu.memref_slice %arg5[%arg0, %multiple_of3A_32, %dma_start3A] : memref<2x10000x128xf32, #tpu.memory_space<hbm>> -> memref<1x520x128xf32, #tpu.memory_space<hbm>>
        %dma_start3A_34 = tpu.memref_squeeze %dma_start3A_33 : memref<1x520x128xf32, #tpu.memory_space<hbm>> -> memref<520x128xf32, #tpu.memory_space<hbm>>
        %dma_start3A_35 = arith.constant 0 : i32
        %dma_start3A_36 = tpu.memref_slice %arg9[%multiple_of3A_32, %dma_start3A_35] : memref<10008x128xf32, #tpu.memory_space<vmem_shared>> -> memref<520x128xf32, #tpu.memory_space<vmem_shared>>
        tpu.enqueue_dma source(%dma_start3A_36 : memref<520x128xf32, #tpu.memory_space<vmem_shared>>) target(%dma_start3A_34 : memref<520x128xf32, #tpu.memory_space<hbm>>) target_semaphore(%run_scoped3A : memref<!tpu.dma_semaphore, #tpu.memory_space<semaphore_mem>>)
        %dma_wait3A = arith.constant 0 : i32
        %dma_wait3A_37 = tpu.memref_slice %arg5[%arg0, %multiple_of3A_32, %dma_wait3A] : memref<2x10000x128xf32, #tpu.memory_space<hbm>> -> memref<1x520x128xf32, #tpu.memory_space<hbm>>
        %dma_wait3A_38 = tpu.memref_squeeze %dma_wait3A_37 : memref<1x520x128xf32, #tpu.memory_space<hbm>> -> memref<520x128xf32, #tpu.memory_space<hbm>>
        %dma_wait3A_39 = arith.constant 0 : i32
        %dma_wait3A_40 = tpu.memref_slice %arg9[%multiple_of3A_32, %dma_wait3A_39] : memref<10008x128xf32, #tpu.memory_space<vmem_shared>> -> memref<520x128xf32, #tpu.memory_space<vmem_shared>>
        tpu.wait_dma2 semaphore(%run_scoped3A : memref<!tpu.dma_semaphore, #tpu.memory_space<semaphore_mem>>) src(%dma_wait3A_40 : memref<520x128xf32, #tpu.memory_space<vmem_shared>>) dst(%dma_wait3A_38 : memref<520x128xf32, #tpu.memory_space<hbm>>)
        tpu.yield
      }) : () -> ()
    } else {
    }
    return
  }
}

#map = affine_map<(d0, d1) -> (0, 0)>
#map1 = affine_map<(d0, d1) -> (0, 0, 0)>
module attributes {stable_mosaic.version = 14 : i64} {
  func.func @_agg_body(%arg0: i32, %arg1: i32, %arg2: memref<10000x128xf32, #tpu.memory_space<hbm>>, %arg3: memref<2x2560x128xi32, #tpu.memory_space<hbm>>, %arg4: memref<10008x128xf32, #tpu.memory_space<hbm>>, %arg5: memref<2x10000x128xf32, #tpu.memory_space<hbm>>, %arg6: memref<56x128xi32, #tpu.memory_space<vmem>>, %arg7: memref<56x128xi32, #tpu.memory_space<vmem>>, %arg8: memref<2x128x128xf32, #tpu.memory_space<vmem>>, %arg9: memref<10008x128xf32, #tpu.memory_space<vmem_shared>>, %arg10: memref<!tpu.dma_semaphore, #tpu.memory_space<semaphore_mem>>, %arg11: memref<!tpu.dma_semaphore, #tpu.memory_space<semaphore_mem>>, %arg12: memref<!tpu.dma_semaphore, #tpu.memory_space<semaphore_mem>>, %arg13: memref<!tpu.dma_semaphore, #tpu.memory_space<semaphore_mem>>) attributes {dimension_semantics = [#tpu.dimension_semantics<core_parallel>, #tpu.dimension_semantics<subcore_parallel>], iteration_bounds = array<i64: 2, 16>, scalar_prefetch = 0 : i64, scratch_operands = 8 : i64, tpu.core_type = #tpu.core_type<sc_vector_subcore>, window_params = [{transform_indices = #map}, {transform_indices = #map1}, {transform_indices = #map}, {transform_indices = #map1}]} {
    %lt3A = arith.constant 15 : i32
    %lt3A_0 = arith.cmpi slt, %arg1, %lt3A : i32
    %convert_element_type3A = arith.extui %lt3A_0 : i1 to i32
    %cond3A = arith.constant 0 : i32
    %cond3A_1 = arith.cmpi ne, %convert_element_type3A, %cond3A : i32
    scf.if %cond3A_1 {
      %mul3A_32 = arith.constant 632 : i32
      %mul3A_33 = arith.muli %arg1, %mul3A_32 : i32
      %multiple_of3A = tpu.assume_multiple %mul3A_33, 8 : i32
      "tpu.region"() ({
        %run_scoped3A = tpu.sem_alloc : memref<!tpu.dma_semaphore, #tpu.memory_space<semaphore_mem>>
        %dma_start3A = arith.constant 0 : i32
        %dma_start3A_34 = tpu.memref_slice %arg9[%multiple_of3A, %dma_start3A] : memref<10008x128xf32, #tpu.memory_space<vmem_shared>> -> memref<632x128xf32, #tpu.memory_space<vmem_shared>>
        %dma_start3A_35 = arith.constant 0 : i32
        %dma_start3A_36 = tpu.memref_slice %arg4[%multiple_of3A, %dma_start3A_35] : memref<10008x128xf32, #tpu.memory_space<hbm>> -> memref<632x128xf32, #tpu.memory_space<hbm>>
        tpu.enqueue_dma source(%dma_start3A_36 : memref<632x128xf32, #tpu.memory_space<hbm>>) target(%dma_start3A_34 : memref<632x128xf32, #tpu.memory_space<vmem_shared>>) target_semaphore(%run_scoped3A : memref<!tpu.dma_semaphore, #tpu.memory_space<semaphore_mem>>)
        %dma_wait3A = arith.constant 0 : i32
        %dma_wait3A_37 = tpu.memref_slice %arg9[%multiple_of3A, %dma_wait3A] : memref<10008x128xf32, #tpu.memory_space<vmem_shared>> -> memref<632x128xf32, #tpu.memory_space<vmem_shared>>
        %dma_wait3A_38 = arith.constant 0 : i32
        %dma_wait3A_39 = tpu.memref_slice %arg4[%multiple_of3A, %dma_wait3A_38] : memref<10008x128xf32, #tpu.memory_space<hbm>> -> memref<632x128xf32, #tpu.memory_space<hbm>>
        tpu.wait_dma2 semaphore(%run_scoped3A : memref<!tpu.dma_semaphore, #tpu.memory_space<semaphore_mem>>) src(%dma_wait3A_39 : memref<632x128xf32, #tpu.memory_space<hbm>>) dst(%dma_wait3A_37 : memref<632x128xf32, #tpu.memory_space<vmem_shared>>)
        tpu.yield
      }) : () -> ()
    } else {
    }
    %eq3A = arith.constant 15 : i32
    %eq3A_2 = arith.cmpi eq, %arg1, %eq3A : i32
    %convert_element_type3A_3 = arith.extui %eq3A_2 : i1 to i32
    %cond3A_4 = arith.constant 0 : i32
    %cond3A_5 = arith.cmpi ne, %convert_element_type3A_3, %cond3A_4 : i32
    scf.if %cond3A_5 {
      %multiple_of3A = arith.constant 9480 : i32
      %multiple_of3A_32 = tpu.assume_multiple %multiple_of3A, 8 : i32
      "tpu.region"() ({
        %run_scoped3A = tpu.sem_alloc : memref<!tpu.dma_semaphore, #tpu.memory_space<semaphore_mem>>
        %dma_start3A = arith.constant 0 : i32
        %dma_start3A_33 = tpu.memref_slice %arg9[%multiple_of3A_32, %dma_start3A] : memref<10008x128xf32, #tpu.memory_space<vmem_shared>> -> memref<528x128xf32, #tpu.memory_space<vmem_shared>>
        %dma_start3A_34 = arith.constant 0 : i32
        %dma_start3A_35 = tpu.memref_slice %arg4[%multiple_of3A_32, %dma_start3A_34] : memref<10008x128xf32, #tpu.memory_space<hbm>> -> memref<528x128xf32, #tpu.memory_space<hbm>>
        tpu.enqueue_dma source(%dma_start3A_35 : memref<528x128xf32, #tpu.memory_space<hbm>>) target(%dma_start3A_33 : memref<528x128xf32, #tpu.memory_space<vmem_shared>>) target_semaphore(%run_scoped3A : memref<!tpu.dma_semaphore, #tpu.memory_space<semaphore_mem>>)
        %dma_wait3A = arith.constant 0 : i32
        %dma_wait3A_36 = tpu.memref_slice %arg9[%multiple_of3A_32, %dma_wait3A] : memref<10008x128xf32, #tpu.memory_space<vmem_shared>> -> memref<528x128xf32, #tpu.memory_space<vmem_shared>>
        %dma_wait3A_37 = arith.constant 0 : i32
        %dma_wait3A_38 = tpu.memref_slice %arg4[%multiple_of3A_32, %dma_wait3A_37] : memref<10008x128xf32, #tpu.memory_space<hbm>> -> memref<528x128xf32, #tpu.memory_space<hbm>>
        tpu.wait_dma2 semaphore(%run_scoped3A : memref<!tpu.dma_semaphore, #tpu.memory_space<semaphore_mem>>) src(%dma_wait3A_38 : memref<528x128xf32, #tpu.memory_space<hbm>>) dst(%dma_wait3A_36 : memref<528x128xf32, #tpu.memory_space<vmem_shared>>)
        tpu.yield
      }) : () -> ()
    } else {
    }
    %barrier3A = arith.constant 0 : index
    tpu.barrier barrier_id(%barrier3A)
    %mul3A = arith.constant 160 : i32
    %mul3A_6 = arith.muli %arg1, %mul3A : i32
    %eq3A_7 = arith.constant 0 : i32
    %eq3A_8 = arith.cmpi eq, %arg0, %eq3A_7 : i32
    %convert_element_type3A_9 = arith.extui %eq3A_8 : i1 to i32
    %cond3A_10 = arith.constant 0 : i32
    %cond3A_11 = arith.constant 1 : i32
    %cond3A_12 = arith.constant 0 : i32
    %cond3A_13 = arith.cmpi ne, %convert_element_type3A_9, %cond3A_12 : i32
    scf.if %cond3A_13 {
      %add3A = arith.constant 0 : i32
      %add3A_32 = arith.addi %mul3A_6, %add3A : i32
      %multiple_of3A = tpu.assume_multiple %add3A_32, 8 : i32
      %run_scoped3A = arith.constant 0 : i32
      "tpu.region"() ({
        %run_scoped3A_92 = tpu.sem_alloc : memref<!tpu.dma_semaphore, #tpu.memory_space<semaphore_mem>>
        %dma_start3A_93 = arith.constant 0 : i32
        %dma_start3A_94 = arith.constant 0 : i32
        %dma_start3A_95 = tpu.memref_slice %arg6[%dma_start3A_93, %dma_start3A_94] : memref<56x128xi32, #tpu.memory_space<vmem>> -> memref<56x128xi32, #tpu.memory_space<vmem>>
        %dma_start3A_96 = arith.constant 0 : i32
        %dma_start3A_97 = tpu.memref_slice %arg3[%run_scoped3A, %multiple_of3A, %dma_start3A_96] : memref<2x2560x128xi32, #tpu.memory_space<hbm>> -> memref<1x56x128xi32, #tpu.memory_space<hbm>>
        %dma_start3A_98 = tpu.memref_squeeze %dma_start3A_97 : memref<1x56x128xi32, #tpu.memory_space<hbm>> -> memref<56x128xi32, #tpu.memory_space<hbm>>
        %dma_start3A_99 = arith.constant 0 : i32
        %dma_start3A_100 = arith.constant 0 : i32
        %dma_start3A_101 = tpu.memref_slice %arg6[%dma_start3A_99, %dma_start3A_100] : memref<56x128xi32, #tpu.memory_space<vmem>> -> memref<56x128xi32, #tpu.memory_space<vmem>>
        %dma_start3A_102 = arith.constant 0 : i32
        %dma_start3A_103 = tpu.memref_slice %arg3[%run_scoped3A, %multiple_of3A, %dma_start3A_102] : memref<2x2560x128xi32, #tpu.memory_space<hbm>> -> memref<1x56x128xi32, #tpu.memory_space<hbm>>
        %dma_start3A_104 = tpu.memref_squeeze %dma_start3A_103 : memref<1x56x128xi32, #tpu.memory_space<hbm>> -> memref<56x128xi32, #tpu.memory_space<hbm>>
        tpu.enqueue_dma source(%dma_start3A_104 : memref<56x128xi32, #tpu.memory_space<hbm>>) target(%dma_start3A_101 : memref<56x128xi32, #tpu.memory_space<vmem>>) target_semaphore(%run_scoped3A_92 : memref<!tpu.dma_semaphore, #tpu.memory_space<semaphore_mem>>)
        %dma_wait3A_105 = arith.constant 0 : i32
        %dma_wait3A_106 = arith.constant 0 : i32
        %dma_wait3A_107 = tpu.memref_slice %arg6[%dma_wait3A_105, %dma_wait3A_106] : memref<56x128xi32, #tpu.memory_space<vmem>> -> memref<56x128xi32, #tpu.memory_space<vmem>>
        %dma_wait3A_108 = arith.constant 0 : i32
        %dma_wait3A_109 = tpu.memref_slice %arg3[%run_scoped3A, %multiple_of3A, %dma_wait3A_108] : memref<2x2560x128xi32, #tpu.memory_space<hbm>> -> memref<1x56x128xi32, #tpu.memory_space<hbm>>
        %dma_wait3A_110 = tpu.memref_squeeze %dma_wait3A_109 : memref<1x56x128xi32, #tpu.memory_space<hbm>> -> memref<56x128xi32, #tpu.memory_space<hbm>>
        %dma_wait3A_111 = arith.constant 0 : i32
        %dma_wait3A_112 = arith.constant 0 : i32
        %dma_wait3A_113 = tpu.memref_slice %arg6[%dma_wait3A_111, %dma_wait3A_112] : memref<56x128xi32, #tpu.memory_space<vmem>> -> memref<56x128xi32, #tpu.memory_space<vmem>>
        %dma_wait3A_114 = arith.constant 0 : i32
        %dma_wait3A_115 = tpu.memref_slice %arg3[%run_scoped3A, %multiple_of3A, %dma_wait3A_114] : memref<2x2560x128xi32, #tpu.memory_space<hbm>> -> memref<1x56x128xi32, #tpu.memory_space<hbm>>
        %dma_wait3A_116 = tpu.memref_squeeze %dma_wait3A_115 : memref<1x56x128xi32, #tpu.memory_space<hbm>> -> memref<56x128xi32, #tpu.memory_space<hbm>>
        tpu.wait_dma2 semaphore(%run_scoped3A_92 : memref<!tpu.dma_semaphore, #tpu.memory_space<semaphore_mem>>) src(%dma_wait3A_116 : memref<56x128xi32, #tpu.memory_space<hbm>>) dst(%dma_wait3A_113 : memref<56x128xi32, #tpu.memory_space<vmem>>)
        tpu.yield
      }) : () -> ()
      %run_scoped3A_33 = arith.constant 1 : i32
      "tpu.region"() ({
        %run_scoped3A_92 = tpu.sem_alloc : memref<!tpu.dma_semaphore, #tpu.memory_space<semaphore_mem>>
        %dma_start3A_93 = arith.constant 0 : i32
        %dma_start3A_94 = arith.constant 0 : i32
        %dma_start3A_95 = tpu.memref_slice %arg7[%dma_start3A_93, %dma_start3A_94] : memref<56x128xi32, #tpu.memory_space<vmem>> -> memref<56x128xi32, #tpu.memory_space<vmem>>
        %dma_start3A_96 = arith.constant 0 : i32
        %dma_start3A_97 = tpu.memref_slice %arg3[%run_scoped3A_33, %multiple_of3A, %dma_start3A_96] : memref<2x2560x128xi32, #tpu.memory_space<hbm>> -> memref<1x56x128xi32, #tpu.memory_space<hbm>>
        %dma_start3A_98 = tpu.memref_squeeze %dma_start3A_97 : memref<1x56x128xi32, #tpu.memory_space<hbm>> -> memref<56x128xi32, #tpu.memory_space<hbm>>
        %dma_start3A_99 = arith.constant 0 : i32
        %dma_start3A_100 = arith.constant 0 : i32
        %dma_start3A_101 = tpu.memref_slice %arg7[%dma_start3A_99, %dma_start3A_100] : memref<56x128xi32, #tpu.memory_space<vmem>> -> memref<56x128xi32, #tpu.memory_space<vmem>>
        %dma_start3A_102 = arith.constant 0 : i32
        %dma_start3A_103 = tpu.memref_slice %arg3[%run_scoped3A_33, %multiple_of3A, %dma_start3A_102] : memref<2x2560x128xi32, #tpu.memory_space<hbm>> -> memref<1x56x128xi32, #tpu.memory_space<hbm>>
        %dma_start3A_104 = tpu.memref_squeeze %dma_start3A_103 : memref<1x56x128xi32, #tpu.memory_space<hbm>> -> memref<56x128xi32, #tpu.memory_space<hbm>>
        tpu.enqueue_dma source(%dma_start3A_104 : memref<56x128xi32, #tpu.memory_space<hbm>>) target(%dma_start3A_101 : memref<56x128xi32, #tpu.memory_space<vmem>>) target_semaphore(%run_scoped3A_92 : memref<!tpu.dma_semaphore, #tpu.memory_space<semaphore_mem>>)
        %dma_wait3A_105 = arith.constant 0 : i32
        %dma_wait3A_106 = arith.constant 0 : i32
        %dma_wait3A_107 = tpu.memref_slice %arg7[%dma_wait3A_105, %dma_wait3A_106] : memref<56x128xi32, #tpu.memory_space<vmem>> -> memref<56x128xi32, #tpu.memory_space<vmem>>
        %dma_wait3A_108 = arith.constant 0 : i32
        %dma_wait3A_109 = tpu.memref_slice %arg3[%run_scoped3A_33, %multiple_of3A, %dma_wait3A_108] : memref<2x2560x128xi32, #tpu.memory_space<hbm>> -> memref<1x56x128xi32, #tpu.memory_space<hbm>>
        %dma_wait3A_110 = tpu.memref_squeeze %dma_wait3A_109 : memref<1x56x128xi32, #tpu.memory_space<hbm>> -> memref<56x128xi32, #tpu.memory_space<hbm>>
        %dma_wait3A_111 = arith.constant 0 : i32
        %dma_wait3A_112 = arith.constant 0 : i32
        %dma_wait3A_113 = tpu.memref_slice %arg7[%dma_wait3A_111, %dma_wait3A_112] : memref<56x128xi32, #tpu.memory_space<vmem>> -> memref<56x128xi32, #tpu.memory_space<vmem>>
        %dma_wait3A_114 = arith.constant 0 : i32
        %dma_wait3A_115 = tpu.memref_slice %arg3[%run_scoped3A_33, %multiple_of3A, %dma_wait3A_114] : memref<2x2560x128xi32, #tpu.memory_space<hbm>> -> memref<1x56x128xi32, #tpu.memory_space<hbm>>
        %dma_wait3A_116 = tpu.memref_squeeze %dma_wait3A_115 : memref<1x56x128xi32, #tpu.memory_space<hbm>> -> memref<56x128xi32, #tpu.memory_space<hbm>>
        tpu.wait_dma2 semaphore(%run_scoped3A_92 : memref<!tpu.dma_semaphore, #tpu.memory_space<semaphore_mem>>) src(%dma_wait3A_116 : memref<56x128xi32, #tpu.memory_space<hbm>>) dst(%dma_wait3A_113 : memref<56x128xi32, #tpu.memory_space<vmem>>)
        tpu.yield
      }) : () -> ()
      %dma_start3A = arith.constant 0 : i32
      %dma_start3A_34 = arith.constant 0 : i32
      %dma_start3A_35 = arith.constant 0 : i32
      %dma_start3A_36 = tpu.memref_slice %arg8[%cond3A_10, %dma_start3A_34, %dma_start3A_35] : memref<2x128x128xf32, #tpu.memory_space<vmem>> -> memref<1x128x128xf32, #tpu.memory_space<vmem>>
      %dma_start3A_37 = tpu.memref_squeeze %dma_start3A_36 : memref<1x128x128xf32, #tpu.memory_space<vmem>> -> memref<128x128xf32, #tpu.memory_space<vmem>>
      %dma_start3A_38 = arith.constant 0 : i32
      %dma_start3A_39 = tpu.memref_slice %arg6[%dma_start3A, %dma_start3A_38] : memref<56x128xi32, #tpu.memory_space<vmem>> -> memref<1x128xi32, #tpu.memory_space<vmem>>
      %dma_start3A_40 = tpu.memref_squeeze %dma_start3A_39 : memref<1x128xi32, #tpu.memory_space<vmem>> -> memref<128xi32, #tpu.memory_space<vmem>>
      %dma_start3A_41 = arith.constant 0 : i32
      %dma_start3A_42 = arith.constant 0 : i32
      %dma_start3A_43 = tpu.memref_slice %arg2[%dma_start3A_41, %dma_start3A_42] : memref<10000x128xf32, #tpu.memory_space<hbm>> -> memref<10000x128xf32, #tpu.memory_space<hbm>>
      tpu.enqueue_indirect_dma source(%dma_start3A_43 : memref<10000x128xf32, #tpu.memory_space<hbm>>) target(%dma_start3A_37 : memref<128x128xf32, #tpu.memory_space<vmem>>) offsets(%dma_start3A_40 : memref<128xi32, #tpu.memory_space<vmem>>) semaphore(%arg10 : memref<!tpu.dma_semaphore, #tpu.memory_space<semaphore_mem>>)
      %scan3A = arith.constant 0 : i32
      %scan3A_44 = arith.constant 0 : i32
      %scan3A_45 = arith.constant 28 : i32
      %scan3A_46 = arith.addi %scan3A_44, %scan3A_45 : i32
      %scan3A_47 = arith.constant 1 : i32
      scf.for %scan3A_92 = %scan3A_44 to %scan3A_46 step %scan3A_47  : i32 {
        %mul3A_93 = arith.constant 2 : i32
        %mul3A_94 = arith.muli %mul3A_93, %scan3A_92 : i32
        %mul3A_95 = arith.constant 2 : i32
        %mul3A_96 = arith.muli %mul3A_95, %scan3A_92 : i32
        %add3A_97 = arith.constant 1 : i32
        %add3A_98 = arith.addi %mul3A_96, %add3A_97 : i32
        %gt3A = arith.constant 0 : i32
        %gt3A_99 = arith.cmpi sgt, %scan3A_92, %gt3A : i32
        %convert_element_type3A_100 = arith.extui %gt3A_99 : i1 to i32
        %cond3A_101 = arith.constant 0 : i32
        %cond3A_102 = arith.cmpi ne, %convert_element_type3A_100, %cond3A_101 : i32
        scf.if %cond3A_102 {
          %sub3A = arith.constant 1 : i32
          %sub3A_168 = arith.subi %mul3A_94, %sub3A : i32
          %dma_wait3A_169 = arith.constant 0 : i32
          %dma_wait3A_170 = arith.constant 0 : i32
          %dma_wait3A_171 = tpu.memref_slice %arg8[%cond3A_11, %dma_wait3A_169, %dma_wait3A_170] : memref<2x128x128xf32, #tpu.memory_space<vmem>> -> memref<1x128x128xf32, #tpu.memory_space<vmem>>
          %dma_wait3A_172 = tpu.memref_squeeze %dma_wait3A_171 : memref<1x128x128xf32, #tpu.memory_space<vmem>> -> memref<128x128xf32, #tpu.memory_space<vmem>>
          %dma_wait3A_173 = arith.constant 0 : i32
          %dma_wait3A_174 = tpu.memref_slice %arg6[%sub3A_168, %dma_wait3A_173] : memref<56x128xi32, #tpu.memory_space<vmem>> -> memref<1x128xi32, #tpu.memory_space<vmem>>
          %dma_wait3A_175 = tpu.memref_squeeze %dma_wait3A_174 : memref<1x128xi32, #tpu.memory_space<vmem>> -> memref<128xi32, #tpu.memory_space<vmem>>
          %dma_wait3A_176 = arith.constant 0 : i32
          %dma_wait3A_177 = arith.constant 0 : i32
          %dma_wait3A_178 = tpu.memref_slice %arg2[%dma_wait3A_176, %dma_wait3A_177] : memref<10000x128xf32, #tpu.memory_space<hbm>> -> memref<10000x128xf32, #tpu.memory_space<hbm>>
          tpu.wait_indirect_dma semaphore(%arg13 : memref<!tpu.dma_semaphore, #tpu.memory_space<semaphore_mem>>) src(%dma_wait3A_178 : memref<10000x128xf32, #tpu.memory_space<hbm>>) dst(%dma_wait3A_172 : memref<128x128xf32, #tpu.memory_space<vmem>>)
        } else {
        }
        %dma_start3A_103 = arith.constant 0 : i32
        %dma_start3A_104 = arith.constant 0 : i32
        %dma_start3A_105 = tpu.memref_slice %arg8[%cond3A_11, %dma_start3A_103, %dma_start3A_104] : memref<2x128x128xf32, #tpu.memory_space<vmem>> -> memref<1x128x128xf32, #tpu.memory_space<vmem>>
        %dma_start3A_106 = tpu.memref_squeeze %dma_start3A_105 : memref<1x128x128xf32, #tpu.memory_space<vmem>> -> memref<128x128xf32, #tpu.memory_space<vmem>>
        %dma_start3A_107 = arith.constant 0 : i32
        %dma_start3A_108 = tpu.memref_slice %arg6[%add3A_98, %dma_start3A_107] : memref<56x128xi32, #tpu.memory_space<vmem>> -> memref<1x128xi32, #tpu.memory_space<vmem>>
        %dma_start3A_109 = tpu.memref_squeeze %dma_start3A_108 : memref<1x128xi32, #tpu.memory_space<vmem>> -> memref<128xi32, #tpu.memory_space<vmem>>
        %dma_start3A_110 = arith.constant 0 : i32
        %dma_start3A_111 = arith.constant 0 : i32
        %dma_start3A_112 = tpu.memref_slice %arg2[%dma_start3A_110, %dma_start3A_111] : memref<10000x128xf32, #tpu.memory_space<hbm>> -> memref<10000x128xf32, #tpu.memory_space<hbm>>
        tpu.enqueue_indirect_dma source(%dma_start3A_112 : memref<10000x128xf32, #tpu.memory_space<hbm>>) target(%dma_start3A_106 : memref<128x128xf32, #tpu.memory_space<vmem>>) offsets(%dma_start3A_109 : memref<128xi32, #tpu.memory_space<vmem>>) semaphore(%arg11 : memref<!tpu.dma_semaphore, #tpu.memory_space<semaphore_mem>>)
        %dma_wait3A_113 = arith.constant 0 : i32
        %dma_wait3A_114 = arith.constant 0 : i32
        %dma_wait3A_115 = tpu.memref_slice %arg8[%cond3A_10, %dma_wait3A_113, %dma_wait3A_114] : memref<2x128x128xf32, #tpu.memory_space<vmem>> -> memref<1x128x128xf32, #tpu.memory_space<vmem>>
        %dma_wait3A_116 = tpu.memref_squeeze %dma_wait3A_115 : memref<1x128x128xf32, #tpu.memory_space<vmem>> -> memref<128x128xf32, #tpu.memory_space<vmem>>
        %dma_wait3A_117 = arith.constant 0 : i32
        %dma_wait3A_118 = tpu.memref_slice %arg6[%mul3A_94, %dma_wait3A_117] : memref<56x128xi32, #tpu.memory_space<vmem>> -> memref<1x128xi32, #tpu.memory_space<vmem>>
        %dma_wait3A_119 = tpu.memref_squeeze %dma_wait3A_118 : memref<1x128xi32, #tpu.memory_space<vmem>> -> memref<128xi32, #tpu.memory_space<vmem>>
        %dma_wait3A_120 = arith.constant 0 : i32
        %dma_wait3A_121 = arith.constant 0 : i32
        %dma_wait3A_122 = tpu.memref_slice %arg2[%dma_wait3A_120, %dma_wait3A_121] : memref<10000x128xf32, #tpu.memory_space<hbm>> -> memref<10000x128xf32, #tpu.memory_space<hbm>>
        tpu.wait_indirect_dma semaphore(%arg10 : memref<!tpu.dma_semaphore, #tpu.memory_space<semaphore_mem>>) src(%dma_wait3A_122 : memref<10000x128xf32, #tpu.memory_space<hbm>>) dst(%dma_wait3A_116 : memref<128x128xf32, #tpu.memory_space<vmem>>)
        %dma_start3A_123 = arith.constant 0 : i32
        %dma_start3A_124 = arith.constant 0 : i32
        %dma_start3A_125 = tpu.memref_slice %arg8[%cond3A_10, %dma_start3A_123, %dma_start3A_124] : memref<2x128x128xf32, #tpu.memory_space<vmem>> -> memref<1x128x128xf32, #tpu.memory_space<vmem>>
        %dma_start3A_126 = tpu.memref_squeeze %dma_start3A_125 : memref<1x128x128xf32, #tpu.memory_space<vmem>> -> memref<128x128xf32, #tpu.memory_space<vmem>>
        %dma_start3A_127 = arith.constant 0 : i32
        %dma_start3A_128 = tpu.memref_slice %arg7[%mul3A_94, %dma_start3A_127] : memref<56x128xi32, #tpu.memory_space<vmem>> -> memref<1x128xi32, #tpu.memory_space<vmem>>
        %dma_start3A_129 = tpu.memref_squeeze %dma_start3A_128 : memref<1x128xi32, #tpu.memory_space<vmem>> -> memref<128xi32, #tpu.memory_space<vmem>>
        %dma_start3A_130 = arith.constant 0 : i32
        %dma_start3A_131 = arith.constant 0 : i32
        %dma_start3A_132 = tpu.memref_slice %arg9[%dma_start3A_130, %dma_start3A_131] : memref<10008x128xf32, #tpu.memory_space<vmem_shared>> -> memref<10008x128xf32, #tpu.memory_space<vmem_shared>>
        tpu.enqueue_indirect_dma source(%dma_start3A_126 : memref<128x128xf32, #tpu.memory_space<vmem>>) target(%dma_start3A_132 : memref<10008x128xf32, #tpu.memory_space<vmem_shared>>) offsets(%dma_start3A_129 : memref<128xi32, #tpu.memory_space<vmem>>) semaphore(%arg12 : memref<!tpu.dma_semaphore, #tpu.memory_space<semaphore_mem>>) {add = true}
        %dma_wait3A_133 = arith.constant 0 : i32
        %dma_wait3A_134 = arith.constant 0 : i32
        %dma_wait3A_135 = tpu.memref_slice %arg8[%cond3A_11, %dma_wait3A_133, %dma_wait3A_134] : memref<2x128x128xf32, #tpu.memory_space<vmem>> -> memref<1x128x128xf32, #tpu.memory_space<vmem>>
        %dma_wait3A_136 = tpu.memref_squeeze %dma_wait3A_135 : memref<1x128x128xf32, #tpu.memory_space<vmem>> -> memref<128x128xf32, #tpu.memory_space<vmem>>
        %dma_wait3A_137 = arith.constant 0 : i32
        %dma_wait3A_138 = tpu.memref_slice %arg6[%add3A_98, %dma_wait3A_137] : memref<56x128xi32, #tpu.memory_space<vmem>> -> memref<1x128xi32, #tpu.memory_space<vmem>>
        %dma_wait3A_139 = tpu.memref_squeeze %dma_wait3A_138 : memref<1x128xi32, #tpu.memory_space<vmem>> -> memref<128xi32, #tpu.memory_space<vmem>>
        %dma_wait3A_140 = arith.constant 0 : i32
        %dma_wait3A_141 = arith.constant 0 : i32
        %dma_wait3A_142 = tpu.memref_slice %arg2[%dma_wait3A_140, %dma_wait3A_141] : memref<10000x128xf32, #tpu.memory_space<hbm>> -> memref<10000x128xf32, #tpu.memory_space<hbm>>
        tpu.wait_indirect_dma semaphore(%arg11 : memref<!tpu.dma_semaphore, #tpu.memory_space<semaphore_mem>>) src(%dma_wait3A_142 : memref<10000x128xf32, #tpu.memory_space<hbm>>) dst(%dma_wait3A_136 : memref<128x128xf32, #tpu.memory_space<vmem>>)
        %dma_start3A_143 = arith.constant 0 : i32
        %dma_start3A_144 = arith.constant 0 : i32
        %dma_start3A_145 = tpu.memref_slice %arg8[%cond3A_11, %dma_start3A_143, %dma_start3A_144] : memref<2x128x128xf32, #tpu.memory_space<vmem>> -> memref<1x128x128xf32, #tpu.memory_space<vmem>>
        %dma_start3A_146 = tpu.memref_squeeze %dma_start3A_145 : memref<1x128x128xf32, #tpu.memory_space<vmem>> -> memref<128x128xf32, #tpu.memory_space<vmem>>
        %dma_start3A_147 = arith.constant 0 : i32
        %dma_start3A_148 = tpu.memref_slice %arg7[%add3A_98, %dma_start3A_147] : memref<56x128xi32, #tpu.memory_space<vmem>> -> memref<1x128xi32, #tpu.memory_space<vmem>>
        %dma_start3A_149 = tpu.memref_squeeze %dma_start3A_148 : memref<1x128xi32, #tpu.memory_space<vmem>> -> memref<128xi32, #tpu.memory_space<vmem>>
        %dma_start3A_150 = arith.constant 0 : i32
        %dma_start3A_151 = arith.constant 0 : i32
        %dma_start3A_152 = tpu.memref_slice %arg9[%dma_start3A_150, %dma_start3A_151] : memref<10008x128xf32, #tpu.memory_space<vmem_shared>> -> memref<10008x128xf32, #tpu.memory_space<vmem_shared>>
        tpu.enqueue_indirect_dma source(%dma_start3A_146 : memref<128x128xf32, #tpu.memory_space<vmem>>) target(%dma_start3A_152 : memref<10008x128xf32, #tpu.memory_space<vmem_shared>>) offsets(%dma_start3A_149 : memref<128xi32, #tpu.memory_space<vmem>>) semaphore(%arg13 : memref<!tpu.dma_semaphore, #tpu.memory_space<semaphore_mem>>) {add = true}
        %dma_wait3A_153 = arith.constant 0 : i32
        %dma_wait3A_154 = arith.constant 0 : i32
        %dma_wait3A_155 = tpu.memref_slice %arg8[%cond3A_10, %dma_wait3A_153, %dma_wait3A_154] : memref<2x128x128xf32, #tpu.memory_space<vmem>> -> memref<1x128x128xf32, #tpu.memory_space<vmem>>
        %dma_wait3A_156 = tpu.memref_squeeze %dma_wait3A_155 : memref<1x128x128xf32, #tpu.memory_space<vmem>> -> memref<128x128xf32, #tpu.memory_space<vmem>>
        %dma_wait3A_157 = arith.constant 0 : i32
        %dma_wait3A_158 = tpu.memref_slice %arg6[%mul3A_94, %dma_wait3A_157] : memref<56x128xi32, #tpu.memory_space<vmem>> -> memref<1x128xi32, #tpu.memory_space<vmem>>
        %dma_wait3A_159 = tpu.memref_squeeze %dma_wait3A_158 : memref<1x128xi32, #tpu.memory_space<vmem>> -> memref<128xi32, #tpu.memory_space<vmem>>
        %dma_wait3A_160 = arith.constant 0 : i32
        %dma_wait3A_161 = arith.constant 0 : i32
        %dma_wait3A_162 = tpu.memref_slice %arg2[%dma_wait3A_160, %dma_wait3A_161] : memref<10000x128xf32, #tpu.memory_space<hbm>> -> memref<10000x128xf32, #tpu.memory_space<hbm>>
        tpu.wait_indirect_dma semaphore(%arg12 : memref<!tpu.dma_semaphore, #tpu.memory_space<semaphore_mem>>) src(%dma_wait3A_162 : memref<10000x128xf32, #tpu.memory_space<hbm>>) dst(%dma_wait3A_156 : memref<128x128xf32, #tpu.memory_space<vmem>>)
        %lt3A_163 = arith.constant 27 : i32
        %lt3A_164 = arith.cmpi slt, %scan3A_92, %lt3A_163 : i32
        %convert_element_type3A_165 = arith.extui %lt3A_164 : i1 to i32
        %cond3A_166 = arith.constant 0 : i32
        %cond3A_167 = arith.cmpi ne, %convert_element_type3A_165, %cond3A_166 : i32
        scf.if %cond3A_167 {
          %add3A_168 = arith.constant 2 : i32
          %add3A_169 = arith.addi %mul3A_94, %add3A_168 : i32
          %dma_start3A_170 = arith.constant 0 : i32
          %dma_start3A_171 = arith.constant 0 : i32
          %dma_start3A_172 = tpu.memref_slice %arg8[%cond3A_10, %dma_start3A_170, %dma_start3A_171] : memref<2x128x128xf32, #tpu.memory_space<vmem>> -> memref<1x128x128xf32, #tpu.memory_space<vmem>>
          %dma_start3A_173 = tpu.memref_squeeze %dma_start3A_172 : memref<1x128x128xf32, #tpu.memory_space<vmem>> -> memref<128x128xf32, #tpu.memory_space<vmem>>
          %dma_start3A_174 = arith.constant 0 : i32
          %dma_start3A_175 = tpu.memref_slice %arg6[%add3A_169, %dma_start3A_174] : memref<56x128xi32, #tpu.memory_space<vmem>> -> memref<1x128xi32, #tpu.memory_space<vmem>>
          %dma_start3A_176 = tpu.memref_squeeze %dma_start3A_175 : memref<1x128xi32, #tpu.memory_space<vmem>> -> memref<128xi32, #tpu.memory_space<vmem>>
          %dma_start3A_177 = arith.constant 0 : i32
          %dma_start3A_178 = arith.constant 0 : i32
          %dma_start3A_179 = tpu.memref_slice %arg2[%dma_start3A_177, %dma_start3A_178] : memref<10000x128xf32, #tpu.memory_space<hbm>> -> memref<10000x128xf32, #tpu.memory_space<hbm>>
          tpu.enqueue_indirect_dma source(%dma_start3A_179 : memref<10000x128xf32, #tpu.memory_space<hbm>>) target(%dma_start3A_173 : memref<128x128xf32, #tpu.memory_space<vmem>>) offsets(%dma_start3A_176 : memref<128xi32, #tpu.memory_space<vmem>>) semaphore(%arg10 : memref<!tpu.dma_semaphore, #tpu.memory_space<semaphore_mem>>)
        } else {
        }
      }
      %scan3A_48 = arith.constant 28 : i32
      %dma_wait3A = arith.constant 55 : i32
      %dma_wait3A_49 = arith.constant 0 : i32
      %dma_wait3A_50 = arith.constant 0 : i32
      %dma_wait3A_51 = tpu.memref_slice %arg8[%cond3A_11, %dma_wait3A_49, %dma_wait3A_50] : memref<2x128x128xf32, #tpu.memory_space<vmem>> -> memref<1x128x128xf32, #tpu.memory_space<vmem>>
      %dma_wait3A_52 = tpu.memref_squeeze %dma_wait3A_51 : memref<1x128x128xf32, #tpu.memory_space<vmem>> -> memref<128x128xf32, #tpu.memory_space<vmem>>
      %dma_wait3A_53 = arith.constant 0 : i32
      %dma_wait3A_54 = tpu.memref_slice %arg6[%dma_wait3A, %dma_wait3A_53] : memref<56x128xi32, #tpu.memory_space<vmem>> -> memref<1x128xi32, #tpu.memory_space<vmem>>
      %dma_wait3A_55 = tpu.memref_squeeze %dma_wait3A_54 : memref<1x128xi32, #tpu.memory_space<vmem>> -> memref<128xi32, #tpu.memory_space<vmem>>
      %dma_wait3A_56 = arith.constant 0 : i32
      %dma_wait3A_57 = arith.constant 0 : i32
      %dma_wait3A_58 = tpu.memref_slice %arg2[%dma_wait3A_56, %dma_wait3A_57] : memref<10000x128xf32, #tpu.memory_space<hbm>> -> memref<10000x128xf32, #tpu.memory_space<hbm>>
      tpu.wait_indirect_dma semaphore(%arg13 : memref<!tpu.dma_semaphore, #tpu.memory_space<semaphore_mem>>) src(%dma_wait3A_58 : memref<10000x128xf32, #tpu.memory_space<hbm>>) dst(%dma_wait3A_52 : memref<128x128xf32, #tpu.memory_space<vmem>>)
      %add3A_59 = arith.constant 56 : i32
      %add3A_60 = arith.addi %mul3A_6, %add3A_59 : i32
      %multiple_of3A_61 = tpu.assume_multiple %add3A_60, 8 : i32
      %run_scoped3A_62 = arith.constant 0 : i32
      "tpu.region"() ({
        %run_scoped3A_92 = tpu.sem_alloc : memref<!tpu.dma_semaphore, #tpu.memory_space<semaphore_mem>>
        %dma_start3A_93 = arith.constant 0 : i32
        %dma_start3A_94 = arith.constant 0 : i32
        %dma_start3A_95 = tpu.memref_slice %arg6[%dma_start3A_93, %dma_start3A_94] : memref<56x128xi32, #tpu.memory_space<vmem>> -> memref<56x128xi32, #tpu.memory_space<vmem>>
        %dma_start3A_96 = arith.constant 0 : i32
        %dma_start3A_97 = tpu.memref_slice %arg3[%run_scoped3A_62, %multiple_of3A_61, %dma_start3A_96] : memref<2x2560x128xi32, #tpu.memory_space<hbm>> -> memref<1x56x128xi32, #tpu.memory_space<hbm>>
        %dma_start3A_98 = tpu.memref_squeeze %dma_start3A_97 : memref<1x56x128xi32, #tpu.memory_space<hbm>> -> memref<56x128xi32, #tpu.memory_space<hbm>>
        %dma_start3A_99 = arith.constant 0 : i32
        %dma_start3A_100 = arith.constant 0 : i32
        %dma_start3A_101 = tpu.memref_slice %arg6[%dma_start3A_99, %dma_start3A_100] : memref<56x128xi32, #tpu.memory_space<vmem>> -> memref<56x128xi32, #tpu.memory_space<vmem>>
        %dma_start3A_102 = arith.constant 0 : i32
        %dma_start3A_103 = tpu.memref_slice %arg3[%run_scoped3A_62, %multiple_of3A_61, %dma_start3A_102] : memref<2x2560x128xi32, #tpu.memory_space<hbm>> -> memref<1x56x128xi32, #tpu.memory_space<hbm>>
        %dma_start3A_104 = tpu.memref_squeeze %dma_start3A_103 : memref<1x56x128xi32, #tpu.memory_space<hbm>> -> memref<56x128xi32, #tpu.memory_space<hbm>>
        tpu.enqueue_dma source(%dma_start3A_104 : memref<56x128xi32, #tpu.memory_space<hbm>>) target(%dma_start3A_101 : memref<56x128xi32, #tpu.memory_space<vmem>>) target_semaphore(%run_scoped3A_92 : memref<!tpu.dma_semaphore, #tpu.memory_space<semaphore_mem>>)
        %dma_wait3A_105 = arith.constant 0 : i32
        %dma_wait3A_106 = arith.constant 0 : i32
        %dma_wait3A_107 = tpu.memref_slice %arg6[%dma_wait3A_105, %dma_wait3A_106] : memref<56x128xi32, #tpu.memory_space<vmem>> -> memref<56x128xi32, #tpu.memory_space<vmem>>
        %dma_wait3A_108 = arith.constant 0 : i32
        %dma_wait3A_109 = tpu.memref_slice %arg3[%run_scoped3A_62, %multiple_of3A_61, %dma_wait3A_108] : memref<2x2560x128xi32, #tpu.memory_space<hbm>> -> memref<1x56x128xi32, #tpu.memory_space<hbm>>
        %dma_wait3A_110 = tpu.memref_squeeze %dma_wait3A_109 : memref<1x56x128xi32, #tpu.memory_space<hbm>> -> memref<56x128xi32, #tpu.memory_space<hbm>>
        %dma_wait3A_111 = arith.constant 0 : i32
        %dma_wait3A_112 = arith.constant 0 : i32
        %dma_wait3A_113 = tpu.memref_slice %arg6[%dma_wait3A_111, %dma_wait3A_112] : memref<56x128xi32, #tpu.memory_space<vmem>> -> memref<56x128xi32, #tpu.memory_space<vmem>>
        %dma_wait3A_114 = arith.constant 0 : i32
        %dma_wait3A_115 = tpu.memref_slice %arg3[%run_scoped3A_62, %multiple_of3A_61, %dma_wait3A_114] : memref<2x2560x128xi32, #tpu.memory_space<hbm>> -> memref<1x56x128xi32, #tpu.memory_space<hbm>>
        %dma_wait3A_116 = tpu.memref_squeeze %dma_wait3A_115 : memref<1x56x128xi32, #tpu.memory_space<hbm>> -> memref<56x128xi32, #tpu.memory_space<hbm>>
        tpu.wait_dma2 semaphore(%run_scoped3A_92 : memref<!tpu.dma_semaphore, #tpu.memory_space<semaphore_mem>>) src(%dma_wait3A_116 : memref<56x128xi32, #tpu.memory_space<hbm>>) dst(%dma_wait3A_113 : memref<56x128xi32, #tpu.memory_space<vmem>>)
        tpu.yield
      }) : () -> ()
      %run_scoped3A_63 = arith.constant 1 : i32
      "tpu.region"() ({
        %run_scoped3A_92 = tpu.sem_alloc : memref<!tpu.dma_semaphore, #tpu.memory_space<semaphore_mem>>
        %dma_start3A_93 = arith.constant 0 : i32
        %dma_start3A_94 = arith.constant 0 : i32
        %dma_start3A_95 = tpu.memref_slice %arg7[%dma_start3A_93, %dma_start3A_94] : memref<56x128xi32, #tpu.memory_space<vmem>> -> memref<56x128xi32, #tpu.memory_space<vmem>>
        %dma_start3A_96 = arith.constant 0 : i32
        %dma_start3A_97 = tpu.memref_slice %arg3[%run_scoped3A_63, %multiple_of3A_61, %dma_start3A_96] : memref<2x2560x128xi32, #tpu.memory_space<hbm>> -> memref<1x56x128xi32, #tpu.memory_space<hbm>>
        %dma_start3A_98 = tpu.memref_squeeze %dma_start3A_97 : memref<1x56x128xi32, #tpu.memory_space<hbm>> -> memref<56x128xi32, #tpu.memory_space<hbm>>
        %dma_start3A_99 = arith.constant 0 : i32
        %dma_start3A_100 = arith.constant 0 : i32
        %dma_start3A_101 = tpu.memref_slice %arg7[%dma_start3A_99, %dma_start3A_100] : memref<56x128xi32, #tpu.memory_space<vmem>> -> memref<56x128xi32, #tpu.memory_space<vmem>>
        %dma_start3A_102 = arith.constant 0 : i32
        %dma_start3A_103 = tpu.memref_slice %arg3[%run_scoped3A_63, %multiple_of3A_61, %dma_start3A_102] : memref<2x2560x128xi32, #tpu.memory_space<hbm>> -> memref<1x56x128xi32, #tpu.memory_space<hbm>>
        %dma_start3A_104 = tpu.memref_squeeze %dma_start3A_103 : memref<1x56x128xi32, #tpu.memory_space<hbm>> -> memref<56x128xi32, #tpu.memory_space<hbm>>
        tpu.enqueue_dma source(%dma_start3A_104 : memref<56x128xi32, #tpu.memory_space<hbm>>) target(%dma_start3A_101 : memref<56x128xi32, #tpu.memory_space<vmem>>) target_semaphore(%run_scoped3A_92 : memref<!tpu.dma_semaphore, #tpu.memory_space<semaphore_mem>>)
        %dma_wait3A_105 = arith.constant 0 : i32
        %dma_wait3A_106 = arith.constant 0 : i32
        %dma_wait3A_107 = tpu.memref_slice %arg7[%dma_wait3A_105, %dma_wait3A_106] : memref<56x128xi32, #tpu.memory_space<vmem>> -> memref<56x128xi32, #tpu.memory_space<vmem>>
        %dma_wait3A_108 = arith.constant 0 : i32
        %dma_wait3A_109 = tpu.memref_slice %arg3[%run_scoped3A_63, %multiple_of3A_61, %dma_wait3A_108] : memref<2x2560x128xi32, #tpu.memory_space<hbm>> -> memref<1x56x128xi32, #tpu.memory_space<hbm>>
        %dma_wait3A_110 = tpu.memref_squeeze %dma_wait3A_109 : memref<1x56x128xi32, #tpu.memory_space<hbm>> -> memref<56x128xi32, #tpu.memory_space<hbm>>
        %dma_wait3A_111 = arith.constant 0 : i32
        %dma_wait3A_112 = arith.constant 0 : i32
        %dma_wait3A_113 = tpu.memref_slice %arg7[%dma_wait3A_111, %dma_wait3A_112] : memref<56x128xi32, #tpu.memory_space<vmem>> -> memref<56x128xi32, #tpu.memory_space<vmem>>
        %dma_wait3A_114 = arith.constant 0 : i32
        %dma_wait3A_115 = tpu.memref_slice %arg3[%run_scoped3A_63, %multiple_of3A_61, %dma_wait3A_114] : memref<2x2560x128xi32, #tpu.memory_space<hbm>> -> memref<1x56x128xi32, #tpu.memory_space<hbm>>
        %dma_wait3A_116 = tpu.memref_squeeze %dma_wait3A_115 : memref<1x56x128xi32, #tpu.memory_space<hbm>> -> memref<56x128xi32, #tpu.memory_space<hbm>>
        tpu.wait_dma2 semaphore(%run_scoped3A_92 : memref<!tpu.dma_semaphore, #tpu.memory_space<semaphore_mem>>) src(%dma_wait3A_116 : memref<56x128xi32, #tpu.memory_space<hbm>>) dst(%dma_wait3A_113 : memref<56x128xi32, #tpu.memory_space<vmem>>)
        tpu.yield
      }) : () -> ()
      %dma_start3A_64 = arith.constant 0 : i32
      %dma_start3A_65 = arith.constant 0 : i32
      %dma_start3A_66 = arith.constant 0 : i32
      %dma_start3A_67 = tpu.memref_slice %arg8[%cond3A_10, %dma_start3A_65, %dma_start3A_66] : memref<2x128x128xf32, #tpu.memory_space<vmem>> -> memref<1x128x128xf32, #tpu.memory_space<vmem>>
      %dma_start3A_68 = tpu.memref_squeeze %dma_start3A_67 : memref<1x128x128xf32, #tpu.memory_space<vmem>> -> memref<128x128xf32, #tpu.memory_space<vmem>>
      %dma_start3A_69 = arith.constant 0 : i32
      %dma_start3A_70 = tpu.memref_slice %arg6[%dma_start3A_64, %dma_start3A_69] : memref<56x128xi32, #tpu.memory_space<vmem>> -> memref<1x128xi32, #tpu.memory_space<vmem>>
      %dma_start3A_71 = tpu.memref_squeeze %dma_start3A_70 : memref<1x128xi32, #tpu.memory_space<vmem>> -> memref<128xi32, #tpu.memory_space<vmem>>
      %dma_start3A_72 = arith.constant 0 : i32
      %dma_start3A_73 = arith.constant 0 : i32
      %dma_start3A_74 = tpu.memref_slice %arg2[%dma_start3A_72, %dma_start3A_73] : memref<10000x128xf32, #tpu.memory_space<hbm>> -> memref<10000x128xf32, #tpu.memory_space<hbm>>
      tpu.enqueue_indirect_dma source(%dma_start3A_74 : memref<10000x128xf32, #tpu.memory_space<hbm>>) target(%dma_start3A_68 : memref<128x128xf32, #tpu.memory_space<vmem>>) offsets(%dma_start3A_71 : memref<128xi32, #tpu.memory_space<vmem>>) semaphore(%arg10 : memref<!tpu.dma_semaphore, #tpu.memory_space<semaphore_mem>>)
      %scan3A_75 = arith.constant 0 : i32
      %scan3A_76 = arith.constant 0 : i32
      %scan3A_77 = arith.constant 28 : i32
      %scan3A_78 = arith.addi %scan3A_76, %scan3A_77 : i32
      %scan3A_79 = arith.constant 1 : i32
      scf.for %scan3A_92 = %scan3A_76 to %scan3A_78 step %scan3A_79  : i32 {
        %mul3A_93 = arith.constant 2 : i32
        %mul3A_94 = arith.muli %mul3A_93, %scan3A_92 : i32
        %mul3A_95 = arith.constant 2 : i32
        %mul3A_96 = arith.muli %mul3A_95, %scan3A_92 : i32
        %add3A_97 = arith.constant 1 : i32
        %add3A_98 = arith.addi %mul3A_96, %add3A_97 : i32
        %gt3A = arith.constant 0 : i32
        %gt3A_99 = arith.cmpi sgt, %scan3A_92, %gt3A : i32
        %convert_element_type3A_100 = arith.extui %gt3A_99 : i1 to i32
        %cond3A_101 = arith.constant 0 : i32
        %cond3A_102 = arith.cmpi ne, %convert_element_type3A_100, %cond3A_101 : i32
        scf.if %cond3A_102 {
          %sub3A = arith.constant 1 : i32
          %sub3A_168 = arith.subi %mul3A_94, %sub3A : i32
          %dma_wait3A_169 = arith.constant 0 : i32
          %dma_wait3A_170 = arith.constant 0 : i32
          %dma_wait3A_171 = tpu.memref_slice %arg8[%cond3A_11, %dma_wait3A_169, %dma_wait3A_170] : memref<2x128x128xf32, #tpu.memory_space<vmem>> -> memref<1x128x128xf32, #tpu.memory_space<vmem>>
          %dma_wait3A_172 = tpu.memref_squeeze %dma_wait3A_171 : memref<1x128x128xf32, #tpu.memory_space<vmem>> -> memref<128x128xf32, #tpu.memory_space<vmem>>
          %dma_wait3A_173 = arith.constant 0 : i32
          %dma_wait3A_174 = tpu.memref_slice %arg6[%sub3A_168, %dma_wait3A_173] : memref<56x128xi32, #tpu.memory_space<vmem>> -> memref<1x128xi32, #tpu.memory_space<vmem>>
          %dma_wait3A_175 = tpu.memref_squeeze %dma_wait3A_174 : memref<1x128xi32, #tpu.memory_space<vmem>> -> memref<128xi32, #tpu.memory_space<vmem>>
          %dma_wait3A_176 = arith.constant 0 : i32
          %dma_wait3A_177 = arith.constant 0 : i32
          %dma_wait3A_178 = tpu.memref_slice %arg2[%dma_wait3A_176, %dma_wait3A_177] : memref<10000x128xf32, #tpu.memory_space<hbm>> -> memref<10000x128xf32, #tpu.memory_space<hbm>>
          tpu.wait_indirect_dma semaphore(%arg13 : memref<!tpu.dma_semaphore, #tpu.memory_space<semaphore_mem>>) src(%dma_wait3A_178 : memref<10000x128xf32, #tpu.memory_space<hbm>>) dst(%dma_wait3A_172 : memref<128x128xf32, #tpu.memory_space<vmem>>)
        } else {
        }
        %dma_start3A_103 = arith.constant 0 : i32
        %dma_start3A_104 = arith.constant 0 : i32
        %dma_start3A_105 = tpu.memref_slice %arg8[%cond3A_11, %dma_start3A_103, %dma_start3A_104] : memref<2x128x128xf32, #tpu.memory_space<vmem>> -> memref<1x128x128xf32, #tpu.memory_space<vmem>>
        %dma_start3A_106 = tpu.memref_squeeze %dma_start3A_105 : memref<1x128x128xf32, #tpu.memory_space<vmem>> -> memref<128x128xf32, #tpu.memory_space<vmem>>
        %dma_start3A_107 = arith.constant 0 : i32
        %dma_start3A_108 = tpu.memref_slice %arg6[%add3A_98, %dma_start3A_107] : memref<56x128xi32, #tpu.memory_space<vmem>> -> memref<1x128xi32, #tpu.memory_space<vmem>>
        %dma_start3A_109 = tpu.memref_squeeze %dma_start3A_108 : memref<1x128xi32, #tpu.memory_space<vmem>> -> memref<128xi32, #tpu.memory_space<vmem>>
        %dma_start3A_110 = arith.constant 0 : i32
        %dma_start3A_111 = arith.constant 0 : i32
        %dma_start3A_112 = tpu.memref_slice %arg2[%dma_start3A_110, %dma_start3A_111] : memref<10000x128xf32, #tpu.memory_space<hbm>> -> memref<10000x128xf32, #tpu.memory_space<hbm>>
        tpu.enqueue_indirect_dma source(%dma_start3A_112 : memref<10000x128xf32, #tpu.memory_space<hbm>>) target(%dma_start3A_106 : memref<128x128xf32, #tpu.memory_space<vmem>>) offsets(%dma_start3A_109 : memref<128xi32, #tpu.memory_space<vmem>>) semaphore(%arg11 : memref<!tpu.dma_semaphore, #tpu.memory_space<semaphore_mem>>)
        %dma_wait3A_113 = arith.constant 0 : i32
        %dma_wait3A_114 = arith.constant 0 : i32
        %dma_wait3A_115 = tpu.memref_slice %arg8[%cond3A_10, %dma_wait3A_113, %dma_wait3A_114] : memref<2x128x128xf32, #tpu.memory_space<vmem>> -> memref<1x128x128xf32, #tpu.memory_space<vmem>>
        %dma_wait3A_116 = tpu.memref_squeeze %dma_wait3A_115 : memref<1x128x128xf32, #tpu.memory_space<vmem>> -> memref<128x128xf32, #tpu.memory_space<vmem>>
        %dma_wait3A_117 = arith.constant 0 : i32
        %dma_wait3A_118 = tpu.memref_slice %arg6[%mul3A_94, %dma_wait3A_117] : memref<56x128xi32, #tpu.memory_space<vmem>> -> memref<1x128xi32, #tpu.memory_space<vmem>>
        %dma_wait3A_119 = tpu.memref_squeeze %dma_wait3A_118 : memref<1x128xi32, #tpu.memory_space<vmem>> -> memref<128xi32, #tpu.memory_space<vmem>>
        %dma_wait3A_120 = arith.constant 0 : i32
        %dma_wait3A_121 = arith.constant 0 : i32
        %dma_wait3A_122 = tpu.memref_slice %arg2[%dma_wait3A_120, %dma_wait3A_121] : memref<10000x128xf32, #tpu.memory_space<hbm>> -> memref<10000x128xf32, #tpu.memory_space<hbm>>
        tpu.wait_indirect_dma semaphore(%arg10 : memref<!tpu.dma_semaphore, #tpu.memory_space<semaphore_mem>>) src(%dma_wait3A_122 : memref<10000x128xf32, #tpu.memory_space<hbm>>) dst(%dma_wait3A_116 : memref<128x128xf32, #tpu.memory_space<vmem>>)
        %dma_start3A_123 = arith.constant 0 : i32
        %dma_start3A_124 = arith.constant 0 : i32
        %dma_start3A_125 = tpu.memref_slice %arg8[%cond3A_10, %dma_start3A_123, %dma_start3A_124] : memref<2x128x128xf32, #tpu.memory_space<vmem>> -> memref<1x128x128xf32, #tpu.memory_space<vmem>>
        %dma_start3A_126 = tpu.memref_squeeze %dma_start3A_125 : memref<1x128x128xf32, #tpu.memory_space<vmem>> -> memref<128x128xf32, #tpu.memory_space<vmem>>
        %dma_start3A_127 = arith.constant 0 : i32
        %dma_start3A_128 = tpu.memref_slice %arg7[%mul3A_94, %dma_start3A_127] : memref<56x128xi32, #tpu.memory_space<vmem>> -> memref<1x128xi32, #tpu.memory_space<vmem>>
        %dma_start3A_129 = tpu.memref_squeeze %dma_start3A_128 : memref<1x128xi32, #tpu.memory_space<vmem>> -> memref<128xi32, #tpu.memory_space<vmem>>
        %dma_start3A_130 = arith.constant 0 : i32
        %dma_start3A_131 = arith.constant 0 : i32
        %dma_start3A_132 = tpu.memref_slice %arg9[%dma_start3A_130, %dma_start3A_131] : memref<10008x128xf32, #tpu.memory_space<vmem_shared>> -> memref<10008x128xf32, #tpu.memory_space<vmem_shared>>
        tpu.enqueue_indirect_dma source(%dma_start3A_126 : memref<128x128xf32, #tpu.memory_space<vmem>>) target(%dma_start3A_132 : memref<10008x128xf32, #tpu.memory_space<vmem_shared>>) offsets(%dma_start3A_129 : memref<128xi32, #tpu.memory_space<vmem>>) semaphore(%arg12 : memref<!tpu.dma_semaphore, #tpu.memory_space<semaphore_mem>>) {add = true}
        %dma_wait3A_133 = arith.constant 0 : i32
        %dma_wait3A_134 = arith.constant 0 : i32
        %dma_wait3A_135 = tpu.memref_slice %arg8[%cond3A_11, %dma_wait3A_133, %dma_wait3A_134] : memref<2x128x128xf32, #tpu.memory_space<vmem>> -> memref<1x128x128xf32, #tpu.memory_space<vmem>>
        %dma_wait3A_136 = tpu.memref_squeeze %dma_wait3A_135 : memref<1x128x128xf32, #tpu.memory_space<vmem>> -> memref<128x128xf32, #tpu.memory_space<vmem>>
        %dma_wait3A_137 = arith.constant 0 : i32
        %dma_wait3A_138 = tpu.memref_slice %arg6[%add3A_98, %dma_wait3A_137] : memref<56x128xi32, #tpu.memory_space<vmem>> -> memref<1x128xi32, #tpu.memory_space<vmem>>
        %dma_wait3A_139 = tpu.memref_squeeze %dma_wait3A_138 : memref<1x128xi32, #tpu.memory_space<vmem>> -> memref<128xi32, #tpu.memory_space<vmem>>
        %dma_wait3A_140 = arith.constant 0 : i32
        %dma_wait3A_141 = arith.constant 0 : i32
        %dma_wait3A_142 = tpu.memref_slice %arg2[%dma_wait3A_140, %dma_wait3A_141] : memref<10000x128xf32, #tpu.memory_space<hbm>> -> memref<10000x128xf32, #tpu.memory_space<hbm>>
        tpu.wait_indirect_dma semaphore(%arg11 : memref<!tpu.dma_semaphore, #tpu.memory_space<semaphore_mem>>) src(%dma_wait3A_142 : memref<10000x128xf32, #tpu.memory_space<hbm>>) dst(%dma_wait3A_136 : memref<128x128xf32, #tpu.memory_space<vmem>>)
        %dma_start3A_143 = arith.constant 0 : i32
        %dma_start3A_144 = arith.constant 0 : i32
        %dma_start3A_145 = tpu.memref_slice %arg8[%cond3A_11, %dma_start3A_143, %dma_start3A_144] : memref<2x128x128xf32, #tpu.memory_space<vmem>> -> memref<1x128x128xf32, #tpu.memory_space<vmem>>
        %dma_start3A_146 = tpu.memref_squeeze %dma_start3A_145 : memref<1x128x128xf32, #tpu.memory_space<vmem>> -> memref<128x128xf32, #tpu.memory_space<vmem>>
        %dma_start3A_147 = arith.constant 0 : i32
        %dma_start3A_148 = tpu.memref_slice %arg7[%add3A_98, %dma_start3A_147] : memref<56x128xi32, #tpu.memory_space<vmem>> -> memref<1x128xi32, #tpu.memory_space<vmem>>
        %dma_start3A_149 = tpu.memref_squeeze %dma_start3A_148 : memref<1x128xi32, #tpu.memory_space<vmem>> -> memref<128xi32, #tpu.memory_space<vmem>>
        %dma_start3A_150 = arith.constant 0 : i32
        %dma_start3A_151 = arith.constant 0 : i32
        %dma_start3A_152 = tpu.memref_slice %arg9[%dma_start3A_150, %dma_start3A_151] : memref<10008x128xf32, #tpu.memory_space<vmem_shared>> -> memref<10008x128xf32, #tpu.memory_space<vmem_shared>>
        tpu.enqueue_indirect_dma source(%dma_start3A_146 : memref<128x128xf32, #tpu.memory_space<vmem>>) target(%dma_start3A_152 : memref<10008x128xf32, #tpu.memory_space<vmem_shared>>) offsets(%dma_start3A_149 : memref<128xi32, #tpu.memory_space<vmem>>) semaphore(%arg13 : memref<!tpu.dma_semaphore, #tpu.memory_space<semaphore_mem>>) {add = true}
        %dma_wait3A_153 = arith.constant 0 : i32
        %dma_wait3A_154 = arith.constant 0 : i32
        %dma_wait3A_155 = tpu.memref_slice %arg8[%cond3A_10, %dma_wait3A_153, %dma_wait3A_154] : memref<2x128x128xf32, #tpu.memory_space<vmem>> -> memref<1x128x128xf32, #tpu.memory_space<vmem>>
        %dma_wait3A_156 = tpu.memref_squeeze %dma_wait3A_155 : memref<1x128x128xf32, #tpu.memory_space<vmem>> -> memref<128x128xf32, #tpu.memory_space<vmem>>
        %dma_wait3A_157 = arith.constant 0 : i32
        %dma_wait3A_158 = tpu.memref_slice %arg6[%mul3A_94, %dma_wait3A_157] : memref<56x128xi32, #tpu.memory_space<vmem>> -> memref<1x128xi32, #tpu.memory_space<vmem>>
        %dma_wait3A_159 = tpu.memref_squeeze %dma_wait3A_158 : memref<1x128xi32, #tpu.memory_space<vmem>> -> memref<128xi32, #tpu.memory_space<vmem>>
        %dma_wait3A_160 = arith.constant 0 : i32
        %dma_wait3A_161 = arith.constant 0 : i32
        %dma_wait3A_162 = tpu.memref_slice %arg2[%dma_wait3A_160, %dma_wait3A_161] : memref<10000x128xf32, #tpu.memory_space<hbm>> -> memref<10000x128xf32, #tpu.memory_space<hbm>>
        tpu.wait_indirect_dma semaphore(%arg12 : memref<!tpu.dma_semaphore, #tpu.memory_space<semaphore_mem>>) src(%dma_wait3A_162 : memref<10000x128xf32, #tpu.memory_space<hbm>>) dst(%dma_wait3A_156 : memref<128x128xf32, #tpu.memory_space<vmem>>)
        %lt3A_163 = arith.constant 27 : i32
        %lt3A_164 = arith.cmpi slt, %scan3A_92, %lt3A_163 : i32
        %convert_element_type3A_165 = arith.extui %lt3A_164 : i1 to i32
        %cond3A_166 = arith.constant 0 : i32
        %cond3A_167 = arith.cmpi ne, %convert_element_type3A_165, %cond3A_166 : i32
        scf.if %cond3A_167 {
          %add3A_168 = arith.constant 2 : i32
          %add3A_169 = arith.addi %mul3A_94, %add3A_168 : i32
          %dma_start3A_170 = arith.constant 0 : i32
          %dma_start3A_171 = arith.constant 0 : i32
          %dma_start3A_172 = tpu.memref_slice %arg8[%cond3A_10, %dma_start3A_170, %dma_start3A_171] : memref<2x128x128xf32, #tpu.memory_space<vmem>> -> memref<1x128x128xf32, #tpu.memory_space<vmem>>
          %dma_start3A_173 = tpu.memref_squeeze %dma_start3A_172 : memref<1x128x128xf32, #tpu.memory_space<vmem>> -> memref<128x128xf32, #tpu.memory_space<vmem>>
          %dma_start3A_174 = arith.constant 0 : i32
          %dma_start3A_175 = tpu.memref_slice %arg6[%add3A_169, %dma_start3A_174] : memref<56x128xi32, #tpu.memory_space<vmem>> -> memref<1x128xi32, #tpu.memory_space<vmem>>
          %dma_start3A_176 = tpu.memref_squeeze %dma_start3A_175 : memref<1x128xi32, #tpu.memory_space<vmem>> -> memref<128xi32, #tpu.memory_space<vmem>>
          %dma_start3A_177 = arith.constant 0 : i32
          %dma_start3A_178 = arith.constant 0 : i32
          %dma_start3A_179 = tpu.memref_slice %arg2[%dma_start3A_177, %dma_start3A_178] : memref<10000x128xf32, #tpu.memory_space<hbm>> -> memref<10000x128xf32, #tpu.memory_space<hbm>>
          tpu.enqueue_indirect_dma source(%dma_start3A_179 : memref<10000x128xf32, #tpu.memory_space<hbm>>) target(%dma_start3A_173 : memref<128x128xf32, #tpu.memory_space<vmem>>) offsets(%dma_start3A_176 : memref<128xi32, #tpu.memory_space<vmem>>) semaphore(%arg10 : memref<!tpu.dma_semaphore, #tpu.memory_space<semaphore_mem>>)
        } else {
        }
      }
      %scan3A_80 = arith.constant 28 : i32
      %dma_wait3A_81 = arith.constant 55 : i32
      %dma_wait3A_82 = arith.constant 0 : i32
      %dma_wait3A_83 = arith.constant 0 : i32
      %dma_wait3A_84 = tpu.memref_slice %arg8[%cond3A_11, %dma_wait3A_82, %dma_wait3A_83] : memref<2x128x128xf32, #tpu.memory_space<vmem>> -> memref<1x128x128xf32, #tpu.memory_space<vmem>>
      %dma_wait3A_85 = tpu.memref_squeeze %dma_wait3A_84 : memref<1x128x128xf32, #tpu.memory_space<vmem>> -> memref<128x128xf32, #tpu.memory_space<vmem>>
      %dma_wait3A_86 = arith.constant 0 : i32
      %dma_wait3A_87 = tpu.memref_slice %arg6[%dma_wait3A_81, %dma_wait3A_86] : memref<56x128xi32, #tpu.memory_space<vmem>> -> memref<1x128xi32, #tpu.memory_space<vmem>>
      %dma_wait3A_88 = tpu.memref_squeeze %dma_wait3A_87 : memref<1x128xi32, #tpu.memory_space<vmem>> -> memref<128xi32, #tpu.memory_space<vmem>>
      %dma_wait3A_89 = arith.constant 0 : i32
      %dma_wait3A_90 = arith.constant 0 : i32
      %dma_wait3A_91 = tpu.memref_slice %arg2[%dma_wait3A_89, %dma_wait3A_90] : memref<10000x128xf32, #tpu.memory_space<hbm>> -> memref<10000x128xf32, #tpu.memory_space<hbm>>
      tpu.wait_indirect_dma semaphore(%arg13 : memref<!tpu.dma_semaphore, #tpu.memory_space<semaphore_mem>>) src(%dma_wait3A_91 : memref<10000x128xf32, #tpu.memory_space<hbm>>) dst(%dma_wait3A_85 : memref<128x128xf32, #tpu.memory_space<vmem>>)
    } else {
    }
    %eq3A_14 = arith.constant 1 : i32
    %eq3A_15 = arith.cmpi eq, %arg0, %eq3A_14 : i32
    %convert_element_type3A_16 = arith.extui %eq3A_15 : i1 to i32
    %cond3A_17 = arith.constant 0 : i32
    %cond3A_18 = arith.constant 1 : i32
    %cond3A_19 = arith.constant 0 : i32
    %cond3A_20 = arith.cmpi ne, %convert_element_type3A_16, %cond3A_19 : i32
    scf.if %cond3A_20 {
      %add3A = arith.constant 112 : i32
      %add3A_32 = arith.addi %mul3A_6, %add3A : i32
      %add3A_33 = arith.constant 0 : i32
      %add3A_34 = arith.addi %add3A_32, %add3A_33 : i32
      %multiple_of3A = tpu.assume_multiple %add3A_34, 8 : i32
      %run_scoped3A = arith.constant 0 : i32
      "tpu.region"() ({
        %run_scoped3A_94 = tpu.sem_alloc : memref<!tpu.dma_semaphore, #tpu.memory_space<semaphore_mem>>
        %dma_start3A_95 = arith.constant 0 : i32
        %dma_start3A_96 = arith.constant 0 : i32
        %dma_start3A_97 = tpu.memref_slice %arg6[%dma_start3A_95, %dma_start3A_96] : memref<56x128xi32, #tpu.memory_space<vmem>> -> memref<24x128xi32, #tpu.memory_space<vmem>>
        %dma_start3A_98 = arith.constant 0 : i32
        %dma_start3A_99 = tpu.memref_slice %arg3[%run_scoped3A, %multiple_of3A, %dma_start3A_98] : memref<2x2560x128xi32, #tpu.memory_space<hbm>> -> memref<1x24x128xi32, #tpu.memory_space<hbm>>
        %dma_start3A_100 = tpu.memref_squeeze %dma_start3A_99 : memref<1x24x128xi32, #tpu.memory_space<hbm>> -> memref<24x128xi32, #tpu.memory_space<hbm>>
        %dma_start3A_101 = arith.constant 0 : i32
        %dma_start3A_102 = arith.constant 0 : i32
        %dma_start3A_103 = tpu.memref_slice %arg6[%dma_start3A_101, %dma_start3A_102] : memref<56x128xi32, #tpu.memory_space<vmem>> -> memref<24x128xi32, #tpu.memory_space<vmem>>
        %dma_start3A_104 = arith.constant 0 : i32
        %dma_start3A_105 = tpu.memref_slice %arg3[%run_scoped3A, %multiple_of3A, %dma_start3A_104] : memref<2x2560x128xi32, #tpu.memory_space<hbm>> -> memref<1x24x128xi32, #tpu.memory_space<hbm>>
        %dma_start3A_106 = tpu.memref_squeeze %dma_start3A_105 : memref<1x24x128xi32, #tpu.memory_space<hbm>> -> memref<24x128xi32, #tpu.memory_space<hbm>>
        tpu.enqueue_dma source(%dma_start3A_106 : memref<24x128xi32, #tpu.memory_space<hbm>>) target(%dma_start3A_103 : memref<24x128xi32, #tpu.memory_space<vmem>>) target_semaphore(%run_scoped3A_94 : memref<!tpu.dma_semaphore, #tpu.memory_space<semaphore_mem>>)
        %dma_wait3A_107 = arith.constant 0 : i32
        %dma_wait3A_108 = arith.constant 0 : i32
        %dma_wait3A_109 = tpu.memref_slice %arg6[%dma_wait3A_107, %dma_wait3A_108] : memref<56x128xi32, #tpu.memory_space<vmem>> -> memref<24x128xi32, #tpu.memory_space<vmem>>
        %dma_wait3A_110 = arith.constant 0 : i32
        %dma_wait3A_111 = tpu.memref_slice %arg3[%run_scoped3A, %multiple_of3A, %dma_wait3A_110] : memref<2x2560x128xi32, #tpu.memory_space<hbm>> -> memref<1x24x128xi32, #tpu.memory_space<hbm>>
        %dma_wait3A_112 = tpu.memref_squeeze %dma_wait3A_111 : memref<1x24x128xi32, #tpu.memory_space<hbm>> -> memref<24x128xi32, #tpu.memory_space<hbm>>
        %dma_wait3A_113 = arith.constant 0 : i32
        %dma_wait3A_114 = arith.constant 0 : i32
        %dma_wait3A_115 = tpu.memref_slice %arg6[%dma_wait3A_113, %dma_wait3A_114] : memref<56x128xi32, #tpu.memory_space<vmem>> -> memref<24x128xi32, #tpu.memory_space<vmem>>
        %dma_wait3A_116 = arith.constant 0 : i32
        %dma_wait3A_117 = tpu.memref_slice %arg3[%run_scoped3A, %multiple_of3A, %dma_wait3A_116] : memref<2x2560x128xi32, #tpu.memory_space<hbm>> -> memref<1x24x128xi32, #tpu.memory_space<hbm>>
        %dma_wait3A_118 = tpu.memref_squeeze %dma_wait3A_117 : memref<1x24x128xi32, #tpu.memory_space<hbm>> -> memref<24x128xi32, #tpu.memory_space<hbm>>
        tpu.wait_dma2 semaphore(%run_scoped3A_94 : memref<!tpu.dma_semaphore, #tpu.memory_space<semaphore_mem>>) src(%dma_wait3A_118 : memref<24x128xi32, #tpu.memory_space<hbm>>) dst(%dma_wait3A_115 : memref<24x128xi32, #tpu.memory_space<vmem>>)
        tpu.yield
      }) : () -> ()
      %run_scoped3A_35 = arith.constant 1 : i32
      "tpu.region"() ({
        %run_scoped3A_94 = tpu.sem_alloc : memref<!tpu.dma_semaphore, #tpu.memory_space<semaphore_mem>>
        %dma_start3A_95 = arith.constant 0 : i32
        %dma_start3A_96 = arith.constant 0 : i32
        %dma_start3A_97 = tpu.memref_slice %arg7[%dma_start3A_95, %dma_start3A_96] : memref<56x128xi32, #tpu.memory_space<vmem>> -> memref<24x128xi32, #tpu.memory_space<vmem>>
        %dma_start3A_98 = arith.constant 0 : i32
        %dma_start3A_99 = tpu.memref_slice %arg3[%run_scoped3A_35, %multiple_of3A, %dma_start3A_98] : memref<2x2560x128xi32, #tpu.memory_space<hbm>> -> memref<1x24x128xi32, #tpu.memory_space<hbm>>
        %dma_start3A_100 = tpu.memref_squeeze %dma_start3A_99 : memref<1x24x128xi32, #tpu.memory_space<hbm>> -> memref<24x128xi32, #tpu.memory_space<hbm>>
        %dma_start3A_101 = arith.constant 0 : i32
        %dma_start3A_102 = arith.constant 0 : i32
        %dma_start3A_103 = tpu.memref_slice %arg7[%dma_start3A_101, %dma_start3A_102] : memref<56x128xi32, #tpu.memory_space<vmem>> -> memref<24x128xi32, #tpu.memory_space<vmem>>
        %dma_start3A_104 = arith.constant 0 : i32
        %dma_start3A_105 = tpu.memref_slice %arg3[%run_scoped3A_35, %multiple_of3A, %dma_start3A_104] : memref<2x2560x128xi32, #tpu.memory_space<hbm>> -> memref<1x24x128xi32, #tpu.memory_space<hbm>>
        %dma_start3A_106 = tpu.memref_squeeze %dma_start3A_105 : memref<1x24x128xi32, #tpu.memory_space<hbm>> -> memref<24x128xi32, #tpu.memory_space<hbm>>
        tpu.enqueue_dma source(%dma_start3A_106 : memref<24x128xi32, #tpu.memory_space<hbm>>) target(%dma_start3A_103 : memref<24x128xi32, #tpu.memory_space<vmem>>) target_semaphore(%run_scoped3A_94 : memref<!tpu.dma_semaphore, #tpu.memory_space<semaphore_mem>>)
        %dma_wait3A_107 = arith.constant 0 : i32
        %dma_wait3A_108 = arith.constant 0 : i32
        %dma_wait3A_109 = tpu.memref_slice %arg7[%dma_wait3A_107, %dma_wait3A_108] : memref<56x128xi32, #tpu.memory_space<vmem>> -> memref<24x128xi32, #tpu.memory_space<vmem>>
        %dma_wait3A_110 = arith.constant 0 : i32
        %dma_wait3A_111 = tpu.memref_slice %arg3[%run_scoped3A_35, %multiple_of3A, %dma_wait3A_110] : memref<2x2560x128xi32, #tpu.memory_space<hbm>> -> memref<1x24x128xi32, #tpu.memory_space<hbm>>
        %dma_wait3A_112 = tpu.memref_squeeze %dma_wait3A_111 : memref<1x24x128xi32, #tpu.memory_space<hbm>> -> memref<24x128xi32, #tpu.memory_space<hbm>>
        %dma_wait3A_113 = arith.constant 0 : i32
        %dma_wait3A_114 = arith.constant 0 : i32
        %dma_wait3A_115 = tpu.memref_slice %arg7[%dma_wait3A_113, %dma_wait3A_114] : memref<56x128xi32, #tpu.memory_space<vmem>> -> memref<24x128xi32, #tpu.memory_space<vmem>>
        %dma_wait3A_116 = arith.constant 0 : i32
        %dma_wait3A_117 = tpu.memref_slice %arg3[%run_scoped3A_35, %multiple_of3A, %dma_wait3A_116] : memref<2x2560x128xi32, #tpu.memory_space<hbm>> -> memref<1x24x128xi32, #tpu.memory_space<hbm>>
        %dma_wait3A_118 = tpu.memref_squeeze %dma_wait3A_117 : memref<1x24x128xi32, #tpu.memory_space<hbm>> -> memref<24x128xi32, #tpu.memory_space<hbm>>
        tpu.wait_dma2 semaphore(%run_scoped3A_94 : memref<!tpu.dma_semaphore, #tpu.memory_space<semaphore_mem>>) src(%dma_wait3A_118 : memref<24x128xi32, #tpu.memory_space<hbm>>) dst(%dma_wait3A_115 : memref<24x128xi32, #tpu.memory_space<vmem>>)
        tpu.yield
      }) : () -> ()
      %dma_start3A = arith.constant 0 : i32
      %dma_start3A_36 = arith.constant 0 : i32
      %dma_start3A_37 = arith.constant 0 : i32
      %dma_start3A_38 = tpu.memref_slice %arg8[%cond3A_17, %dma_start3A_36, %dma_start3A_37] : memref<2x128x128xf32, #tpu.memory_space<vmem>> -> memref<1x128x128xf32, #tpu.memory_space<vmem>>
      %dma_start3A_39 = tpu.memref_squeeze %dma_start3A_38 : memref<1x128x128xf32, #tpu.memory_space<vmem>> -> memref<128x128xf32, #tpu.memory_space<vmem>>
      %dma_start3A_40 = arith.constant 0 : i32
      %dma_start3A_41 = tpu.memref_slice %arg6[%dma_start3A, %dma_start3A_40] : memref<56x128xi32, #tpu.memory_space<vmem>> -> memref<1x128xi32, #tpu.memory_space<vmem>>
      %dma_start3A_42 = tpu.memref_squeeze %dma_start3A_41 : memref<1x128xi32, #tpu.memory_space<vmem>> -> memref<128xi32, #tpu.memory_space<vmem>>
      %dma_start3A_43 = arith.constant 0 : i32
      %dma_start3A_44 = arith.constant 0 : i32
      %dma_start3A_45 = tpu.memref_slice %arg2[%dma_start3A_43, %dma_start3A_44] : memref<10000x128xf32, #tpu.memory_space<hbm>> -> memref<10000x128xf32, #tpu.memory_space<hbm>>
      tpu.enqueue_indirect_dma source(%dma_start3A_45 : memref<10000x128xf32, #tpu.memory_space<hbm>>) target(%dma_start3A_39 : memref<128x128xf32, #tpu.memory_space<vmem>>) offsets(%dma_start3A_42 : memref<128xi32, #tpu.memory_space<vmem>>) semaphore(%arg10 : memref<!tpu.dma_semaphore, #tpu.memory_space<semaphore_mem>>)
      %scan3A = arith.constant 0 : i32
      %scan3A_46 = arith.constant 0 : i32
      %scan3A_47 = arith.constant 12 : i32
      %scan3A_48 = arith.addi %scan3A_46, %scan3A_47 : i32
      %scan3A_49 = arith.constant 1 : i32
      scf.for %scan3A_94 = %scan3A_46 to %scan3A_48 step %scan3A_49  : i32 {
        %mul3A_95 = arith.constant 2 : i32
        %mul3A_96 = arith.muli %mul3A_95, %scan3A_94 : i32
        %mul3A_97 = arith.constant 2 : i32
        %mul3A_98 = arith.muli %mul3A_97, %scan3A_94 : i32
        %add3A_99 = arith.constant 1 : i32
        %add3A_100 = arith.addi %mul3A_98, %add3A_99 : i32
        %gt3A = arith.constant 0 : i32
        %gt3A_101 = arith.cmpi sgt, %scan3A_94, %gt3A : i32
        %convert_element_type3A_102 = arith.extui %gt3A_101 : i1 to i32
        %cond3A_103 = arith.constant 0 : i32
        %cond3A_104 = arith.cmpi ne, %convert_element_type3A_102, %cond3A_103 : i32
        scf.if %cond3A_104 {
          %sub3A = arith.constant 1 : i32
          %sub3A_170 = arith.subi %mul3A_96, %sub3A : i32
          %dma_wait3A_171 = arith.constant 0 : i32
          %dma_wait3A_172 = arith.constant 0 : i32
          %dma_wait3A_173 = tpu.memref_slice %arg8[%cond3A_18, %dma_wait3A_171, %dma_wait3A_172] : memref<2x128x128xf32, #tpu.memory_space<vmem>> -> memref<1x128x128xf32, #tpu.memory_space<vmem>>
          %dma_wait3A_174 = tpu.memref_squeeze %dma_wait3A_173 : memref<1x128x128xf32, #tpu.memory_space<vmem>> -> memref<128x128xf32, #tpu.memory_space<vmem>>
          %dma_wait3A_175 = arith.constant 0 : i32
          %dma_wait3A_176 = tpu.memref_slice %arg6[%sub3A_170, %dma_wait3A_175] : memref<56x128xi32, #tpu.memory_space<vmem>> -> memref<1x128xi32, #tpu.memory_space<vmem>>
          %dma_wait3A_177 = tpu.memref_squeeze %dma_wait3A_176 : memref<1x128xi32, #tpu.memory_space<vmem>> -> memref<128xi32, #tpu.memory_space<vmem>>
          %dma_wait3A_178 = arith.constant 0 : i32
          %dma_wait3A_179 = arith.constant 0 : i32
          %dma_wait3A_180 = tpu.memref_slice %arg2[%dma_wait3A_178, %dma_wait3A_179] : memref<10000x128xf32, #tpu.memory_space<hbm>> -> memref<10000x128xf32, #tpu.memory_space<hbm>>
          tpu.wait_indirect_dma semaphore(%arg13 : memref<!tpu.dma_semaphore, #tpu.memory_space<semaphore_mem>>) src(%dma_wait3A_180 : memref<10000x128xf32, #tpu.memory_space<hbm>>) dst(%dma_wait3A_174 : memref<128x128xf32, #tpu.memory_space<vmem>>)
        } else {
        }
        %dma_start3A_105 = arith.constant 0 : i32
        %dma_start3A_106 = arith.constant 0 : i32
        %dma_start3A_107 = tpu.memref_slice %arg8[%cond3A_18, %dma_start3A_105, %dma_start3A_106] : memref<2x128x128xf32, #tpu.memory_space<vmem>> -> memref<1x128x128xf32, #tpu.memory_space<vmem>>
        %dma_start3A_108 = tpu.memref_squeeze %dma_start3A_107 : memref<1x128x128xf32, #tpu.memory_space<vmem>> -> memref<128x128xf32, #tpu.memory_space<vmem>>
        %dma_start3A_109 = arith.constant 0 : i32
        %dma_start3A_110 = tpu.memref_slice %arg6[%add3A_100, %dma_start3A_109] : memref<56x128xi32, #tpu.memory_space<vmem>> -> memref<1x128xi32, #tpu.memory_space<vmem>>
        %dma_start3A_111 = tpu.memref_squeeze %dma_start3A_110 : memref<1x128xi32, #tpu.memory_space<vmem>> -> memref<128xi32, #tpu.memory_space<vmem>>
        %dma_start3A_112 = arith.constant 0 : i32
        %dma_start3A_113 = arith.constant 0 : i32
        %dma_start3A_114 = tpu.memref_slice %arg2[%dma_start3A_112, %dma_start3A_113] : memref<10000x128xf32, #tpu.memory_space<hbm>> -> memref<10000x128xf32, #tpu.memory_space<hbm>>
        tpu.enqueue_indirect_dma source(%dma_start3A_114 : memref<10000x128xf32, #tpu.memory_space<hbm>>) target(%dma_start3A_108 : memref<128x128xf32, #tpu.memory_space<vmem>>) offsets(%dma_start3A_111 : memref<128xi32, #tpu.memory_space<vmem>>) semaphore(%arg11 : memref<!tpu.dma_semaphore, #tpu.memory_space<semaphore_mem>>)
        %dma_wait3A_115 = arith.constant 0 : i32
        %dma_wait3A_116 = arith.constant 0 : i32
        %dma_wait3A_117 = tpu.memref_slice %arg8[%cond3A_17, %dma_wait3A_115, %dma_wait3A_116] : memref<2x128x128xf32, #tpu.memory_space<vmem>> -> memref<1x128x128xf32, #tpu.memory_space<vmem>>
        %dma_wait3A_118 = tpu.memref_squeeze %dma_wait3A_117 : memref<1x128x128xf32, #tpu.memory_space<vmem>> -> memref<128x128xf32, #tpu.memory_space<vmem>>
        %dma_wait3A_119 = arith.constant 0 : i32
        %dma_wait3A_120 = tpu.memref_slice %arg6[%mul3A_96, %dma_wait3A_119] : memref<56x128xi32, #tpu.memory_space<vmem>> -> memref<1x128xi32, #tpu.memory_space<vmem>>
        %dma_wait3A_121 = tpu.memref_squeeze %dma_wait3A_120 : memref<1x128xi32, #tpu.memory_space<vmem>> -> memref<128xi32, #tpu.memory_space<vmem>>
        %dma_wait3A_122 = arith.constant 0 : i32
        %dma_wait3A_123 = arith.constant 0 : i32
        %dma_wait3A_124 = tpu.memref_slice %arg2[%dma_wait3A_122, %dma_wait3A_123] : memref<10000x128xf32, #tpu.memory_space<hbm>> -> memref<10000x128xf32, #tpu.memory_space<hbm>>
        tpu.wait_indirect_dma semaphore(%arg10 : memref<!tpu.dma_semaphore, #tpu.memory_space<semaphore_mem>>) src(%dma_wait3A_124 : memref<10000x128xf32, #tpu.memory_space<hbm>>) dst(%dma_wait3A_118 : memref<128x128xf32, #tpu.memory_space<vmem>>)
        %dma_start3A_125 = arith.constant 0 : i32
        %dma_start3A_126 = arith.constant 0 : i32
        %dma_start3A_127 = tpu.memref_slice %arg8[%cond3A_17, %dma_start3A_125, %dma_start3A_126] : memref<2x128x128xf32, #tpu.memory_space<vmem>> -> memref<1x128x128xf32, #tpu.memory_space<vmem>>
        %dma_start3A_128 = tpu.memref_squeeze %dma_start3A_127 : memref<1x128x128xf32, #tpu.memory_space<vmem>> -> memref<128x128xf32, #tpu.memory_space<vmem>>
        %dma_start3A_129 = arith.constant 0 : i32
        %dma_start3A_130 = tpu.memref_slice %arg7[%mul3A_96, %dma_start3A_129] : memref<56x128xi32, #tpu.memory_space<vmem>> -> memref<1x128xi32, #tpu.memory_space<vmem>>
        %dma_start3A_131 = tpu.memref_squeeze %dma_start3A_130 : memref<1x128xi32, #tpu.memory_space<vmem>> -> memref<128xi32, #tpu.memory_space<vmem>>
        %dma_start3A_132 = arith.constant 0 : i32
        %dma_start3A_133 = arith.constant 0 : i32
        %dma_start3A_134 = tpu.memref_slice %arg9[%dma_start3A_132, %dma_start3A_133] : memref<10008x128xf32, #tpu.memory_space<vmem_shared>> -> memref<10008x128xf32, #tpu.memory_space<vmem_shared>>
        tpu.enqueue_indirect_dma source(%dma_start3A_128 : memref<128x128xf32, #tpu.memory_space<vmem>>) target(%dma_start3A_134 : memref<10008x128xf32, #tpu.memory_space<vmem_shared>>) offsets(%dma_start3A_131 : memref<128xi32, #tpu.memory_space<vmem>>) semaphore(%arg12 : memref<!tpu.dma_semaphore, #tpu.memory_space<semaphore_mem>>) {add = true}
        %dma_wait3A_135 = arith.constant 0 : i32
        %dma_wait3A_136 = arith.constant 0 : i32
        %dma_wait3A_137 = tpu.memref_slice %arg8[%cond3A_18, %dma_wait3A_135, %dma_wait3A_136] : memref<2x128x128xf32, #tpu.memory_space<vmem>> -> memref<1x128x128xf32, #tpu.memory_space<vmem>>
        %dma_wait3A_138 = tpu.memref_squeeze %dma_wait3A_137 : memref<1x128x128xf32, #tpu.memory_space<vmem>> -> memref<128x128xf32, #tpu.memory_space<vmem>>
        %dma_wait3A_139 = arith.constant 0 : i32
        %dma_wait3A_140 = tpu.memref_slice %arg6[%add3A_100, %dma_wait3A_139] : memref<56x128xi32, #tpu.memory_space<vmem>> -> memref<1x128xi32, #tpu.memory_space<vmem>>
        %dma_wait3A_141 = tpu.memref_squeeze %dma_wait3A_140 : memref<1x128xi32, #tpu.memory_space<vmem>> -> memref<128xi32, #tpu.memory_space<vmem>>
        %dma_wait3A_142 = arith.constant 0 : i32
        %dma_wait3A_143 = arith.constant 0 : i32
        %dma_wait3A_144 = tpu.memref_slice %arg2[%dma_wait3A_142, %dma_wait3A_143] : memref<10000x128xf32, #tpu.memory_space<hbm>> -> memref<10000x128xf32, #tpu.memory_space<hbm>>
        tpu.wait_indirect_dma semaphore(%arg11 : memref<!tpu.dma_semaphore, #tpu.memory_space<semaphore_mem>>) src(%dma_wait3A_144 : memref<10000x128xf32, #tpu.memory_space<hbm>>) dst(%dma_wait3A_138 : memref<128x128xf32, #tpu.memory_space<vmem>>)
        %dma_start3A_145 = arith.constant 0 : i32
        %dma_start3A_146 = arith.constant 0 : i32
        %dma_start3A_147 = tpu.memref_slice %arg8[%cond3A_18, %dma_start3A_145, %dma_start3A_146] : memref<2x128x128xf32, #tpu.memory_space<vmem>> -> memref<1x128x128xf32, #tpu.memory_space<vmem>>
        %dma_start3A_148 = tpu.memref_squeeze %dma_start3A_147 : memref<1x128x128xf32, #tpu.memory_space<vmem>> -> memref<128x128xf32, #tpu.memory_space<vmem>>
        %dma_start3A_149 = arith.constant 0 : i32
        %dma_start3A_150 = tpu.memref_slice %arg7[%add3A_100, %dma_start3A_149] : memref<56x128xi32, #tpu.memory_space<vmem>> -> memref<1x128xi32, #tpu.memory_space<vmem>>
        %dma_start3A_151 = tpu.memref_squeeze %dma_start3A_150 : memref<1x128xi32, #tpu.memory_space<vmem>> -> memref<128xi32, #tpu.memory_space<vmem>>
        %dma_start3A_152 = arith.constant 0 : i32
        %dma_start3A_153 = arith.constant 0 : i32
        %dma_start3A_154 = tpu.memref_slice %arg9[%dma_start3A_152, %dma_start3A_153] : memref<10008x128xf32, #tpu.memory_space<vmem_shared>> -> memref<10008x128xf32, #tpu.memory_space<vmem_shared>>
        tpu.enqueue_indirect_dma source(%dma_start3A_148 : memref<128x128xf32, #tpu.memory_space<vmem>>) target(%dma_start3A_154 : memref<10008x128xf32, #tpu.memory_space<vmem_shared>>) offsets(%dma_start3A_151 : memref<128xi32, #tpu.memory_space<vmem>>) semaphore(%arg13 : memref<!tpu.dma_semaphore, #tpu.memory_space<semaphore_mem>>) {add = true}
        %dma_wait3A_155 = arith.constant 0 : i32
        %dma_wait3A_156 = arith.constant 0 : i32
        %dma_wait3A_157 = tpu.memref_slice %arg8[%cond3A_17, %dma_wait3A_155, %dma_wait3A_156] : memref<2x128x128xf32, #tpu.memory_space<vmem>> -> memref<1x128x128xf32, #tpu.memory_space<vmem>>
        %dma_wait3A_158 = tpu.memref_squeeze %dma_wait3A_157 : memref<1x128x128xf32, #tpu.memory_space<vmem>> -> memref<128x128xf32, #tpu.memory_space<vmem>>
        %dma_wait3A_159 = arith.constant 0 : i32
        %dma_wait3A_160 = tpu.memref_slice %arg6[%mul3A_96, %dma_wait3A_159] : memref<56x128xi32, #tpu.memory_space<vmem>> -> memref<1x128xi32, #tpu.memory_space<vmem>>
        %dma_wait3A_161 = tpu.memref_squeeze %dma_wait3A_160 : memref<1x128xi32, #tpu.memory_space<vmem>> -> memref<128xi32, #tpu.memory_space<vmem>>
        %dma_wait3A_162 = arith.constant 0 : i32
        %dma_wait3A_163 = arith.constant 0 : i32
        %dma_wait3A_164 = tpu.memref_slice %arg2[%dma_wait3A_162, %dma_wait3A_163] : memref<10000x128xf32, #tpu.memory_space<hbm>> -> memref<10000x128xf32, #tpu.memory_space<hbm>>
        tpu.wait_indirect_dma semaphore(%arg12 : memref<!tpu.dma_semaphore, #tpu.memory_space<semaphore_mem>>) src(%dma_wait3A_164 : memref<10000x128xf32, #tpu.memory_space<hbm>>) dst(%dma_wait3A_158 : memref<128x128xf32, #tpu.memory_space<vmem>>)
        %lt3A_165 = arith.constant 11 : i32
        %lt3A_166 = arith.cmpi slt, %scan3A_94, %lt3A_165 : i32
        %convert_element_type3A_167 = arith.extui %lt3A_166 : i1 to i32
        %cond3A_168 = arith.constant 0 : i32
        %cond3A_169 = arith.cmpi ne, %convert_element_type3A_167, %cond3A_168 : i32
        scf.if %cond3A_169 {
          %add3A_170 = arith.constant 2 : i32
          %add3A_171 = arith.addi %mul3A_96, %add3A_170 : i32
          %dma_start3A_172 = arith.constant 0 : i32
          %dma_start3A_173 = arith.constant 0 : i32
          %dma_start3A_174 = tpu.memref_slice %arg8[%cond3A_17, %dma_start3A_172, %dma_start3A_173] : memref<2x128x128xf32, #tpu.memory_space<vmem>> -> memref<1x128x128xf32, #tpu.memory_space<vmem>>
          %dma_start3A_175 = tpu.memref_squeeze %dma_start3A_174 : memref<1x128x128xf32, #tpu.memory_space<vmem>> -> memref<128x128xf32, #tpu.memory_space<vmem>>
          %dma_start3A_176 = arith.constant 0 : i32
          %dma_start3A_177 = tpu.memref_slice %arg6[%add3A_171, %dma_start3A_176] : memref<56x128xi32, #tpu.memory_space<vmem>> -> memref<1x128xi32, #tpu.memory_space<vmem>>
          %dma_start3A_178 = tpu.memref_squeeze %dma_start3A_177 : memref<1x128xi32, #tpu.memory_space<vmem>> -> memref<128xi32, #tpu.memory_space<vmem>>
          %dma_start3A_179 = arith.constant 0 : i32
          %dma_start3A_180 = arith.constant 0 : i32
          %dma_start3A_181 = tpu.memref_slice %arg2[%dma_start3A_179, %dma_start3A_180] : memref<10000x128xf32, #tpu.memory_space<hbm>> -> memref<10000x128xf32, #tpu.memory_space<hbm>>
          tpu.enqueue_indirect_dma source(%dma_start3A_181 : memref<10000x128xf32, #tpu.memory_space<hbm>>) target(%dma_start3A_175 : memref<128x128xf32, #tpu.memory_space<vmem>>) offsets(%dma_start3A_178 : memref<128xi32, #tpu.memory_space<vmem>>) semaphore(%arg10 : memref<!tpu.dma_semaphore, #tpu.memory_space<semaphore_mem>>)
        } else {
        }
      }
      %scan3A_50 = arith.constant 12 : i32
      %dma_wait3A = arith.constant 23 : i32
      %dma_wait3A_51 = arith.constant 0 : i32
      %dma_wait3A_52 = arith.constant 0 : i32
      %dma_wait3A_53 = tpu.memref_slice %arg8[%cond3A_18, %dma_wait3A_51, %dma_wait3A_52] : memref<2x128x128xf32, #tpu.memory_space<vmem>> -> memref<1x128x128xf32, #tpu.memory_space<vmem>>
      %dma_wait3A_54 = tpu.memref_squeeze %dma_wait3A_53 : memref<1x128x128xf32, #tpu.memory_space<vmem>> -> memref<128x128xf32, #tpu.memory_space<vmem>>
      %dma_wait3A_55 = arith.constant 0 : i32
      %dma_wait3A_56 = tpu.memref_slice %arg6[%dma_wait3A, %dma_wait3A_55] : memref<56x128xi32, #tpu.memory_space<vmem>> -> memref<1x128xi32, #tpu.memory_space<vmem>>
      %dma_wait3A_57 = tpu.memref_squeeze %dma_wait3A_56 : memref<1x128xi32, #tpu.memory_space<vmem>> -> memref<128xi32, #tpu.memory_space<vmem>>
      %dma_wait3A_58 = arith.constant 0 : i32
      %dma_wait3A_59 = arith.constant 0 : i32
      %dma_wait3A_60 = tpu.memref_slice %arg2[%dma_wait3A_58, %dma_wait3A_59] : memref<10000x128xf32, #tpu.memory_space<hbm>> -> memref<10000x128xf32, #tpu.memory_space<hbm>>
      tpu.wait_indirect_dma semaphore(%arg13 : memref<!tpu.dma_semaphore, #tpu.memory_space<semaphore_mem>>) src(%dma_wait3A_60 : memref<10000x128xf32, #tpu.memory_space<hbm>>) dst(%dma_wait3A_54 : memref<128x128xf32, #tpu.memory_space<vmem>>)
      %add3A_61 = arith.constant 24 : i32
      %add3A_62 = arith.addi %add3A_32, %add3A_61 : i32
      %multiple_of3A_63 = tpu.assume_multiple %add3A_62, 8 : i32
      %run_scoped3A_64 = arith.constant 0 : i32
      "tpu.region"() ({
        %run_scoped3A_94 = tpu.sem_alloc : memref<!tpu.dma_semaphore, #tpu.memory_space<semaphore_mem>>
        %dma_start3A_95 = arith.constant 0 : i32
        %dma_start3A_96 = arith.constant 0 : i32
        %dma_start3A_97 = tpu.memref_slice %arg6[%dma_start3A_95, %dma_start3A_96] : memref<56x128xi32, #tpu.memory_space<vmem>> -> memref<24x128xi32, #tpu.memory_space<vmem>>
        %dma_start3A_98 = arith.constant 0 : i32
        %dma_start3A_99 = tpu.memref_slice %arg3[%run_scoped3A_64, %multiple_of3A_63, %dma_start3A_98] : memref<2x2560x128xi32, #tpu.memory_space<hbm>> -> memref<1x24x128xi32, #tpu.memory_space<hbm>>
        %dma_start3A_100 = tpu.memref_squeeze %dma_start3A_99 : memref<1x24x128xi32, #tpu.memory_space<hbm>> -> memref<24x128xi32, #tpu.memory_space<hbm>>
        %dma_start3A_101 = arith.constant 0 : i32
        %dma_start3A_102 = arith.constant 0 : i32
        %dma_start3A_103 = tpu.memref_slice %arg6[%dma_start3A_101, %dma_start3A_102] : memref<56x128xi32, #tpu.memory_space<vmem>> -> memref<24x128xi32, #tpu.memory_space<vmem>>
        %dma_start3A_104 = arith.constant 0 : i32
        %dma_start3A_105 = tpu.memref_slice %arg3[%run_scoped3A_64, %multiple_of3A_63, %dma_start3A_104] : memref<2x2560x128xi32, #tpu.memory_space<hbm>> -> memref<1x24x128xi32, #tpu.memory_space<hbm>>
        %dma_start3A_106 = tpu.memref_squeeze %dma_start3A_105 : memref<1x24x128xi32, #tpu.memory_space<hbm>> -> memref<24x128xi32, #tpu.memory_space<hbm>>
        tpu.enqueue_dma source(%dma_start3A_106 : memref<24x128xi32, #tpu.memory_space<hbm>>) target(%dma_start3A_103 : memref<24x128xi32, #tpu.memory_space<vmem>>) target_semaphore(%run_scoped3A_94 : memref<!tpu.dma_semaphore, #tpu.memory_space<semaphore_mem>>)
        %dma_wait3A_107 = arith.constant 0 : i32
        %dma_wait3A_108 = arith.constant 0 : i32
        %dma_wait3A_109 = tpu.memref_slice %arg6[%dma_wait3A_107, %dma_wait3A_108] : memref<56x128xi32, #tpu.memory_space<vmem>> -> memref<24x128xi32, #tpu.memory_space<vmem>>
        %dma_wait3A_110 = arith.constant 0 : i32
        %dma_wait3A_111 = tpu.memref_slice %arg3[%run_scoped3A_64, %multiple_of3A_63, %dma_wait3A_110] : memref<2x2560x128xi32, #tpu.memory_space<hbm>> -> memref<1x24x128xi32, #tpu.memory_space<hbm>>
        %dma_wait3A_112 = tpu.memref_squeeze %dma_wait3A_111 : memref<1x24x128xi32, #tpu.memory_space<hbm>> -> memref<24x128xi32, #tpu.memory_space<hbm>>
        %dma_wait3A_113 = arith.constant 0 : i32
        %dma_wait3A_114 = arith.constant 0 : i32
        %dma_wait3A_115 = tpu.memref_slice %arg6[%dma_wait3A_113, %dma_wait3A_114] : memref<56x128xi32, #tpu.memory_space<vmem>> -> memref<24x128xi32, #tpu.memory_space<vmem>>
        %dma_wait3A_116 = arith.constant 0 : i32
        %dma_wait3A_117 = tpu.memref_slice %arg3[%run_scoped3A_64, %multiple_of3A_63, %dma_wait3A_116] : memref<2x2560x128xi32, #tpu.memory_space<hbm>> -> memref<1x24x128xi32, #tpu.memory_space<hbm>>
        %dma_wait3A_118 = tpu.memref_squeeze %dma_wait3A_117 : memref<1x24x128xi32, #tpu.memory_space<hbm>> -> memref<24x128xi32, #tpu.memory_space<hbm>>
        tpu.wait_dma2 semaphore(%run_scoped3A_94 : memref<!tpu.dma_semaphore, #tpu.memory_space<semaphore_mem>>) src(%dma_wait3A_118 : memref<24x128xi32, #tpu.memory_space<hbm>>) dst(%dma_wait3A_115 : memref<24x128xi32, #tpu.memory_space<vmem>>)
        tpu.yield
      }) : () -> ()
      %run_scoped3A_65 = arith.constant 1 : i32
      "tpu.region"() ({
        %run_scoped3A_94 = tpu.sem_alloc : memref<!tpu.dma_semaphore, #tpu.memory_space<semaphore_mem>>
        %dma_start3A_95 = arith.constant 0 : i32
        %dma_start3A_96 = arith.constant 0 : i32
        %dma_start3A_97 = tpu.memref_slice %arg7[%dma_start3A_95, %dma_start3A_96] : memref<56x128xi32, #tpu.memory_space<vmem>> -> memref<24x128xi32, #tpu.memory_space<vmem>>
        %dma_start3A_98 = arith.constant 0 : i32
        %dma_start3A_99 = tpu.memref_slice %arg3[%run_scoped3A_65, %multiple_of3A_63, %dma_start3A_98] : memref<2x2560x128xi32, #tpu.memory_space<hbm>> -> memref<1x24x128xi32, #tpu.memory_space<hbm>>
        %dma_start3A_100 = tpu.memref_squeeze %dma_start3A_99 : memref<1x24x128xi32, #tpu.memory_space<hbm>> -> memref<24x128xi32, #tpu.memory_space<hbm>>
        %dma_start3A_101 = arith.constant 0 : i32
        %dma_start3A_102 = arith.constant 0 : i32
        %dma_start3A_103 = tpu.memref_slice %arg7[%dma_start3A_101, %dma_start3A_102] : memref<56x128xi32, #tpu.memory_space<vmem>> -> memref<24x128xi32, #tpu.memory_space<vmem>>
        %dma_start3A_104 = arith.constant 0 : i32
        %dma_start3A_105 = tpu.memref_slice %arg3[%run_scoped3A_65, %multiple_of3A_63, %dma_start3A_104] : memref<2x2560x128xi32, #tpu.memory_space<hbm>> -> memref<1x24x128xi32, #tpu.memory_space<hbm>>
        %dma_start3A_106 = tpu.memref_squeeze %dma_start3A_105 : memref<1x24x128xi32, #tpu.memory_space<hbm>> -> memref<24x128xi32, #tpu.memory_space<hbm>>
        tpu.enqueue_dma source(%dma_start3A_106 : memref<24x128xi32, #tpu.memory_space<hbm>>) target(%dma_start3A_103 : memref<24x128xi32, #tpu.memory_space<vmem>>) target_semaphore(%run_scoped3A_94 : memref<!tpu.dma_semaphore, #tpu.memory_space<semaphore_mem>>)
        %dma_wait3A_107 = arith.constant 0 : i32
        %dma_wait3A_108 = arith.constant 0 : i32
        %dma_wait3A_109 = tpu.memref_slice %arg7[%dma_wait3A_107, %dma_wait3A_108] : memref<56x128xi32, #tpu.memory_space<vmem>> -> memref<24x128xi32, #tpu.memory_space<vmem>>
        %dma_wait3A_110 = arith.constant 0 : i32
        %dma_wait3A_111 = tpu.memref_slice %arg3[%run_scoped3A_65, %multiple_of3A_63, %dma_wait3A_110] : memref<2x2560x128xi32, #tpu.memory_space<hbm>> -> memref<1x24x128xi32, #tpu.memory_space<hbm>>
        %dma_wait3A_112 = tpu.memref_squeeze %dma_wait3A_111 : memref<1x24x128xi32, #tpu.memory_space<hbm>> -> memref<24x128xi32, #tpu.memory_space<hbm>>
        %dma_wait3A_113 = arith.constant 0 : i32
        %dma_wait3A_114 = arith.constant 0 : i32
        %dma_wait3A_115 = tpu.memref_slice %arg7[%dma_wait3A_113, %dma_wait3A_114] : memref<56x128xi32, #tpu.memory_space<vmem>> -> memref<24x128xi32, #tpu.memory_space<vmem>>
        %dma_wait3A_116 = arith.constant 0 : i32
        %dma_wait3A_117 = tpu.memref_slice %arg3[%run_scoped3A_65, %multiple_of3A_63, %dma_wait3A_116] : memref<2x2560x128xi32, #tpu.memory_space<hbm>> -> memref<1x24x128xi32, #tpu.memory_space<hbm>>
        %dma_wait3A_118 = tpu.memref_squeeze %dma_wait3A_117 : memref<1x24x128xi32, #tpu.memory_space<hbm>> -> memref<24x128xi32, #tpu.memory_space<hbm>>
        tpu.wait_dma2 semaphore(%run_scoped3A_94 : memref<!tpu.dma_semaphore, #tpu.memory_space<semaphore_mem>>) src(%dma_wait3A_118 : memref<24x128xi32, #tpu.memory_space<hbm>>) dst(%dma_wait3A_115 : memref<24x128xi32, #tpu.memory_space<vmem>>)
        tpu.yield
      }) : () -> ()
      %dma_start3A_66 = arith.constant 0 : i32
      %dma_start3A_67 = arith.constant 0 : i32
      %dma_start3A_68 = arith.constant 0 : i32
      %dma_start3A_69 = tpu.memref_slice %arg8[%cond3A_17, %dma_start3A_67, %dma_start3A_68] : memref<2x128x128xf32, #tpu.memory_space<vmem>> -> memref<1x128x128xf32, #tpu.memory_space<vmem>>
      %dma_start3A_70 = tpu.memref_squeeze %dma_start3A_69 : memref<1x128x128xf32, #tpu.memory_space<vmem>> -> memref<128x128xf32, #tpu.memory_space<vmem>>
      %dma_start3A_71 = arith.constant 0 : i32
      %dma_start3A_72 = tpu.memref_slice %arg6[%dma_start3A_66, %dma_start3A_71] : memref<56x128xi32, #tpu.memory_space<vmem>> -> memref<1x128xi32, #tpu.memory_space<vmem>>
      %dma_start3A_73 = tpu.memref_squeeze %dma_start3A_72 : memref<1x128xi32, #tpu.memory_space<vmem>> -> memref<128xi32, #tpu.memory_space<vmem>>
      %dma_start3A_74 = arith.constant 0 : i32
      %dma_start3A_75 = arith.constant 0 : i32
      %dma_start3A_76 = tpu.memref_slice %arg2[%dma_start3A_74, %dma_start3A_75] : memref<10000x128xf32, #tpu.memory_space<hbm>> -> memref<10000x128xf32, #tpu.memory_space<hbm>>
      tpu.enqueue_indirect_dma source(%dma_start3A_76 : memref<10000x128xf32, #tpu.memory_space<hbm>>) target(%dma_start3A_70 : memref<128x128xf32, #tpu.memory_space<vmem>>) offsets(%dma_start3A_73 : memref<128xi32, #tpu.memory_space<vmem>>) semaphore(%arg10 : memref<!tpu.dma_semaphore, #tpu.memory_space<semaphore_mem>>)
      %scan3A_77 = arith.constant 0 : i32
      %scan3A_78 = arith.constant 0 : i32
      %scan3A_79 = arith.constant 12 : i32
      %scan3A_80 = arith.addi %scan3A_78, %scan3A_79 : i32
      %scan3A_81 = arith.constant 1 : i32
      scf.for %scan3A_94 = %scan3A_78 to %scan3A_80 step %scan3A_81  : i32 {
        %mul3A_95 = arith.constant 2 : i32
        %mul3A_96 = arith.muli %mul3A_95, %scan3A_94 : i32
        %mul3A_97 = arith.constant 2 : i32
        %mul3A_98 = arith.muli %mul3A_97, %scan3A_94 : i32
        %add3A_99 = arith.constant 1 : i32
        %add3A_100 = arith.addi %mul3A_98, %add3A_99 : i32
        %gt3A = arith.constant 0 : i32
        %gt3A_101 = arith.cmpi sgt, %scan3A_94, %gt3A : i32
        %convert_element_type3A_102 = arith.extui %gt3A_101 : i1 to i32
        %cond3A_103 = arith.constant 0 : i32
        %cond3A_104 = arith.cmpi ne, %convert_element_type3A_102, %cond3A_103 : i32
        scf.if %cond3A_104 {
          %sub3A = arith.constant 1 : i32
          %sub3A_170 = arith.subi %mul3A_96, %sub3A : i32
          %dma_wait3A_171 = arith.constant 0 : i32
          %dma_wait3A_172 = arith.constant 0 : i32
          %dma_wait3A_173 = tpu.memref_slice %arg8[%cond3A_18, %dma_wait3A_171, %dma_wait3A_172] : memref<2x128x128xf32, #tpu.memory_space<vmem>> -> memref<1x128x128xf32, #tpu.memory_space<vmem>>
          %dma_wait3A_174 = tpu.memref_squeeze %dma_wait3A_173 : memref<1x128x128xf32, #tpu.memory_space<vmem>> -> memref<128x128xf32, #tpu.memory_space<vmem>>
          %dma_wait3A_175 = arith.constant 0 : i32
          %dma_wait3A_176 = tpu.memref_slice %arg6[%sub3A_170, %dma_wait3A_175] : memref<56x128xi32, #tpu.memory_space<vmem>> -> memref<1x128xi32, #tpu.memory_space<vmem>>
          %dma_wait3A_177 = tpu.memref_squeeze %dma_wait3A_176 : memref<1x128xi32, #tpu.memory_space<vmem>> -> memref<128xi32, #tpu.memory_space<vmem>>
          %dma_wait3A_178 = arith.constant 0 : i32
          %dma_wait3A_179 = arith.constant 0 : i32
          %dma_wait3A_180 = tpu.memref_slice %arg2[%dma_wait3A_178, %dma_wait3A_179] : memref<10000x128xf32, #tpu.memory_space<hbm>> -> memref<10000x128xf32, #tpu.memory_space<hbm>>
          tpu.wait_indirect_dma semaphore(%arg13 : memref<!tpu.dma_semaphore, #tpu.memory_space<semaphore_mem>>) src(%dma_wait3A_180 : memref<10000x128xf32, #tpu.memory_space<hbm>>) dst(%dma_wait3A_174 : memref<128x128xf32, #tpu.memory_space<vmem>>)
        } else {
        }
        %dma_start3A_105 = arith.constant 0 : i32
        %dma_start3A_106 = arith.constant 0 : i32
        %dma_start3A_107 = tpu.memref_slice %arg8[%cond3A_18, %dma_start3A_105, %dma_start3A_106] : memref<2x128x128xf32, #tpu.memory_space<vmem>> -> memref<1x128x128xf32, #tpu.memory_space<vmem>>
        %dma_start3A_108 = tpu.memref_squeeze %dma_start3A_107 : memref<1x128x128xf32, #tpu.memory_space<vmem>> -> memref<128x128xf32, #tpu.memory_space<vmem>>
        %dma_start3A_109 = arith.constant 0 : i32
        %dma_start3A_110 = tpu.memref_slice %arg6[%add3A_100, %dma_start3A_109] : memref<56x128xi32, #tpu.memory_space<vmem>> -> memref<1x128xi32, #tpu.memory_space<vmem>>
        %dma_start3A_111 = tpu.memref_squeeze %dma_start3A_110 : memref<1x128xi32, #tpu.memory_space<vmem>> -> memref<128xi32, #tpu.memory_space<vmem>>
        %dma_start3A_112 = arith.constant 0 : i32
        %dma_start3A_113 = arith.constant 0 : i32
        %dma_start3A_114 = tpu.memref_slice %arg2[%dma_start3A_112, %dma_start3A_113] : memref<10000x128xf32, #tpu.memory_space<hbm>> -> memref<10000x128xf32, #tpu.memory_space<hbm>>
        tpu.enqueue_indirect_dma source(%dma_start3A_114 : memref<10000x128xf32, #tpu.memory_space<hbm>>) target(%dma_start3A_108 : memref<128x128xf32, #tpu.memory_space<vmem>>) offsets(%dma_start3A_111 : memref<128xi32, #tpu.memory_space<vmem>>) semaphore(%arg11 : memref<!tpu.dma_semaphore, #tpu.memory_space<semaphore_mem>>)
        %dma_wait3A_115 = arith.constant 0 : i32
        %dma_wait3A_116 = arith.constant 0 : i32
        %dma_wait3A_117 = tpu.memref_slice %arg8[%cond3A_17, %dma_wait3A_115, %dma_wait3A_116] : memref<2x128x128xf32, #tpu.memory_space<vmem>> -> memref<1x128x128xf32, #tpu.memory_space<vmem>>
        %dma_wait3A_118 = tpu.memref_squeeze %dma_wait3A_117 : memref<1x128x128xf32, #tpu.memory_space<vmem>> -> memref<128x128xf32, #tpu.memory_space<vmem>>
        %dma_wait3A_119 = arith.constant 0 : i32
        %dma_wait3A_120 = tpu.memref_slice %arg6[%mul3A_96, %dma_wait3A_119] : memref<56x128xi32, #tpu.memory_space<vmem>> -> memref<1x128xi32, #tpu.memory_space<vmem>>
        %dma_wait3A_121 = tpu.memref_squeeze %dma_wait3A_120 : memref<1x128xi32, #tpu.memory_space<vmem>> -> memref<128xi32, #tpu.memory_space<vmem>>
        %dma_wait3A_122 = arith.constant 0 : i32
        %dma_wait3A_123 = arith.constant 0 : i32
        %dma_wait3A_124 = tpu.memref_slice %arg2[%dma_wait3A_122, %dma_wait3A_123] : memref<10000x128xf32, #tpu.memory_space<hbm>> -> memref<10000x128xf32, #tpu.memory_space<hbm>>
        tpu.wait_indirect_dma semaphore(%arg10 : memref<!tpu.dma_semaphore, #tpu.memory_space<semaphore_mem>>) src(%dma_wait3A_124 : memref<10000x128xf32, #tpu.memory_space<hbm>>) dst(%dma_wait3A_118 : memref<128x128xf32, #tpu.memory_space<vmem>>)
        %dma_start3A_125 = arith.constant 0 : i32
        %dma_start3A_126 = arith.constant 0 : i32
        %dma_start3A_127 = tpu.memref_slice %arg8[%cond3A_17, %dma_start3A_125, %dma_start3A_126] : memref<2x128x128xf32, #tpu.memory_space<vmem>> -> memref<1x128x128xf32, #tpu.memory_space<vmem>>
        %dma_start3A_128 = tpu.memref_squeeze %dma_start3A_127 : memref<1x128x128xf32, #tpu.memory_space<vmem>> -> memref<128x128xf32, #tpu.memory_space<vmem>>
        %dma_start3A_129 = arith.constant 0 : i32
        %dma_start3A_130 = tpu.memref_slice %arg7[%mul3A_96, %dma_start3A_129] : memref<56x128xi32, #tpu.memory_space<vmem>> -> memref<1x128xi32, #tpu.memory_space<vmem>>
        %dma_start3A_131 = tpu.memref_squeeze %dma_start3A_130 : memref<1x128xi32, #tpu.memory_space<vmem>> -> memref<128xi32, #tpu.memory_space<vmem>>
        %dma_start3A_132 = arith.constant 0 : i32
        %dma_start3A_133 = arith.constant 0 : i32
        %dma_start3A_134 = tpu.memref_slice %arg9[%dma_start3A_132, %dma_start3A_133] : memref<10008x128xf32, #tpu.memory_space<vmem_shared>> -> memref<10008x128xf32, #tpu.memory_space<vmem_shared>>
        tpu.enqueue_indirect_dma source(%dma_start3A_128 : memref<128x128xf32, #tpu.memory_space<vmem>>) target(%dma_start3A_134 : memref<10008x128xf32, #tpu.memory_space<vmem_shared>>) offsets(%dma_start3A_131 : memref<128xi32, #tpu.memory_space<vmem>>) semaphore(%arg12 : memref<!tpu.dma_semaphore, #tpu.memory_space<semaphore_mem>>) {add = true}
        %dma_wait3A_135 = arith.constant 0 : i32
        %dma_wait3A_136 = arith.constant 0 : i32
        %dma_wait3A_137 = tpu.memref_slice %arg8[%cond3A_18, %dma_wait3A_135, %dma_wait3A_136] : memref<2x128x128xf32, #tpu.memory_space<vmem>> -> memref<1x128x128xf32, #tpu.memory_space<vmem>>
        %dma_wait3A_138 = tpu.memref_squeeze %dma_wait3A_137 : memref<1x128x128xf32, #tpu.memory_space<vmem>> -> memref<128x128xf32, #tpu.memory_space<vmem>>
        %dma_wait3A_139 = arith.constant 0 : i32
        %dma_wait3A_140 = tpu.memref_slice %arg6[%add3A_100, %dma_wait3A_139] : memref<56x128xi32, #tpu.memory_space<vmem>> -> memref<1x128xi32, #tpu.memory_space<vmem>>
        %dma_wait3A_141 = tpu.memref_squeeze %dma_wait3A_140 : memref<1x128xi32, #tpu.memory_space<vmem>> -> memref<128xi32, #tpu.memory_space<vmem>>
        %dma_wait3A_142 = arith.constant 0 : i32
        %dma_wait3A_143 = arith.constant 0 : i32
        %dma_wait3A_144 = tpu.memref_slice %arg2[%dma_wait3A_142, %dma_wait3A_143] : memref<10000x128xf32, #tpu.memory_space<hbm>> -> memref<10000x128xf32, #tpu.memory_space<hbm>>
        tpu.wait_indirect_dma semaphore(%arg11 : memref<!tpu.dma_semaphore, #tpu.memory_space<semaphore_mem>>) src(%dma_wait3A_144 : memref<10000x128xf32, #tpu.memory_space<hbm>>) dst(%dma_wait3A_138 : memref<128x128xf32, #tpu.memory_space<vmem>>)
        %dma_start3A_145 = arith.constant 0 : i32
        %dma_start3A_146 = arith.constant 0 : i32
        %dma_start3A_147 = tpu.memref_slice %arg8[%cond3A_18, %dma_start3A_145, %dma_start3A_146] : memref<2x128x128xf32, #tpu.memory_space<vmem>> -> memref<1x128x128xf32, #tpu.memory_space<vmem>>
        %dma_start3A_148 = tpu.memref_squeeze %dma_start3A_147 : memref<1x128x128xf32, #tpu.memory_space<vmem>> -> memref<128x128xf32, #tpu.memory_space<vmem>>
        %dma_start3A_149 = arith.constant 0 : i32
        %dma_start3A_150 = tpu.memref_slice %arg7[%add3A_100, %dma_start3A_149] : memref<56x128xi32, #tpu.memory_space<vmem>> -> memref<1x128xi32, #tpu.memory_space<vmem>>
        %dma_start3A_151 = tpu.memref_squeeze %dma_start3A_150 : memref<1x128xi32, #tpu.memory_space<vmem>> -> memref<128xi32, #tpu.memory_space<vmem>>
        %dma_start3A_152 = arith.constant 0 : i32
        %dma_start3A_153 = arith.constant 0 : i32
        %dma_start3A_154 = tpu.memref_slice %arg9[%dma_start3A_152, %dma_start3A_153] : memref<10008x128xf32, #tpu.memory_space<vmem_shared>> -> memref<10008x128xf32, #tpu.memory_space<vmem_shared>>
        tpu.enqueue_indirect_dma source(%dma_start3A_148 : memref<128x128xf32, #tpu.memory_space<vmem>>) target(%dma_start3A_154 : memref<10008x128xf32, #tpu.memory_space<vmem_shared>>) offsets(%dma_start3A_151 : memref<128xi32, #tpu.memory_space<vmem>>) semaphore(%arg13 : memref<!tpu.dma_semaphore, #tpu.memory_space<semaphore_mem>>) {add = true}
        %dma_wait3A_155 = arith.constant 0 : i32
        %dma_wait3A_156 = arith.constant 0 : i32
        %dma_wait3A_157 = tpu.memref_slice %arg8[%cond3A_17, %dma_wait3A_155, %dma_wait3A_156] : memref<2x128x128xf32, #tpu.memory_space<vmem>> -> memref<1x128x128xf32, #tpu.memory_space<vmem>>
        %dma_wait3A_158 = tpu.memref_squeeze %dma_wait3A_157 : memref<1x128x128xf32, #tpu.memory_space<vmem>> -> memref<128x128xf32, #tpu.memory_space<vmem>>
        %dma_wait3A_159 = arith.constant 0 : i32
        %dma_wait3A_160 = tpu.memref_slice %arg6[%mul3A_96, %dma_wait3A_159] : memref<56x128xi32, #tpu.memory_space<vmem>> -> memref<1x128xi32, #tpu.memory_space<vmem>>
        %dma_wait3A_161 = tpu.memref_squeeze %dma_wait3A_160 : memref<1x128xi32, #tpu.memory_space<vmem>> -> memref<128xi32, #tpu.memory_space<vmem>>
        %dma_wait3A_162 = arith.constant 0 : i32
        %dma_wait3A_163 = arith.constant 0 : i32
        %dma_wait3A_164 = tpu.memref_slice %arg2[%dma_wait3A_162, %dma_wait3A_163] : memref<10000x128xf32, #tpu.memory_space<hbm>> -> memref<10000x128xf32, #tpu.memory_space<hbm>>
        tpu.wait_indirect_dma semaphore(%arg12 : memref<!tpu.dma_semaphore, #tpu.memory_space<semaphore_mem>>) src(%dma_wait3A_164 : memref<10000x128xf32, #tpu.memory_space<hbm>>) dst(%dma_wait3A_158 : memref<128x128xf32, #tpu.memory_space<vmem>>)
        %lt3A_165 = arith.constant 11 : i32
        %lt3A_166 = arith.cmpi slt, %scan3A_94, %lt3A_165 : i32
        %convert_element_type3A_167 = arith.extui %lt3A_166 : i1 to i32
        %cond3A_168 = arith.constant 0 : i32
        %cond3A_169 = arith.cmpi ne, %convert_element_type3A_167, %cond3A_168 : i32
        scf.if %cond3A_169 {
          %add3A_170 = arith.constant 2 : i32
          %add3A_171 = arith.addi %mul3A_96, %add3A_170 : i32
          %dma_start3A_172 = arith.constant 0 : i32
          %dma_start3A_173 = arith.constant 0 : i32
          %dma_start3A_174 = tpu.memref_slice %arg8[%cond3A_17, %dma_start3A_172, %dma_start3A_173] : memref<2x128x128xf32, #tpu.memory_space<vmem>> -> memref<1x128x128xf32, #tpu.memory_space<vmem>>
          %dma_start3A_175 = tpu.memref_squeeze %dma_start3A_174 : memref<1x128x128xf32, #tpu.memory_space<vmem>> -> memref<128x128xf32, #tpu.memory_space<vmem>>
          %dma_start3A_176 = arith.constant 0 : i32
          %dma_start3A_177 = tpu.memref_slice %arg6[%add3A_171, %dma_start3A_176] : memref<56x128xi32, #tpu.memory_space<vmem>> -> memref<1x128xi32, #tpu.memory_space<vmem>>
          %dma_start3A_178 = tpu.memref_squeeze %dma_start3A_177 : memref<1x128xi32, #tpu.memory_space<vmem>> -> memref<128xi32, #tpu.memory_space<vmem>>
          %dma_start3A_179 = arith.constant 0 : i32
          %dma_start3A_180 = arith.constant 0 : i32
          %dma_start3A_181 = tpu.memref_slice %arg2[%dma_start3A_179, %dma_start3A_180] : memref<10000x128xf32, #tpu.memory_space<hbm>> -> memref<10000x128xf32, #tpu.memory_space<hbm>>
          tpu.enqueue_indirect_dma source(%dma_start3A_181 : memref<10000x128xf32, #tpu.memory_space<hbm>>) target(%dma_start3A_175 : memref<128x128xf32, #tpu.memory_space<vmem>>) offsets(%dma_start3A_178 : memref<128xi32, #tpu.memory_space<vmem>>) semaphore(%arg10 : memref<!tpu.dma_semaphore, #tpu.memory_space<semaphore_mem>>)
        } else {
        }
      }
      %scan3A_82 = arith.constant 12 : i32
      %dma_wait3A_83 = arith.constant 23 : i32
      %dma_wait3A_84 = arith.constant 0 : i32
      %dma_wait3A_85 = arith.constant 0 : i32
      %dma_wait3A_86 = tpu.memref_slice %arg8[%cond3A_18, %dma_wait3A_84, %dma_wait3A_85] : memref<2x128x128xf32, #tpu.memory_space<vmem>> -> memref<1x128x128xf32, #tpu.memory_space<vmem>>
      %dma_wait3A_87 = tpu.memref_squeeze %dma_wait3A_86 : memref<1x128x128xf32, #tpu.memory_space<vmem>> -> memref<128x128xf32, #tpu.memory_space<vmem>>
      %dma_wait3A_88 = arith.constant 0 : i32
      %dma_wait3A_89 = tpu.memref_slice %arg6[%dma_wait3A_83, %dma_wait3A_88] : memref<56x128xi32, #tpu.memory_space<vmem>> -> memref<1x128xi32, #tpu.memory_space<vmem>>
      %dma_wait3A_90 = tpu.memref_squeeze %dma_wait3A_89 : memref<1x128xi32, #tpu.memory_space<vmem>> -> memref<128xi32, #tpu.memory_space<vmem>>
      %dma_wait3A_91 = arith.constant 0 : i32
      %dma_wait3A_92 = arith.constant 0 : i32
      %dma_wait3A_93 = tpu.memref_slice %arg2[%dma_wait3A_91, %dma_wait3A_92] : memref<10000x128xf32, #tpu.memory_space<hbm>> -> memref<10000x128xf32, #tpu.memory_space<hbm>>
      tpu.wait_indirect_dma semaphore(%arg13 : memref<!tpu.dma_semaphore, #tpu.memory_space<semaphore_mem>>) src(%dma_wait3A_93 : memref<10000x128xf32, #tpu.memory_space<hbm>>) dst(%dma_wait3A_87 : memref<128x128xf32, #tpu.memory_space<vmem>>)
    } else {
    }
    %barrier3A_21 = arith.constant 0 : index
    tpu.barrier barrier_id(%barrier3A_21)
    %lt3A_22 = arith.constant 15 : i32
    %lt3A_23 = arith.cmpi slt, %arg1, %lt3A_22 : i32
    %convert_element_type3A_24 = arith.extui %lt3A_23 : i1 to i32
    %cond3A_25 = arith.constant 0 : i32
    %cond3A_26 = arith.cmpi ne, %convert_element_type3A_24, %cond3A_25 : i32
    scf.if %cond3A_26 {
      %mul3A_32 = arith.constant 632 : i32
      %mul3A_33 = arith.muli %arg1, %mul3A_32 : i32
      %multiple_of3A = tpu.assume_multiple %mul3A_33, 8 : i32
      "tpu.region"() ({
        %run_scoped3A = tpu.sem_alloc : memref<!tpu.dma_semaphore, #tpu.memory_space<semaphore_mem>>
        %dma_start3A = arith.constant 0 : i32
        %dma_start3A_34 = tpu.memref_slice %arg5[%arg0, %multiple_of3A, %dma_start3A] : memref<2x10000x128xf32, #tpu.memory_space<hbm>> -> memref<1x632x128xf32, #tpu.memory_space<hbm>>
        %dma_start3A_35 = tpu.memref_squeeze %dma_start3A_34 : memref<1x632x128xf32, #tpu.memory_space<hbm>> -> memref<632x128xf32, #tpu.memory_space<hbm>>
        %dma_start3A_36 = arith.constant 0 : i32
        %dma_start3A_37 = tpu.memref_slice %arg9[%multiple_of3A, %dma_start3A_36] : memref<10008x128xf32, #tpu.memory_space<vmem_shared>> -> memref<632x128xf32, #tpu.memory_space<vmem_shared>>
        tpu.enqueue_dma source(%dma_start3A_37 : memref<632x128xf32, #tpu.memory_space<vmem_shared>>) target(%dma_start3A_35 : memref<632x128xf32, #tpu.memory_space<hbm>>) target_semaphore(%run_scoped3A : memref<!tpu.dma_semaphore, #tpu.memory_space<semaphore_mem>>)
        %dma_wait3A = arith.constant 0 : i32
        %dma_wait3A_38 = tpu.memref_slice %arg5[%arg0, %multiple_of3A, %dma_wait3A] : memref<2x10000x128xf32, #tpu.memory_space<hbm>> -> memref<1x632x128xf32, #tpu.memory_space<hbm>>
        %dma_wait3A_39 = tpu.memref_squeeze %dma_wait3A_38 : memref<1x632x128xf32, #tpu.memory_space<hbm>> -> memref<632x128xf32, #tpu.memory_space<hbm>>
        %dma_wait3A_40 = arith.constant 0 : i32
        %dma_wait3A_41 = tpu.memref_slice %arg9[%multiple_of3A, %dma_wait3A_40] : memref<10008x128xf32, #tpu.memory_space<vmem_shared>> -> memref<632x128xf32, #tpu.memory_space<vmem_shared>>
        tpu.wait_dma2 semaphore(%run_scoped3A : memref<!tpu.dma_semaphore, #tpu.memory_space<semaphore_mem>>) src(%dma_wait3A_41 : memref<632x128xf32, #tpu.memory_space<vmem_shared>>) dst(%dma_wait3A_39 : memref<632x128xf32, #tpu.memory_space<hbm>>)
        tpu.yield
      }) : () -> ()
    } else {
    }
    %eq3A_27 = arith.constant 15 : i32
    %eq3A_28 = arith.cmpi eq, %arg1, %eq3A_27 : i32
    %convert_element_type3A_29 = arith.extui %eq3A_28 : i1 to i32
    %cond3A_30 = arith.constant 0 : i32
    %cond3A_31 = arith.cmpi ne, %convert_element_type3A_29, %cond3A_30 : i32
    scf.if %cond3A_31 {
      %multiple_of3A = arith.constant 9480 : i32
      %multiple_of3A_32 = tpu.assume_multiple %multiple_of3A, 8 : i32
      "tpu.region"() ({
        %run_scoped3A = tpu.sem_alloc : memref<!tpu.dma_semaphore, #tpu.memory_space<semaphore_mem>>
        %dma_start3A = arith.constant 0 : i32
        %dma_start3A_33 = tpu.memref_slice %arg5[%arg0, %multiple_of3A_32, %dma_start3A] : memref<2x10000x128xf32, #tpu.memory_space<hbm>> -> memref<1x520x128xf32, #tpu.memory_space<hbm>>
        %dma_start3A_34 = tpu.memref_squeeze %dma_start3A_33 : memref<1x520x128xf32, #tpu.memory_space<hbm>> -> memref<520x128xf32, #tpu.memory_space<hbm>>
        %dma_start3A_35 = arith.constant 0 : i32
        %dma_start3A_36 = tpu.memref_slice %arg9[%multiple_of3A_32, %dma_start3A_35] : memref<10008x128xf32, #tpu.memory_space<vmem_shared>> -> memref<520x128xf32, #tpu.memory_space<vmem_shared>>
        tpu.enqueue_dma source(%dma_start3A_36 : memref<520x128xf32, #tpu.memory_space<vmem_shared>>) target(%dma_start3A_34 : memref<520x128xf32, #tpu.memory_space<hbm>>) target_semaphore(%run_scoped3A : memref<!tpu.dma_semaphore, #tpu.memory_space<semaphore_mem>>)
        %dma_wait3A = arith.constant 0 : i32
        %dma_wait3A_37 = tpu.memref_slice %arg5[%arg0, %multiple_of3A_32, %dma_wait3A] : memref<2x10000x128xf32, #tpu.memory_space<hbm>> -> memref<1x520x128xf32, #tpu.memory_space<hbm>>
        %dma_wait3A_38 = tpu.memref_squeeze %dma_wait3A_37 : memref<1x520x128xf32, #tpu.memory_space<hbm>> -> memref<520x128xf32, #tpu.memory_space<hbm>>
        %dma_wait3A_39 = arith.constant 0 : i32
        %dma_wait3A_40 = tpu.memref_slice %arg9[%multiple_of3A_32, %dma_wait3A_39] : memref<10008x128xf32, #tpu.memory_space<vmem_shared>> -> memref<520x128xf32, #tpu.memory_space<vmem_shared>>
        tpu.wait_dma2 semaphore(%run_scoped3A : memref<!tpu.dma_semaphore, #tpu.memory_space<semaphore_mem>>) src(%dma_wait3A_40 : memref<520x128xf32, #tpu.memory_space<vmem_shared>>) dst(%dma_wait3A_38 : memref<520x128xf32, #tpu.memory_space<hbm>>)
        tpu.yield
      }) : () -> ()
    } else {
    }
    return
  }
}

#map = affine_map<(d0, d1) -> (0, 0, 0)>
#map1 = affine_map<(d0, d1) -> (0)>
#map2 = affine_map<(d0, d1) -> (0, 0)>
module attributes {stable_mosaic.version = 14 : i64} {
  func.func @_deg_body(%arg0: i32, %arg1: i32, %arg2: memref<2x2560x128xi32, #tpu.memory_space<hbm>>, %arg3: memref<128xf32, #tpu.memory_space<hbm>>, %arg4: memref<10240xf32, #tpu.memory_space<hbm>>, %arg5: memref<2x10240xf32, #tpu.memory_space<hbm>>, %arg6: memref<80x128xi32, #tpu.memory_space<vmem>>, %arg7: memref<128xf32, #tpu.memory_space<vmem>>, %arg8: memref<10240xf32, #tpu.memory_space<vmem_shared>>) attributes {dimension_semantics = [#tpu.dimension_semantics<core_parallel>, #tpu.dimension_semantics<subcore_parallel>], iteration_bounds = array<i64: 2, 16>, scalar_prefetch = 0 : i64, scratch_operands = 3 : i64, tpu.core_type = #tpu.core_type<sc_vector_subcore>, window_params = [{transform_indices = #map}, {transform_indices = #map1}, {transform_indices = #map1}, {transform_indices = #map2}]} {
    %mul3A = arith.constant 2 : i32
    %mul3A_0 = arith.muli %arg1, %mul3A : i32
    %add3A = arith.addi %mul3A_0, %arg0 : i32
    "tpu.region"() ({
      %run_scoped3A_12 = tpu.sem_alloc : memref<!tpu.dma_semaphore, #tpu.memory_space<semaphore_mem>>
      tpu.enqueue_dma source(%arg3 : memref<128xf32, #tpu.memory_space<hbm>>) target(%arg7 : memref<128xf32, #tpu.memory_space<vmem>>) target_semaphore(%run_scoped3A_12 : memref<!tpu.dma_semaphore, #tpu.memory_space<semaphore_mem>>)
      tpu.wait_dma2 semaphore(%run_scoped3A_12 : memref<!tpu.dma_semaphore, #tpu.memory_space<semaphore_mem>>) src(%arg3 : memref<128xf32, #tpu.memory_space<hbm>>) dst(%arg7 : memref<128xf32, #tpu.memory_space<vmem>>)
      tpu.yield
    }) : () -> ()
    %mul3A_1 = arith.constant 640 : i32
    %mul3A_2 = arith.muli %arg1, %mul3A_1 : i32
    %multiple_of3A = tpu.assume_multiple %mul3A_2, 8 : i32
    "tpu.region"() ({
      %run_scoped3A_12 = tpu.sem_alloc : memref<!tpu.dma_semaphore, #tpu.memory_space<semaphore_mem>>
      %dma_start3A = tpu.memref_slice %arg8[%multiple_of3A] : memref<10240xf32, #tpu.memory_space<vmem_shared>> -> memref<640xf32, #tpu.memory_space<vmem_shared>>
      %dma_start3A_13 = tpu.memref_slice %arg4[%multiple_of3A] : memref<10240xf32, #tpu.memory_space<hbm>> -> memref<640xf32, #tpu.memory_space<hbm>>
      tpu.enqueue_dma source(%dma_start3A_13 : memref<640xf32, #tpu.memory_space<hbm>>) target(%dma_start3A : memref<640xf32, #tpu.memory_space<vmem_shared>>) target_semaphore(%run_scoped3A_12 : memref<!tpu.dma_semaphore, #tpu.memory_space<semaphore_mem>>)
      %dma_wait3A = tpu.memref_slice %arg8[%multiple_of3A] : memref<10240xf32, #tpu.memory_space<vmem_shared>> -> memref<640xf32, #tpu.memory_space<vmem_shared>>
      %dma_wait3A_14 = tpu.memref_slice %arg4[%multiple_of3A] : memref<10240xf32, #tpu.memory_space<hbm>> -> memref<640xf32, #tpu.memory_space<hbm>>
      tpu.wait_dma2 semaphore(%run_scoped3A_12 : memref<!tpu.dma_semaphore, #tpu.memory_space<semaphore_mem>>) src(%dma_wait3A_14 : memref<640xf32, #tpu.memory_space<hbm>>) dst(%dma_wait3A : memref<640xf32, #tpu.memory_space<vmem_shared>>)
      tpu.yield
    }) : () -> ()
    %mul3A_3 = arith.constant 80 : i32
    %mul3A_4 = arith.muli %add3A, %mul3A_3 : i32
    %multiple_of3A_5 = tpu.assume_multiple %mul3A_4, 8 : i32
    %run_scoped3A = arith.constant 1 : i32
    "tpu.region"() ({
      %run_scoped3A_12 = tpu.sem_alloc : memref<!tpu.dma_semaphore, #tpu.memory_space<semaphore_mem>>
      %dma_start3A = arith.constant 0 : i32
      %dma_start3A_13 = tpu.memref_slice %arg2[%run_scoped3A, %multiple_of3A_5, %dma_start3A] : memref<2x2560x128xi32, #tpu.memory_space<hbm>> -> memref<1x80x128xi32, #tpu.memory_space<hbm>>
      %dma_start3A_14 = tpu.memref_squeeze %dma_start3A_13 : memref<1x80x128xi32, #tpu.memory_space<hbm>> -> memref<80x128xi32, #tpu.memory_space<hbm>>
      %dma_start3A_15 = arith.constant 0 : i32
      %dma_start3A_16 = tpu.memref_slice %arg2[%run_scoped3A, %multiple_of3A_5, %dma_start3A_15] : memref<2x2560x128xi32, #tpu.memory_space<hbm>> -> memref<1x80x128xi32, #tpu.memory_space<hbm>>
      %dma_start3A_17 = tpu.memref_squeeze %dma_start3A_16 : memref<1x80x128xi32, #tpu.memory_space<hbm>> -> memref<80x128xi32, #tpu.memory_space<hbm>>
      tpu.enqueue_dma source(%dma_start3A_17 : memref<80x128xi32, #tpu.memory_space<hbm>>) target(%arg6 : memref<80x128xi32, #tpu.memory_space<vmem>>) target_semaphore(%run_scoped3A_12 : memref<!tpu.dma_semaphore, #tpu.memory_space<semaphore_mem>>)
      %dma_wait3A = arith.constant 0 : i32
      %dma_wait3A_18 = tpu.memref_slice %arg2[%run_scoped3A, %multiple_of3A_5, %dma_wait3A] : memref<2x2560x128xi32, #tpu.memory_space<hbm>> -> memref<1x80x128xi32, #tpu.memory_space<hbm>>
      %dma_wait3A_19 = tpu.memref_squeeze %dma_wait3A_18 : memref<1x80x128xi32, #tpu.memory_space<hbm>> -> memref<80x128xi32, #tpu.memory_space<hbm>>
      %dma_wait3A_20 = arith.constant 0 : i32
      %dma_wait3A_21 = tpu.memref_slice %arg2[%run_scoped3A, %multiple_of3A_5, %dma_wait3A_20] : memref<2x2560x128xi32, #tpu.memory_space<hbm>> -> memref<1x80x128xi32, #tpu.memory_space<hbm>>
      %dma_wait3A_22 = tpu.memref_squeeze %dma_wait3A_21 : memref<1x80x128xi32, #tpu.memory_space<hbm>> -> memref<80x128xi32, #tpu.memory_space<hbm>>
      tpu.wait_dma2 semaphore(%run_scoped3A_12 : memref<!tpu.dma_semaphore, #tpu.memory_space<semaphore_mem>>) src(%dma_wait3A_22 : memref<80x128xi32, #tpu.memory_space<hbm>>) dst(%arg6 : memref<80x128xi32, #tpu.memory_space<vmem>>)
      tpu.yield
    }) : () -> ()
    %barrier3A = arith.constant 0 : index
    tpu.barrier barrier_id(%barrier3A)
    %scan3A = arith.constant 0 : i32
    %scan3A_6 = arith.constant 0 : i32
    %scan3A_7 = arith.constant 80 : i32
    %scan3A_8 = arith.addi %scan3A_6, %scan3A_7 : i32
    %scan3A_9 = arith.constant 1 : i32
    scf.for %scan3A_12 = %scan3A_6 to %scan3A_8 step %scan3A_9  : i32 {
      "tpu.region"() ({
        %run_scoped3A_13 = tpu.sem_alloc : memref<!tpu.dma_semaphore, #tpu.memory_space<semaphore_mem>>
        %dma_start3A = arith.constant 0 : i32
        %dma_start3A_14 = tpu.memref_slice %arg6[%scan3A_12, %dma_start3A] : memref<80x128xi32, #tpu.memory_space<vmem>> -> memref<1x128xi32, #tpu.memory_space<vmem>>
        %dma_start3A_15 = tpu.memref_squeeze %dma_start3A_14 : memref<1x128xi32, #tpu.memory_space<vmem>> -> memref<128xi32, #tpu.memory_space<vmem>>
        %dma_start3A_16 = arith.constant 0 : i32
        %dma_start3A_17 = tpu.memref_slice %arg8[%dma_start3A_16] : memref<10240xf32, #tpu.memory_space<vmem_shared>> -> memref<10240xf32, #tpu.memory_space<vmem_shared>>
        tpu.enqueue_indirect_dma source(%arg7 : memref<128xf32, #tpu.memory_space<vmem>>) target(%dma_start3A_17 : memref<10240xf32, #tpu.memory_space<vmem_shared>>) offsets(%dma_start3A_15 : memref<128xi32, #tpu.memory_space<vmem>>) semaphore(%run_scoped3A_13 : memref<!tpu.dma_semaphore, #tpu.memory_space<semaphore_mem>>) {add = true}
        %dma_wait3A = arith.constant 0 : i32
        %dma_wait3A_18 = tpu.memref_slice %arg6[%scan3A_12, %dma_wait3A] : memref<80x128xi32, #tpu.memory_space<vmem>> -> memref<1x128xi32, #tpu.memory_space<vmem>>
        %dma_wait3A_19 = tpu.memref_squeeze %dma_wait3A_18 : memref<1x128xi32, #tpu.memory_space<vmem>> -> memref<128xi32, #tpu.memory_space<vmem>>
        %dma_wait3A_20 = arith.constant 0 : i32
        %dma_wait3A_21 = tpu.memref_slice %arg8[%dma_wait3A_20] : memref<10240xf32, #tpu.memory_space<vmem_shared>> -> memref<10240xf32, #tpu.memory_space<vmem_shared>>
        tpu.wait_indirect_dma semaphore(%run_scoped3A_13 : memref<!tpu.dma_semaphore, #tpu.memory_space<semaphore_mem>>) src(%arg7 : memref<128xf32, #tpu.memory_space<vmem>>) dst(%dma_wait3A_21 : memref<10240xf32, #tpu.memory_space<vmem_shared>>)
        tpu.yield
      }) : () -> ()
    }
    %scan3A_10 = arith.constant 80 : i32
    %barrier3A_11 = arith.constant 0 : index
    tpu.barrier barrier_id(%barrier3A_11)
    "tpu.region"() ({
      %run_scoped3A_12 = tpu.sem_alloc : memref<!tpu.dma_semaphore, #tpu.memory_space<semaphore_mem>>
      %dma_start3A = tpu.memref_slice %arg5[%arg0, %multiple_of3A] : memref<2x10240xf32, #tpu.memory_space<hbm>> -> memref<1x640xf32, #tpu.memory_space<hbm>>
      %dma_start3A_13 = tpu.memref_squeeze %dma_start3A : memref<1x640xf32, #tpu.memory_space<hbm>> -> memref<640xf32, #tpu.memory_space<hbm>>
      %dma_start3A_14 = tpu.memref_slice %arg8[%multiple_of3A] : memref<10240xf32, #tpu.memory_space<vmem_shared>> -> memref<640xf32, #tpu.memory_space<vmem_shared>>
      tpu.enqueue_dma source(%dma_start3A_14 : memref<640xf32, #tpu.memory_space<vmem_shared>>) target(%dma_start3A_13 : memref<640xf32, #tpu.memory_space<hbm>>) target_semaphore(%run_scoped3A_12 : memref<!tpu.dma_semaphore, #tpu.memory_space<semaphore_mem>>)
      %dma_wait3A = tpu.memref_slice %arg5[%arg0, %multiple_of3A] : memref<2x10240xf32, #tpu.memory_space<hbm>> -> memref<1x640xf32, #tpu.memory_space<hbm>>
      %dma_wait3A_15 = tpu.memref_squeeze %dma_wait3A : memref<1x640xf32, #tpu.memory_space<hbm>> -> memref<640xf32, #tpu.memory_space<hbm>>
      %dma_wait3A_16 = tpu.memref_slice %arg8[%multiple_of3A] : memref<10240xf32, #tpu.memory_space<vmem_shared>> -> memref<640xf32, #tpu.memory_space<vmem_shared>>
      tpu.wait_dma2 semaphore(%run_scoped3A_12 : memref<!tpu.dma_semaphore, #tpu.memory_space<semaphore_mem>>) src(%dma_wait3A_16 : memref<640xf32, #tpu.memory_space<vmem_shared>>) dst(%dma_wait3A_15 : memref<640xf32, #tpu.memory_space<hbm>>)
      tpu.yield
    }) : () -> ()
    return
  }
}

module attributes {stable_mosaic.version = 14 : i64} {
  func.func @_mm1_body(%arg0: i32, %arg1: memref<1000x128xf32, #tpu.memory_space<vmem>>, %arg2: memref<128x64xf32, #tpu.memory_space<vmem>>, %arg3: memref<1000x2xf32, #tpu.memory_space<vmem>>, %arg4: memref<1000x128xf32, #tpu.memory_space<vmem>>) attributes {dimension_semantics = [#tpu.dimension_semantics<arbitrary>], iteration_bounds = array<i64: 10>, scalar_prefetch = 0 : i64, scratch_operands = 0 : i64, tpu.core_type = #tpu.core_type<tc>, window_params = [{transform_indices = @transform_0, window_bounds = array<i64: 1000, 128>}, {pipeline_mode = #tpu.pipeline_mode<synchronous>, transform_indices = @transform_1, window_bounds = array<i64: 128, 64>}, {transform_indices = @transform_2, window_bounds = array<i64: 1000, 2>}, {transform_indices = @transform_3, window_bounds = array<i64: 1000, 128>}]} {
    %get3A = arith.constant 0 : index
    %get3A_0 = arith.constant 0 : index
    %get3A_1 = vector.load %arg3[%get3A, %get3A_0] : memref<1000x2xf32, #tpu.memory_space<vmem>>, vector<1000x2xf32>
    %slice3A = vector.extract_strided_slice %get3A_1 {offsets = [0, 0], sizes = [1000, 1], strides = [1, 1]} : vector<1000x2xf32> to vector<1000x1xf32>
    %squeeze3A = vector.shape_cast %slice3A : vector<1000x1xf32> to vector<1000xf32>
    %slice3A_2 = vector.extract_strided_slice %get3A_1 {offsets = [0, 1], sizes = [1000, 1], strides = [1, 1]} : vector<1000x2xf32> to vector<1000x1xf32>
    %squeeze3A_3 = vector.shape_cast %slice3A_2 : vector<1000x1xf32> to vector<1000xf32>
    %add3A = arith.addf %squeeze3A, %squeeze3A_3 : vector<1000xf32>
    %add3A_4 = arith.constant 1.000000e+00 : f32
    %add3A_5 = vector.broadcast %add3A_4 : f32 to vector<1000xf32>
    %add3A_6 = arith.addf %add3A, %add3A_5 : vector<1000xf32>
    %rsqrt3A = math.rsqrt %add3A_6 : vector<1000xf32>
    %get3A_7 = arith.constant 0 : index
    %get3A_8 = arith.constant 0 : index
    %get3A_9 = vector.load %arg1[%get3A_7, %get3A_8] : memref<1000x128xf32, #tpu.memory_space<vmem>>, vector<1000x128xf32>
    %get3A_10 = arith.constant 0 : index
    %get3A_11 = arith.constant 0 : index
    %get3A_12 = vector.load %arg2[%get3A_10, %get3A_11] : memref<128x64xf32, #tpu.memory_space<vmem>>, vector<128x64xf32>
    %dot_general3A = arith.constant dense<0.000000e+00> : vector<1000x64xf32>
    %dot_general3A_13 = tpu.matmul %get3A_9, %get3A_12, %dot_general3A {dimension_numbers = #tpu.dot_dimension_numbers<[1], [0], [0], [1], [0, 0, 1, 1], [], []>, transpose_lhs_hint = false} : vector<1000x128xf32>, vector<128x64xf32>, vector<1000x64xf32> -> vector<1000x64xf32>
    %broadcast_in_dim3A = vector.shape_cast %rsqrt3A : vector<1000xf32> to vector<1000x1xf32>
    %mul3A = vector.broadcast %broadcast_in_dim3A : vector<1000x1xf32> to vector<1000x64xf32>
    %mul3A_14 = arith.mulf %dot_general3A_13, %mul3A : vector<1000x64xf32>
    %swap3A = arith.constant 0 : index
    %swap3A_15 = arith.constant 0 : index
    %swap3A_16 = vector.load %arg4[%swap3A, %swap3A_15] : memref<1000x128xf32, #tpu.memory_space<vmem>>, vector<1000x64xf32>
    tpu.vector_store %arg4[%swap3A, %swap3A_15], %mul3A_14 {strides = array<i32>} : memref<1000x128xf32, #tpu.memory_space<vmem>>, vector<1000x64xf32>,
    %broadcast_in_dim3A_17 = arith.constant 0.000000e+00 : f32
    %broadcast_in_dim3A_18 = vector.broadcast %broadcast_in_dim3A_17 : f32 to vector<1000x64xf32>
    %swap3A_19 = arith.constant 0 : index
    %swap3A_20 = arith.constant 64 : index
    %swap3A_21 = vector.load %arg4[%swap3A_19, %swap3A_20] : memref<1000x128xf32, #tpu.memory_space<vmem>>, vector<1000x64xf32>
    tpu.vector_store %arg4[%swap3A_19, %swap3A_20], %broadcast_in_dim3A_18 {strides = array<i32>} : memref<1000x128xf32, #tpu.memory_space<vmem>>, vector<1000x64xf32>,
    return
  }
  func.func @transform_0(%arg0: i32) -> (i32, i32) {
    %c0_i32 = arith.constant 0 : i32
    %c0_i32_0 = arith.constant 0 : i32
    return %arg0, %c0_i32 : i32, i32
  }
  func.func @transform_1(%arg0: i32) -> (i32, i32) {
    %c0_i32 = arith.constant 0 : i32
    %c0_i32_0 = arith.constant 0 : i32
    %c0_i32_1 = arith.constant 0 : i32
    return %c0_i32, %c0_i32_0 : i32, i32
  }
  func.func @transform_2(%arg0: i32) -> (i32, i32) {
    %c0_i32 = arith.constant 0 : i32
    %c0_i32_0 = arith.constant 0 : i32
    return %arg0, %c0_i32 : i32, i32
  }
  func.func @transform_3(%arg0: i32) -> (i32, i32) {
    %c0_i32 = arith.constant 0 : i32
    %c0_i32_0 = arith.constant 0 : i32
    return %arg0, %c0_i32 : i32, i32
  }
}

module attributes {stable_mosaic.version = 14 : i64} {
  func.func @_mm3_body(%arg0: i32, %arg1: memref<2x1000x128xf32, #tpu.memory_space<vmem>>, %arg2: memref<1000x128xf32, #tpu.memory_space<vmem>>, %arg3: memref<1000x2xf32, #tpu.memory_space<vmem>>, %arg4: memref<32x1xf32, #tpu.memory_space<vmem>>, %arg5: memref<1x32xf32, #tpu.memory_space<vmem>>, %arg6: memref<1x1xf32, #tpu.memory_space<vmem>>, %arg7: memref<1000x1xf32, #tpu.memory_space<vmem>>) attributes {dimension_semantics = [#tpu.dimension_semantics<arbitrary>], iteration_bounds = array<i64: 10>, scalar_prefetch = 0 : i64, scratch_operands = 0 : i64, tpu.core_type = #tpu.core_type<tc>, window_params = [{transform_indices = @transform_0, window_bounds = array<i64: 2, 1000, 128>}, {transform_indices = @transform_1, window_bounds = array<i64: 1000, 128>}, {transform_indices = @transform_2, window_bounds = array<i64: 1000, 2>}, {pipeline_mode = #tpu.pipeline_mode<synchronous>, transform_indices = @transform_3, window_bounds = array<i64: 32, 1>}, {pipeline_mode = #tpu.pipeline_mode<synchronous>, transform_indices = @transform_4, window_bounds = array<i64: 1, 32>}, {pipeline_mode = #tpu.pipeline_mode<synchronous>, transform_indices = @transform_5, window_bounds = array<i64: 1, 1>}, {transform_indices = @transform_6, window_bounds = array<i64: 1000, 1>}]} {
    %get3A = arith.constant 0 : index
    %get3A_0 = arith.constant 0 : index
    %get3A_1 = vector.load %arg3[%get3A, %get3A_0] : memref<1000x2xf32, #tpu.memory_space<vmem>>, vector<1000x2xf32>
    %slice3A = vector.extract_strided_slice %get3A_1 {offsets = [0, 0], sizes = [1000, 1], strides = [1, 1]} : vector<1000x2xf32> to vector<1000x1xf32>
    %squeeze3A = vector.shape_cast %slice3A : vector<1000x1xf32> to vector<1000xf32>
    %slice3A_2 = vector.extract_strided_slice %get3A_1 {offsets = [0, 1], sizes = [1000, 1], strides = [1, 1]} : vector<1000x2xf32> to vector<1000x1xf32>
    %squeeze3A_3 = vector.shape_cast %slice3A_2 : vector<1000x1xf32> to vector<1000xf32>
    %add3A = arith.addf %squeeze3A, %squeeze3A_3 : vector<1000xf32>
    %add3A_4 = arith.constant 1.000000e+00 : f32
    %add3A_5 = vector.broadcast %add3A_4 : f32 to vector<1000xf32>
    %add3A_6 = arith.addf %add3A, %add3A_5 : vector<1000xf32>
    %rsqrt3A = math.rsqrt %add3A_6 : vector<1000xf32>
    %get3A_7 = arith.constant 0 : index
    %get3A_8 = arith.constant 0 : index
    %get3A_9 = arith.constant 0 : index
    %get3A_10 = vector.load %arg1[%get3A_7, %get3A_8, %get3A_9] : memref<2x1000x128xf32, #tpu.memory_space<vmem>>, vector<1x1000x32xf32>
    %get3A_11 = vector.shape_cast %get3A_10 : vector<1x1000x32xf32> to vector<1000x32xf32>
    %get3A_12 = arith.constant 1 : index
    %get3A_13 = arith.constant 0 : index
    %get3A_14 = arith.constant 0 : index
    %get3A_15 = vector.load %arg1[%get3A_12, %get3A_13, %get3A_14] : memref<2x1000x128xf32, #tpu.memory_space<vmem>>, vector<1x1000x32xf32>
    %get3A_16 = vector.shape_cast %get3A_15 : vector<1x1000x32xf32> to vector<1000x32xf32>
    %add3A_17 = arith.addf %get3A_11, %get3A_16 : vector<1000x32xf32>
    %get3A_18 = arith.constant 0 : index
    %get3A_19 = arith.constant 0 : index
    %get3A_20 = vector.load %arg2[%get3A_18, %get3A_19] : memref<1000x128xf32, #tpu.memory_space<vmem>>, vector<1000x32xf32>
    %add3A_21 = arith.addf %add3A_17, %get3A_20 : vector<1000x32xf32>
    %broadcast_in_dim3A = vector.shape_cast %rsqrt3A : vector<1000xf32> to vector<1000x1xf32>
    %mul3A = vector.broadcast %broadcast_in_dim3A : vector<1000x1xf32> to vector<1000x32xf32>
    %mul3A_22 = arith.mulf %add3A_21, %mul3A : vector<1000x32xf32>
    %get3A_23 = arith.constant 0 : index
    %get3A_24 = arith.constant 0 : index
    %get3A_25 = vector.load %arg5[%get3A_23, %get3A_24] : memref<1x32xf32, #tpu.memory_space<vmem>>, vector<1x32xf32>
    %add3A_26 = vector.broadcast %get3A_25 : vector<1x32xf32> to vector<1000x32xf32>
    %add3A_27 = arith.addf %mul3A_22, %add3A_26 : vector<1000x32xf32>
    %max3A = arith.constant 0.000000e+00 : f32
    %max3A_28 = vector.broadcast %max3A : f32 to vector<1000x32xf32>
    %max3A_29 = arith.maximumf %add3A_27, %max3A_28 : vector<1000x32xf32>
    %get3A_30 = arith.constant 0 : index
    %get3A_31 = arith.constant 0 : index
    %get3A_32 = vector.load %arg4[%get3A_30, %get3A_31] : memref<32x1xf32, #tpu.memory_space<vmem>>, vector<32x1xf32>
    %dot_general3A = arith.constant dense<0.000000e+00> : vector<1000x1xf32>
    %dot_general3A_33 = tpu.matmul %max3A_29, %get3A_32, %dot_general3A {dimension_numbers = #tpu.dot_dimension_numbers<[1], [0], [0], [1], [0, 0, 1, 1], [], []>, transpose_lhs_hint = false} : vector<1000x32xf32>, vector<32x1xf32>, vector<1000x1xf32> -> vector<1000x1xf32>
    %get3A_34 = arith.constant 0 : index
    %get3A_35 = arith.constant 0 : index
    %get3A_36 = vector.load %arg6[%get3A_34, %get3A_35] : memref<1x1xf32, #tpu.memory_space<vmem>>, vector<1x1xf32>
    %add3A_37 = vector.broadcast %get3A_36 : vector<1x1xf32> to vector<1000x1xf32>
    %add3A_38 = arith.addf %dot_general3A_33, %add3A_37 : vector<1000x1xf32>
    %swap3A = arith.constant 0 : index
    %swap3A_39 = arith.constant 0 : index
    %swap3A_40 = vector.load %arg7[%swap3A, %swap3A_39] : memref<1000x1xf32, #tpu.memory_space<vmem>>, vector<1000x1xf32>
    tpu.vector_store %arg7[%swap3A, %swap3A_39], %add3A_38 {strides = array<i32>} : memref<1000x1xf32, #tpu.memory_space<vmem>>, vector<1000x1xf32>,
    return
  }
  func.func @transform_0(%arg0: i32) -> (i32, i32, i32) {
    %c0_i32 = arith.constant 0 : i32
    %c0_i32_0 = arith.constant 0 : i32
    %c0_i32_1 = arith.constant 0 : i32
    return %c0_i32, %arg0, %c0_i32_0 : i32, i32, i32
  }
  func.func @transform_1(%arg0: i32) -> (i32, i32) {
    %c0_i32 = arith.constant 0 : i32
    %c0_i32_0 = arith.constant 0 : i32
    return %arg0, %c0_i32 : i32, i32
  }
  func.func @transform_2(%arg0: i32) -> (i32, i32) {
    %c0_i32 = arith.constant 0 : i32
    %c0_i32_0 = arith.constant 0 : i32
    return %arg0, %c0_i32 : i32, i32
  }
  func.func @transform_3(%arg0: i32) -> (i32, i32) {
    %c0_i32 = arith.constant 0 : i32
    %c0_i32_0 = arith.constant 0 : i32
    %c0_i32_1 = arith.constant 0 : i32
    return %c0_i32, %c0_i32_0 : i32, i32
  }
  func.func @transform_4(%arg0: i32) -> (i32, i32) {
    %c0_i32 = arith.constant 0 : i32
    %c0_i32_0 = arith.constant 0 : i32
    %c0_i32_1 = arith.constant 0 : i32
    return %c0_i32, %c0_i32_0 : i32, i32
  }
  func.func @transform_5(%arg0: i32) -> (i32, i32) {
    %c0_i32 = arith.constant 0 : i32
    %c0_i32_0 = arith.constant 0 : i32
    %c0_i32_1 = arith.constant 0 : i32
    return %c0_i32, %c0_i32_0 : i32, i32
  }
  func.func @transform_6(%arg0: i32) -> (i32, i32) {
    %c0_i32 = arith.constant 0 : i32
    %c0_i32_0 = arith.constant 0 : i32
    return %arg0, %c0_i32 : i32, i32
  }
}

module attributes {stable_mosaic.version = 14 : i64} {
  func.func @_mm2_body(%arg0: i32, %arg1: memref<2x1000x128xf32, #tpu.memory_space<vmem>>, %arg2: memref<1000x128xf32, #tpu.memory_space<vmem>>, %arg3: memref<1000x2xf32, #tpu.memory_space<vmem>>, %arg4: memref<64x32xf32, #tpu.memory_space<vmem>>, %arg5: memref<1x64xf32, #tpu.memory_space<vmem>>, %arg6: memref<1000x128xf32, #tpu.memory_space<vmem>>) attributes {dimension_semantics = [#tpu.dimension_semantics<arbitrary>], iteration_bounds = array<i64: 10>, scalar_prefetch = 0 : i64, scratch_operands = 0 : i64, tpu.core_type = #tpu.core_type<tc>, window_params = [{transform_indices = @transform_0, window_bounds = array<i64: 2, 1000, 128>}, {transform_indices = @transform_1, window_bounds = array<i64: 1000, 128>}, {transform_indices = @transform_2, window_bounds = array<i64: 1000, 2>}, {pipeline_mode = #tpu.pipeline_mode<synchronous>, transform_indices = @transform_3, window_bounds = array<i64: 64, 32>}, {pipeline_mode = #tpu.pipeline_mode<synchronous>, transform_indices = @transform_4, window_bounds = array<i64: 1, 64>}, {transform_indices = @transform_5, window_bounds = array<i64: 1000, 128>}]} {
    %get3A = arith.constant 0 : index
    %get3A_0 = arith.constant 0 : index
    %get3A_1 = vector.load %arg3[%get3A, %get3A_0] : memref<1000x2xf32, #tpu.memory_space<vmem>>, vector<1000x2xf32>
    %slice3A = vector.extract_strided_slice %get3A_1 {offsets = [0, 0], sizes = [1000, 1], strides = [1, 1]} : vector<1000x2xf32> to vector<1000x1xf32>
    %squeeze3A = vector.shape_cast %slice3A : vector<1000x1xf32> to vector<1000xf32>
    %slice3A_2 = vector.extract_strided_slice %get3A_1 {offsets = [0, 1], sizes = [1000, 1], strides = [1, 1]} : vector<1000x2xf32> to vector<1000x1xf32>
    %squeeze3A_3 = vector.shape_cast %slice3A_2 : vector<1000x1xf32> to vector<1000xf32>
    %add3A = arith.addf %squeeze3A, %squeeze3A_3 : vector<1000xf32>
    %add3A_4 = arith.constant 1.000000e+00 : f32
    %add3A_5 = vector.broadcast %add3A_4 : f32 to vector<1000xf32>
    %add3A_6 = arith.addf %add3A, %add3A_5 : vector<1000xf32>
    %rsqrt3A = math.rsqrt %add3A_6 : vector<1000xf32>
    %get3A_7 = arith.constant 0 : index
    %get3A_8 = arith.constant 0 : index
    %get3A_9 = arith.constant 0 : index
    %get3A_10 = vector.load %arg1[%get3A_7, %get3A_8, %get3A_9] : memref<2x1000x128xf32, #tpu.memory_space<vmem>>, vector<1x1000x64xf32>
    %get3A_11 = vector.shape_cast %get3A_10 : vector<1x1000x64xf32> to vector<1000x64xf32>
    %get3A_12 = arith.constant 1 : index
    %get3A_13 = arith.constant 0 : index
    %get3A_14 = arith.constant 0 : index
    %get3A_15 = vector.load %arg1[%get3A_12, %get3A_13, %get3A_14] : memref<2x1000x128xf32, #tpu.memory_space<vmem>>, vector<1x1000x64xf32>
    %get3A_16 = vector.shape_cast %get3A_15 : vector<1x1000x64xf32> to vector<1000x64xf32>
    %add3A_17 = arith.addf %get3A_11, %get3A_16 : vector<1000x64xf32>
    %get3A_18 = arith.constant 0 : index
    %get3A_19 = arith.constant 0 : index
    %get3A_20 = vector.load %arg2[%get3A_18, %get3A_19] : memref<1000x128xf32, #tpu.memory_space<vmem>>, vector<1000x64xf32>
    %add3A_21 = arith.addf %add3A_17, %get3A_20 : vector<1000x64xf32>
    %broadcast_in_dim3A = vector.shape_cast %rsqrt3A : vector<1000xf32> to vector<1000x1xf32>
    %mul3A = vector.broadcast %broadcast_in_dim3A : vector<1000x1xf32> to vector<1000x64xf32>
    %mul3A_22 = arith.mulf %add3A_21, %mul3A : vector<1000x64xf32>
    %get3A_23 = arith.constant 0 : index
    %get3A_24 = arith.constant 0 : index
    %get3A_25 = vector.load %arg5[%get3A_23, %get3A_24] : memref<1x64xf32, #tpu.memory_space<vmem>>, vector<1x64xf32>
    %add3A_26 = vector.broadcast %get3A_25 : vector<1x64xf32> to vector<1000x64xf32>
    %add3A_27 = arith.addf %mul3A_22, %add3A_26 : vector<1000x64xf32>
    %max3A = arith.constant 0.000000e+00 : f32
    %max3A_28 = vector.broadcast %max3A : f32 to vector<1000x64xf32>
    %max3A_29 = arith.maximumf %add3A_27, %max3A_28 : vector<1000x64xf32>
    %get3A_30 = arith.constant 0 : index
    %get3A_31 = arith.constant 0 : index
    %get3A_32 = vector.load %arg4[%get3A_30, %get3A_31] : memref<64x32xf32, #tpu.memory_space<vmem>>, vector<64x32xf32>
    %dot_general3A = arith.constant dense<0.000000e+00> : vector<1000x32xf32>
    %dot_general3A_33 = tpu.matmul %max3A_29, %get3A_32, %dot_general3A {dimension_numbers = #tpu.dot_dimension_numbers<[1], [0], [0], [1], [0, 0, 1, 1], [], []>, transpose_lhs_hint = false} : vector<1000x64xf32>, vector<64x32xf32>, vector<1000x32xf32> -> vector<1000x32xf32>
    %broadcast_in_dim3A_34 = vector.shape_cast %rsqrt3A : vector<1000xf32> to vector<1000x1xf32>
    %mul3A_35 = vector.broadcast %broadcast_in_dim3A_34 : vector<1000x1xf32> to vector<1000x32xf32>
    %mul3A_36 = arith.mulf %dot_general3A_33, %mul3A_35 : vector<1000x32xf32>
    %swap3A = arith.constant 0 : index
    %swap3A_37 = arith.constant 0 : index
    %swap3A_38 = vector.load %arg6[%swap3A, %swap3A_37] : memref<1000x128xf32, #tpu.memory_space<vmem>>, vector<1000x32xf32>
    tpu.vector_store %arg6[%swap3A, %swap3A_37], %mul3A_36 {strides = array<i32>} : memref<1000x128xf32, #tpu.memory_space<vmem>>, vector<1000x32xf32>,
    %broadcast_in_dim3A_39 = arith.constant 0.000000e+00 : f32
    %broadcast_in_dim3A_40 = vector.broadcast %broadcast_in_dim3A_39 : f32 to vector<1000x96xf32>
    %swap3A_41 = arith.constant 0 : index
    %swap3A_42 = arith.constant 32 : index
    %swap3A_43 = vector.load %arg6[%swap3A_41, %swap3A_42] : memref<1000x128xf32, #tpu.memory_space<vmem>>, vector<1000x96xf32>
    tpu.vector_store %arg6[%swap3A_41, %swap3A_42], %broadcast_in_dim3A_40 {strides = array<i32>} : memref<1000x128xf32, #tpu.memory_space<vmem>>, vector<1000x96xf32>,
    return
  }
  func.func @transform_0(%arg0: i32) -> (i32, i32, i32) {
    %c0_i32 = arith.constant 0 : i32
    %c0_i32_0 = arith.constant 0 : i32
    %c0_i32_1 = arith.constant 0 : i32
    return %c0_i32, %arg0, %c0_i32_0 : i32, i32, i32
  }
  func.func @transform_1(%arg0: i32) -> (i32, i32) {
    %c0_i32 = arith.constant 0 : i32
    %c0_i32_0 = arith.constant 0 : i32
    return %arg0, %c0_i32 : i32, i32
  }
  func.func @transform_2(%arg0: i32) -> (i32, i32) {
    %c0_i32 = arith.constant 0 : i32
    %c0_i32_0 = arith.constant 0 : i32
    return %arg0, %c0_i32 : i32, i32
  }
  func.func @transform_3(%arg0: i32) -> (i32, i32) {
    %c0_i32 = arith.constant 0 : i32
    %c0_i32_0 = arith.constant 0 : i32
    %c0_i32_1 = arith.constant 0 : i32
    return %c0_i32, %c0_i32_0 : i32, i32
  }
  func.func @transform_4(%arg0: i32) -> (i32, i32) {
    %c0_i32 = arith.constant 0 : i32
    %c0_i32_0 = arith.constant 0 : i32
    %c0_i32_1 = arith.constant 0 : i32
    return %c0_i32, %c0_i32_0 : i32, i32
  }
  func.func @transform_5(%arg0: i32) -> (i32, i32) {
    %c0_i32 = arith.constant 0 : i32
    %c0_i32_0 = arith.constant 0 : i32
    return %arg0, %c0_i32 : i32, i32
  }
}

</mosaic_0001>

<sc_bundles>
// kernel: kernel.11.cloned.1.call-start
scs
__scs_entry_jumppad:
0x0: {  	(pc) =	sbr.rel $0x88, $3  }
0x1: {  	(tag) =	ssettag $0x0;
	lr =	simm.s32 $0x1  }
0x2: {  	[smem:$0x3F99] =	sst lr;
	_ =	strace $0xD0000000  }
0x3: {  	_ = 	snop  }
0x4: {  	_ = 	snop  }
0x5: {  	_ = 	snop  }
0x6: {  	_ = 	snop  }
0x7: {  	_ = 	snop  }
__scs_overlays_trampoline_lowered:
0x8: {  	[smem:$0x3FA8] =	sst s0  }
0x9: {  	[smem:$0x3FA9] =	sst s1  }
0xa: {  	[smem:$0x3FAA] =	sst s2  }
0xb: {  	[smem:$0x3FAB] =	sst s3  }
0xc: {  	[smem:$0x3FAC] =	sst s4  }
0xd: {  	[smem:$0x3FAD] =	sst s5  }
0xe: {  	[smem:$0x3FAE] =	sst s6  }
0xf: {  	[smem:$0x3FAF] =	sst s7  }
0x10: {  	[smem:$0x3FB0] =	sst s8  }
0x11: {  	[smem:$0x3FB1] =	sst s9;
	s0 =	simm.s32 @!p0 $0x0  }
0x12: {  	s1 =	sld [smem:$0x3F97];
	s0 =	simm.s32 @p0 $0x1  }
0x13: {  	[smem:$0x3FB2] =	sst s0;
	s0 =	simm.s32 @!p1 $0x0  }
0x14: {  	s2 =	sld [smem:$0x3F96];
	s0 =	simm.s32 @p1 $0x1  }
0x15: {  	[smem:$0x3FB3] =	sst s0;
	s0 =	simm.s32 @!p2 $0x0  }
0x16: {  	s3 =	sld [smem:$0x3FDB];
	s0 =	simm.s32 @p2 $0x1  }
0x17: {  	s4 =	simm.s32 $0x1BF5;
	[smem:$0x3FB5] =	sst s0  }
0x18: {  	s0 =	sld [smem:$0x3F98];
	_ =	swait.ge [sflag:s4], $0x0  }
0x19: {  	s7 =	sld [smem:$0x3F99]  }
0x1a: {  	s8 =	sadd.s32 $0xFFFFE003, lr  }
0x1b: {  	s9 =	sadd.s32 $0xFFFFFEF7, lr;
	s5 =	simm.s32 $0xFFFFFFFF;
	p2 =	slt.u32 s8, $0xFFFFF086  }
0x1c: {  	p1 =	slt.u32 s9, $0xF7A;
	s5 =	simm.s32 @!p2 $0x0  }
0x1d: {  	s5 =	simm.s32 @p1 $0x1;
	p0 =	seq.s32 s7, s2  }
0x1e: {  	s7 =	smul.u32 @!p0 $0xF7A, s2;
	p2 =	seq.s32 @!p0 s5, $0x0  }
0x1f: {  	s9 =	smul.u32 $0xF7A, s1;
	s8 =	simm.s32 @!p0 $0x1BF5;
	p2 =	por !p2, p0  }
0x20: {  	[sflag:s8] =	ssyncset.s32 @!p0 $0xFFFFF086;
	s6 =	sadd.s32 @!p0 s3, s7;
	s7 =	simm.s32 @!p0 $0x108  }
0x21: {  	s3 =	sadd.s32 s3, s9;
	s6 =	sadd.s32 @!p0 $0x88, s6;
	s7 =	simm.s32 @p2 $0x1082  }
0x22: {  	[simem:s7], [sflag:s8] =	dma.local @!p0 [hbm:s6], $0xF7A  }
0x23: {  	s9 =	sor.u32 $0xD0000000, s2;
	s6 =	simm.s32 $0x108;
	_ =	swait.ge @!p0 [sflag:s8], $0x0  }
0x24: {  	s3 =	sadd.s32 $0x88, s3;
	s6 =	simm.s32 @!p1 $0x1082;
	[sflag:s4] =	ssyncset.s32 $0xFFFFF086  }
0x25: {  	[simem:s6], [sflag:s4] =	dma.local [hbm:s3], $0xF7A  }
0x26: {  	[smem:$0x3F99] =	sst s1;
	(tag) =	ssettag s2;
	_ =	strace s9  }
0x27: {  	s1 =	sld [smem:$0x3FA9]  }
0x28: {  	s2 =	sld [smem:$0x3FAA]  }
0x29: {  	s4 =	sld [smem:$0x3FAC]  }
0x2a: {  	p0 =	seq.s32 s5, $0x0;
	s5 =	sld [smem:$0x3FAD]  }
0x2b: {  	s6 =	sld [smem:$0x3FAE]  }
0x2c: {  	s7 =	sld [smem:$0x3FAF]  }
0x2d: {  	s3 =	simm.s32 $0x108;
	s8 =	sld [smem:$0x3FB0]  }
0x2e: {  	s3 =	simm.s32 @!p0 $0x1082;
	s9 =	sld [smem:$0x3FB1]  }
0x2f: {  	lr =	sadd.s32 s0, s3;
	s0 =	sld [smem:$0x3FA8]  }
0x30: {  	s3 =	sld [smem:$0x3FAB]  }
0x31: {  	[smem:$0x3FB4] =	sst s10  }
0x32: {  	s10 =	sld [smem:$0x3FB2];
	_ =	sdelay $0x3  }
0x33: {  	p0 =	seq.s32 s10, $0x1;
	s10 =	sld [smem:$0x3FB4];
	_ =	sdelay $0x3  }
0x34: {  	[smem:$0x3FB4] =	sst s10  }
0x35: {  	s10 =	sld [smem:$0x3FB3];
	_ =	sdelay $0x3  }
0x36: {  	p1 =	seq.s32 s10, $0x1;
	s10 =	sld [smem:$0x3FB4];
	_ =	sdelay $0x3  }
0x37: {  	[smem:$0x3FB4] =	sst s10  }
0x38: {  	s10 =	sld [smem:$0x3FB5]  }
0x39: {  	_ = 	snop;
	(pc) =	sbr.ind lr, $3  }
0x3a: {  	_ = 	snop  }
0x3b: {  	_ = 	snop  }
0x3c: {  	p2 =	seq.s32 s10, $0x1;
	s10 =	sld [smem:$0x3FB4]  }
0x3d: {  	_ =	shalt  }
0x3e: {  	_ =	shalt  }
0x3f: {  	_ =	shalt  }
0x40: {  	_ =	shalt  }
0x41: {  	_ =	shalt  }
0x42: {  	_ =	shalt  }
0x43: {  	_ =	shalt  }
0x44: {  	_ =	shalt  }
0x45: {  	_ =	shalt  }
0x46: {  	_ =	shalt  }
0x47: {  	_ =	shalt  }
0x48: {  	_ =	shalt  }
0x49: {  	_ =	shalt  }
0x4a: {  	_ =	shalt  }
0x4b: {  	_ =	shalt  }
0x4c: {  	_ =	shalt  }
0x4d: {  	_ =	shalt  }
0x4e: {  	_ =	shalt  }
0x4f: {  	_ =	shalt  }
0x50: {  	_ =	shalt  }
0x51: {  	_ =	shalt  }
0x52: {  	_ =	shalt  }
0x53: {  	_ =	shalt  }
0x54: {  	_ =	shalt  }
0x55: {  	_ =	shalt  }
0x56: {  	_ =	shalt  }
0x57: {  	_ =	shalt  }
0x58: {  	_ =	shalt  }
0x59: {  	_ =	shalt  }
0x5a: {  	_ =	shalt  }
0x5b: {  	_ =	shalt  }
0x5c: {  	_ =	shalt  }
0x5d: {  	_ =	shalt  }
0x5e: {  	_ =	shalt  }
0x5f: {  	_ =	shalt  }
0x60: {  	_ =	shalt  }
0x61: {  	_ =	shalt  }
0x62: {  	_ =	shalt  }
0x63: {  	_ =	shalt  }
0x64: {  	_ =	shalt  }
0x65: {  	_ =	shalt  }
0x66: {  	_ =	shalt  }
0x67: {  	_ =	shalt  }
0x68: {  	_ =	shalt  }
0x69: {  	_ =	shalt  }
0x6a: {  	_ =	shalt  }
0x6b: {  	_ =	shalt  }
0x6c: {  	_ =	shalt  }
0x6d: {  	_ =	shalt  }
0x6e: {  	_ =	shalt  }
0x6f: {  	_ =	shalt  }
0x70: {  	_ =	shalt  }
0x71: {  	_ =	shalt  }
0x72: {  	_ =	shalt  }
0x73: {  	_ =	shalt  }
0x74: {  	_ =	shalt  }
0x75: {  	_ =	shalt  }
0x76: {  	_ =	shalt  }
0x77: {  	_ =	shalt  }
0x78: {  	_ =	shalt  }
0x79: {  	_ =	shalt  }
0x7a: {  	_ =	shalt  }
0x7b: {  	_ =	shalt  }
0x7c: {  	_ =	shalt  }
0x7d: {  	_ =	shalt  }
0x7e: {  	_ =	shalt  }
0x7f: {  	_ =	shalt  }
0x80: {  	_ =	shalt  }
0x81: {  	_ =	shalt  }
0x82: {  	_ =	shalt  }
0x83: {  	_ =	shalt  }
0x84: {  	_ =	shalt  }
0x85: {  	_ =	shalt  }
0x86: {  	_ =	shalt  }
0x87: {  	_ =	shalt  }
.Lfunc_end0:
.L_simem_size_0:
called_computation.1_lowered:
.L_overlay_start_0:
0x88: {  	s2 =	sld [smem:$0x3FD9]  }
0x89: {  	s3 =	sld [smem:$0x3FFE];
	_ =	sdelay $0x1  }
0x8a: {  	s1 =	srdreg.scid  }
0x8b: {  	s0 =	sand.u32 $0x1, s1  }
0x8c: {  	s16 =	sshll.u32 s0, $0xA;
	s2 =	sadd.s32 s3, s2  }
0x8d: {  	s2 =	sadd.s32 s2, s16  }
0x8e: {  	[smem:$0x3FC0] =	sst s2  }
0x8f: {  	_ = 	snop  }
0x90: {  	(tm) =	ssettm $0x1  }
0x91: {  	s17 =	sld [smem:$0x3FFB];
	_ =	sdelay $0x3  }
0x92: {  	_ =	strace s17  }
0x93: {  	s2 =	sld [smem:$0x3FFC];
	_ =	sdelay $0x3  }
0x94: {  	_ =	strace s2  }
0x95: {  	s2 =	sld [smem:$0x3FFD];
	_ =	sdelay $0x3  }
0x96: {  	_ =	strace s2  }
0x97: {  	_ =	strace $0x8FFFFFFF  }
0x98: {  	s18 =	sld [smem:$0x3FDB];
	_ =	sdelay $0x1  }
0x99: {  	s19 =	simm.s32 $_scs_section_size  }
0x9a: {  	s4 =	simm.s32 $_size__tile_overlayer_lowered;
	s5 =	simm.s32 $_tile_overlayer_lowered  }
0x9b: {  	s22 =	simm.s32 $0x1BFF;
	s21 =	sshll.u32 s5, $0x1;
	s2 =	sadd.s32 s19, s18  }
0x9c: {  	s6 =	simm.s32 $0x0;
	s20 =	sshll.u32 s4, $0x1;
	s4 =	sadd.s32 s21, s2  }
0x9d: {  	[timem:s6], [sflag:s22] =	dma.local [hbm:s4], s20  }
0x9e: {  	_ =	swait.ge [sflag:s22], s20  }
0x9f: {  	s3 =	ssub.s32 $0x0, s20;
	[sflag:s22] =	ssyncset.done $0x0  }
0xa0: {  	[sflag:s22] =	ssyncadd.s32 s3;
	_ =	sdelay $0x1  }
0xa1: {  	s23 =	simm.s32 $0x1B8B  }
0xa2: {  	_ =	swait.ge [sflag:s23], $0x1  }
0xa3: {  	[sflag:s23] =	ssyncset.done $0x0  }
0xa4: {  	s25 =	simm.s32 $0x1B8E;
	s24 =	sld [smem:$0x3FFE];
	[sflag:s23] =	ssyncadd.s32 $0xFFFFFFFF  }
0xa5: {  	s26 =	simm.s32 $execute0_lowered;
	[smem:$0x3FD2] =	sst s25  }
0xa6: {  	s4 =	sshll.u32 s26, $0x1;
	_ =	strace $0x80000049;
	[dreg:$0x1] =	wrdreg $0xFFFFFFFF  }
0xa7: {  	s28 =	simm.s32 $_size_execute0_lowered;
	s2 =	sadd.s32 s2, s4;
	[dreg:$0x0] =	wrdreg $0x0  }
0xa8: {  	s4 =	sshll.u32 s28, $0x1;
	[dreg:$0x2] =	wrdreg s2  }
0xa9: {  	[dreg:$0x3] =	wrdreg s4  }
0xaa: {  	[dreg:$0x4] =	wrdreg $0xC0  }
0xab: {  	_ =	task [dreg:s6], $0x5FFFF  }
0xac: {  	[dreg:$0x1] =	wrdreg $0xFFFFFFFF  }
0xad: {  	[dreg:$0x0] =	wrdreg $0x60  }
0xae: {  	[dreg:$0x2] =	wrdreg s24  }
0xaf: {  	[dreg:$0x3] =	wrdreg $0xB8000  }
0xb0: {  	[dreg:$0x4] =	wrdreg $0x9  }
0xb1: {  	_ =	task.clear_ibuf [dreg:s6], $0x5FFFF;
	_ =	strace $0x90000049  }
0xb2: {  	s29 =	simm.s32 $0x9;
	_ =	strace $0x8000004B  }
0xb3: {  	_ =	swait.ge [sflag:s29], $0x1  }
0xb4: {  	[sflag:s29] =	ssyncadd.s32 $0xFFFFFFFF  }
0xb5: {  	_ =	strace $0x9000004B  }
0xb6: {  	_ =	sfence  }
0xb7: {  	s30 =	sld [smem:$0x0];
	_ =	sdelay $0x2  }
0xb8: {  	s31 =	sshll.u32 s1, $0xD;
	s1 =	sshrl.u32 s1, $0x2  }
0xb9: {  	s3 =	sand.u32 $0x4000, s31;
	s1 =	sadd.s32 s1, s30  }
0xba: {  	s0 =	sor.u32 s3, s0;
	s1 =	sshll.u32 s1, $0x11  }
0xbb: {  	s0 =	sor.u32 s1, s0  }
0xbc: {  	s0 =	sadd.s32 $0x8F2B, s0  }
0xbd: {  	[sflag:s0] =	ssyncadd.remote.s32 $0x1  }
0xbe: {  	_ =	sfence.sel $0xFFFF  }
0xbf: {  	[dreg:$0x0] =	wrdreg $0xFFFFFFFF;
	(pc) =	sbr.abs _section_cstart, $3  }
0xc0: {  	[dreg:$0x1] =	wrdreg $0xFFFFFFFF  }
0xc1: {  	_ =	task.clear_ibuf [dreg:s6], $0x2FFFF;
	_ =	strace $0x9FFFFFFF  }
0xc2: {  	(tm) =	ssettm $0x7FFFFFFF  }
0xc3: {  	_ =	shalt  }
tec
execute0_lowered:
.L_overlay_start_1:
0x0: {  	(tag) =	ssettag $0x1  }
0x1: {  	s0 =	rddreg [dreg:$0x0]  }
0x2: {  	s2 =	rddreg [dreg:$0x1];
	s3 =	simm.s32 $0x0  }
0x3: {  	s19 =	stileid.u32;
	s5 =	srdreg.scid;
	s28 =	simm.s32 $0x2  }
0x4: {  	s29 =	simm.s32 $0x1C80;
	s30 =	simm.s32 $0x3;
	s1 =	smul.u32 $0x5000, s19  }
0x5: {  	s31 =	simm.s32 $0x100;
	[smem:$0x7FF] =	sst s3;
	s6 =	smul.u32 $0x2780, s19  }
0x6: {  	s4 =	sadd.s32 $0x16600, s0;
	s7 =	sand.u32 $0x1, s5;
	s8 =	smul.u32 $0x4F000, s19  }
0x7: {  	s16 =	sadd.s32 $0x64A00, s0;
	s18 =	sadd.s32 $0x128400, s2;
	s24 =	smul.u32 $0x13C00, s19  }
0x8: {  	p1 =	seq.s32 s19, $0xF;
	_ =	strace $0x8000004A;
	s5 =	ssub.s32 $0x2, s7  }
0x9: {  	p0 =	seq.s32 s7, $0x1;
	s21 =	smul.u32 $0x138800, s7;
	s18 =	sshrl.u32 @p1 s18, $0x3  }
0xa: {  	s1 =	sshrl.u32 s1, $0x3;
	s6 =	sadd.s32 s6, s0;
	s9 =	sshrl.u32 s5, $0x1  }
0xb: {  	s20 =	sshrl.u32 s8, $0x2;
	s1 =	sadd.s32 s1, s0;
	s17 =	ssub.s32 s5, s9  }
0xc: {  	s8 =	sadd.s32 s20, s2;
	s5 =	sadd.s32 $0x3D800, s6;
	s6 =	sadd.s32 $0x62880, s0  }
0xd: {  	s7 =	sadd.s32 s24, s21;
	s0 =	sshrl.u32 s21, $0x3;
	s21 =	simm.s32 $0x5  }
0xe: {  	s24 =	simm.s32 $0x3800;
	s22 =	sadd.s32 $0x2600, s1;
	s23 =	sadd.s32 $0xC600, s1  }
0xf: {  	s25 =	sadd.s32 $0x2980, s1;
	s10 =	sadd.s32 $0xC980, s1;
	s11 =	sadd.s32 $0x2D00, s1  }
0x10: {  	s12 =	sadd.s32 $0xCD00, s1;
	s13 =	sadd.s32 $0x2E80, s1;
	s14 =	sadd.s32 $0xCE80, s1  }
0x11: {  	s26 =	sshrl.u32 s7, $0x3;
	s0 =	sadd.s32 s16, s0;
	[dreg:$0x3] =	wrdreg s22  }
.Ltmp0:
0x12: {  	s17 =	smax.u32 s17, $0x1;
	[dreg:$0x4] =	wrdreg s23;
	(pc) =	sbr.rel .LBB2_1-.Ltmp0, $4  }
0x13: {  	s20 =	sshrl.u32 @!p1 s8, $0x3;
	s1 =	simm.s32 $0x0;
	[dreg:$0x5] =	wrdreg s25  }
0x14: {  	s15 =	sadd.s32 s16, s26;
	s16 =	sadd.s32 $0x25080, s0;
	s0 =	sshll.u32 @!p1 s19, $0x6  }
0x15: {  	s22 =	simm.s32 $0x1C00;
	s23 =	simm.s32 $0x80;
	s25 =	simm.s32 $0x7800  }
0x16: {  	s26 =	simm.s32 $0x1;
	s19 =	sor.u32 @!p1 $0x1C05, s0;
	s0 =	simm.s32 $0x4  }
.LBB2_14:
0x17: {  	_ =	swait.ge [sflag:s0], $0x4000  }
0x18: {  	[sflag:s0] =	ssyncset.done $0x0  }
0x19: {  	[sflag:s0] =	ssyncadd.s32 $0xFFFFC000  }
0x1a: {  	s7 =	simm.s32 @p1 $0x1FC5;
	[bflag:$0x0] =	sbarrier.arrive $0xFFFF  }
0x1b: {  	[hbm:s16], [sflag:s7] =	dma.local @p1 [spmem:s18], $0x2080  }
0x1c: {  	s7 =	simm.s32 @p1 $0x5  }
0x1d: {  	s1 =	sadd.s32 $0x1, s1;
	_ =	swait.ge @p1 [sflag:s7], $0x2080  }
0x1e: {  	p2 =	sne.s32 s1, s17;
	[sflag:s7] =	ssyncset.done @p1 $0x0  }
.Ltmp1:
0x1f: {  	[sflag:s7] =	ssyncadd.s32 @p1 $0xFFFFDF80;
	s7 =	simm.s32 @!p1 $0x5;
	(pc) =	sbr.rel @!p2 .LBB2_15-.Ltmp1, $4  }
0x20: {  	[hbm:s15], [sflag:s19] =	dma.local @!p1 [spmem:s20], $0x2780  }
0x21: {  	_ =	swait.ge @!p1 [sflag:s7], $0x2780  }
0x22: {  	[sflag:s7] =	ssyncset.done @!p1 $0x0  }
0x23: {  	[sflag:s7] =	ssyncadd.s32 @!p1 $0xFFFFD880  }
.LBB2_1:
0x24: {  	s7 =	simm.s32 @p1 $0x1FC5  }
0x25: {  	[spmem:s18], [sflag:s7] =	dma.local @p1 [hbm:s6], $0x2100  }
0x26: {  	s7 =	simm.s32 @p1 $0x5  }
0x27: {  	_ =	swait.ge @p1 [sflag:s7], $0x2100  }
0x28: {  	[sflag:s7] =	ssyncset.done @p1 $0x0  }
0x29: {  	[sflag:s7] =	ssyncadd.s32 @p1 $0xFFFFDF00;
	s7 =	simm.s32 @!p1 $0x5  }
0x2a: {  	[spmem:s20], [sflag:s19] =	dma.local @!p1 [hbm:s5], $0x2780  }
.Ltmp2:
0x2b: {  	_ =	swait.ge @!p1 [sflag:s7], $0x2780;
	(pc) =	sbr.rel @!p0 .LBB2_2-.Ltmp2, $3  }
0x2c: {  	[sflag:s7] =	ssyncset.done @!p1 $0x0  }
0x2d: {  	[sflag:s7] =	ssyncadd.s32 @!p1 $0xFFFFD880  }
0x2e: {  	[bflag:$0x0] =	sbarrier.arrive $0xFFFF;
	_ =	sdelay $0x1  }
0x2f: {  	[tilespmem:s3], [sflag:$0x5] =	stream.linear.gather [hbm4b:s11+s3], $0xC00, $0x38;
	[tilespmem:$0x1F0C0] =	vst v63  }
0x30: {  	_ =	swait.ge [sflag:s21], $0xC00  }
0x31: {  	[sflag:s21] =	ssyncset.done $0x0  }
0x32: {  	[sflag:s21] =	ssyncadd.s32 $0xFFFFF400  }
0x33: {  	[tilespmem:s22], [sflag:$0x5] =	stream.linear.gather [hbm4b:s12+s3], $0xC00, $0x38;
	[tilespmem:$0x1F0C0] =	vst v63  }
0x34: {  	_ =	swait.ge [sflag:s21], $0xC00  }
0x35: {  	[sflag:s21] =	ssyncset.done $0x0  }
0x36: {  	[sflag:s21] =	ssyncadd.s32 $0xFFFFF400  }
0x37: {  	[tilespmem:s24], [sflag:$0x1] =	stream.indirect.gather [hbm4b:s4+s23], $0x80, s3, s23, $0xb8;
	[tilespmem:$0x1F0C0] =	vst v63  }
0x38: {  	_ = 	snop  }
0x39: {  	[tilespmem:s25], [sflag:$0x2] =	stream.indirect.gather [hbm4b:s4+s23], $0x80, s23, s23, $0xb8;
	[tilespmem:$0x1F0C0] =	vst v63  }
0x3a: {  	_ =	swait.ge [sflag:s26], $0x4000  }
0x3b: {  	[sflag:s26] =	ssyncset.done $0x0  }
0x3c: {  	[sflag:s26] =	ssyncadd.s32 $0xFFFFC000  }
0x3d: {  	[spmem:s2] =	stream.indirect.scatter.add.f32 [tilespmem:s24], [sflag:$0x3], $0x80, s22, s23, $0xb8;
	[tilespmem:$0x1F0C0] =	vst v63  }
0x3e: {  	_ =	swait.ge [sflag:s28], $0x4000  }
0x3f: {  	[sflag:s28] =	ssyncset.done $0x0  }
0x40: {  	[sflag:s28] =	ssyncadd.s32 $0xFFFFC000  }
0x41: {  	[spmem:s2] =	stream.indirect.scatter.add.f32 [tilespmem:s25], [sflag:$0x4], $0x80, s29, s23, $0xb8;
	[tilespmem:$0x1F0C0] =	vst v63  }
0x42: {  	_ =	swait.ge [sflag:s30], $0x4000  }
0x43: {  	[sflag:s30] =	ssyncset.done $0x0  }
0x44: {  	s7 =	simm.s32 $0xFFFFD800;
	[sflag:s30] =	ssyncadd.s32 $0xFFFFC000  }
0x45: {  	[tilespmem:s24], [sflag:$0x1] =	stream.indirect.gather [hbm4b:s4+s23], $0x80, s31, s23, $0xb8;
	[tilespmem:$0x1F0C0] =	vst v63  }
.LBB2_9:
0x46: {  	_ =	swait.ge [sflag:s0], $0x4000  }
0x47: {  	s8 =	sshra.s32 s7, $0x2;
	[sflag:s0] =	ssyncset.done $0x0  }
0x48: {  	s9 =	sadd.s32 $0xB80, s8;
	[sflag:s0] =	ssyncadd.s32 $0xFFFFC000  }
0x49: {  	[tilespmem:s25], [sflag:$0x2] =	stream.indirect.gather [hbm4b:s4+s23], $0x80, s9, s23, $0xb8;
	[tilespmem:$0x1F0C0] =	vst v63  }
0x4a: {  	_ =	swait.ge [sflag:s26], $0x4000  }
0x4b: {  	[sflag:s26] =	ssyncset.done $0x0  }
0x4c: {  	s9 =	sadd.s32 $0x2700, s8;
	[sflag:s26] =	ssyncadd.s32 $0xFFFFC000  }
0x4d: {  	[spmem:s2] =	stream.indirect.scatter.add.f32 [tilespmem:s24], [sflag:$0x3], $0x80, s9, s23, $0xb8;
	[tilespmem:$0x1F0C0] =	vst v63  }
0x4e: {  	_ =	swait.ge [sflag:s28], $0x4000  }
0x4f: {  	p2 =	seq.s32 s7, $0x0;
	[sflag:s28] =	ssyncset.done $0x0  }
.Ltmp3:
0x50: {  	s9 =	sadd.s32 $0x2780, s8;
	[sflag:s28] =	ssyncadd.s32 $0xFFFFC000;
	(pc) =	sbr.rel @p2 .LBB2_11-.Ltmp3, $4  }
0x51: {  	[spmem:s2] =	stream.indirect.scatter.add.f32 [tilespmem:s25], [sflag:$0x4], $0x80, s9, s23, $0xb8;
	[tilespmem:$0x1F0C0] =	vst v63  }
0x52: {  	_ =	swait.ge [sflag:s30], $0x4000  }
0x53: {  	[sflag:s30] =	ssyncset.done $0x0  }
0x54: {  	[sflag:s30] =	ssyncadd.s32 $0xFFFFC000  }
.Ltmp4:
0x55: {  	(pc) =	sbr.rel .LBB2_9-.Ltmp4, $3  }
0x56: {  	_ =	sdelay $0x1  }
0x57: {  	s8 =	sadd.s32 $0xC00, s8;
	s7 =	sadd.s32 $0x400, s7  }
0x58: {  	[tilespmem:s24], [sflag:$0x1] =	stream.indirect.gather [hbm4b:s4+s23], $0x80, s8, s23, $0xb8;
	[tilespmem:$0x1F0C0] =	vst v63  }
.LBB2_2:
0x59: {  	s7 =	rddreg [dreg:$0x3]  }
0x5a: {  	[tilespmem:s3], [sflag:$0x5] =	stream.linear.gather [hbm4b:s7+s3], $0x1C00, $0x38;
	[tilespmem:$0x1F0C0] =	vst v63  }
0x5b: {  	_ =	swait.ge [sflag:s21], $0x1C00  }
0x5c: {  	[sflag:s21] =	ssyncset.done $0x0  }
0x5d: {  	s9 =	rddreg [dreg:$0x4];
	[sflag:s21] =	ssyncadd.s32 $0xFFFFE400  }
0x5e: {  	[tilespmem:s22], [sflag:$0x5] =	stream.linear.gather [hbm4b:s9+s3], $0x1C00, $0x38;
	[tilespmem:$0x1F0C0] =	vst v63  }
0x5f: {  	_ =	swait.ge [sflag:s21], $0x1C00  }
0x60: {  	[sflag:s21] =	ssyncset.done $0x0  }
0x61: {  	[sflag:s21] =	ssyncadd.s32 $0xFFFFE400  }
0x62: {  	[tilespmem:s24], [sflag:$0x1] =	stream.indirect.gather [hbm4b:s4+s23], $0x80, s3, s23, $0xb8;
	[tilespmem:$0x1F0C0] =	vst v63  }
0x63: {  	_ = 	snop  }
0x64: {  	[tilespmem:s25], [sflag:$0x2] =	stream.indirect.gather [hbm4b:s4+s23], $0x80, s23, s23, $0xb8;
	[tilespmem:$0x1F0C0] =	vst v63  }
0x65: {  	_ =	swait.ge [sflag:s26], $0x4000  }
0x66: {  	[sflag:s26] =	ssyncset.done $0x0  }
0x67: {  	[sflag:s26] =	ssyncadd.s32 $0xFFFFC000  }
0x68: {  	[spmem:s2] =	stream.indirect.scatter.add.f32 [tilespmem:s24], [sflag:$0x3], $0x80, s22, s23, $0xb8;
	[tilespmem:$0x1F0C0] =	vst v63  }
0x69: {  	_ =	swait.ge [sflag:s28], $0x4000  }
0x6a: {  	[sflag:s28] =	ssyncset.done $0x0  }
0x6b: {  	[sflag:s28] =	ssyncadd.s32 $0xFFFFC000  }
0x6c: {  	[spmem:s2] =	stream.indirect.scatter.add.f32 [tilespmem:s25], [sflag:$0x4], $0x80, s29, s23, $0xb8;
	[tilespmem:$0x1F0C0] =	vst v63  }
0x6d: {  	_ =	swait.ge [sflag:s30], $0x4000  }
0x6e: {  	[sflag:s30] =	ssyncset.done $0x0  }
0x6f: {  	s7 =	simm.s32 $0xFFFF9800;
	[sflag:s30] =	ssyncadd.s32 $0xFFFFC000  }
0x70: {  	[tilespmem:s24], [sflag:$0x1] =	stream.indirect.gather [hbm4b:s4+s23], $0x80, s31, s23, $0xb8;
	[tilespmem:$0x1F0C0] =	vst v63  }
.LBB2_3:
0x71: {  	_ =	swait.ge [sflag:s0], $0x4000  }
0x72: {  	s8 =	sshra.s32 s7, $0x2;
	[sflag:s0] =	ssyncset.done $0x0  }
0x73: {  	s9 =	sadd.s32 $0x1B80, s8;
	[sflag:s0] =	ssyncadd.s32 $0xFFFFC000  }
0x74: {  	[tilespmem:s25], [sflag:$0x2] =	stream.indirect.gather [hbm4b:s4+s23], $0x80, s9, s23, $0xb8;
	[tilespmem:$0x1F0C0] =	vst v63  }
0x75: {  	_ =	swait.ge [sflag:s26], $0x4000  }
0x76: {  	[sflag:s26] =	ssyncset.done $0x0  }
0x77: {  	s9 =	sadd.s32 $0x3700, s8;
	[sflag:s26] =	ssyncadd.s32 $0xFFFFC000  }
0x78: {  	[spmem:s2] =	stream.indirect.scatter.add.f32 [tilespmem:s24], [sflag:$0x3], $0x80, s9, s23, $0xb8;
	[tilespmem:$0x1F0C0] =	vst v63  }
0x79: {  	_ =	swait.ge [sflag:s28], $0x4000  }
0x7a: {  	p2 =	seq.s32 s7, $0x0;
	[sflag:s28] =	ssyncset.done $0x0  }
.Ltmp5:
0x7b: {  	s9 =	sadd.s32 $0x3780, s8;
	[sflag:s28] =	ssyncadd.s32 $0xFFFFC000;
	(pc) =	sbr.rel @p2 .LBB2_5-.Ltmp5, $4  }
0x7c: {  	[spmem:s2] =	stream.indirect.scatter.add.f32 [tilespmem:s25], [sflag:$0x4], $0x80, s9, s23, $0xb8;
	[tilespmem:$0x1F0C0] =	vst v63  }
0x7d: {  	_ =	swait.ge [sflag:s30], $0x4000  }
0x7e: {  	[sflag:s30] =	ssyncset.done $0x0  }
0x7f: {  	[sflag:s30] =	ssyncadd.s32 $0xFFFFC000  }
.Ltmp6:
0x80: {  	(pc) =	sbr.rel .LBB2_3-.Ltmp6, $3  }
0x81: {  	_ =	sdelay $0x1  }
0x82: {  	s8 =	sadd.s32 $0x1C00, s8;
	s7 =	sadd.s32 $0x400, s7  }
0x83: {  	[tilespmem:s24], [sflag:$0x1] =	stream.indirect.gather [hbm4b:s4+s23], $0x80, s8, s23, $0xb8;
	[tilespmem:$0x1F0C0] =	vst v63  }
.LBB2_11:
0x84: {  	_ =	swait.ge [sflag:s0], $0x4000  }
0x85: {  	[sflag:s0] =	ssyncset.done $0x0  }
0x86: {  	[sflag:s0] =	ssyncadd.s32 $0xFFFFC000  }
0x87: {  	[tilespmem:s3], [sflag:$0x5] =	stream.linear.gather [hbm4b:s13+s3], $0xC00, $0x38;
	[tilespmem:$0x1F0C0] =	vst v63  }
0x88: {  	_ =	swait.ge [sflag:s21], $0xC00  }
0x89: {  	[sflag:s21] =	ssyncset.done $0x0  }
0x8a: {  	[sflag:s21] =	ssyncadd.s32 $0xFFFFF400  }
0x8b: {  	[tilespmem:s22], [sflag:$0x5] =	stream.linear.gather [hbm4b:s14+s3], $0xC00, $0x38;
	[tilespmem:$0x1F0C0] =	vst v63  }
0x8c: {  	_ =	swait.ge [sflag:s21], $0xC00  }
0x8d: {  	[sflag:s21] =	ssyncset.done $0x0  }
0x8e: {  	[sflag:s21] =	ssyncadd.s32 $0xFFFFF400  }
0x8f: {  	[tilespmem:s24], [sflag:$0x1] =	stream.indirect.gather [hbm4b:s4+s23], $0x80, s3, s23, $0xb8;
	[tilespmem:$0x1F0C0] =	vst v63  }
0x90: {  	_ = 	snop  }
0x91: {  	[tilespmem:s25], [sflag:$0x2] =	stream.indirect.gather [hbm4b:s4+s23], $0x80, s23, s23, $0xb8;
	[tilespmem:$0x1F0C0] =	vst v63  }
0x92: {  	_ =	swait.ge [sflag:s26], $0x4000  }
0x93: {  	[sflag:s26] =	ssyncset.done $0x0  }
0x94: {  	[sflag:s26] =	ssyncadd.s32 $0xFFFFC000  }
0x95: {  	[spmem:s2] =	stream.indirect.scatter.add.f32 [tilespmem:s24], [sflag:$0x3], $0x80, s22, s23, $0xb8;
	[tilespmem:$0x1F0C0] =	vst v63  }
0x96: {  	_ =	swait.ge [sflag:s28], $0x4000  }
0x97: {  	[sflag:s28] =	ssyncset.done $0x0  }
0x98: {  	[sflag:s28] =	ssyncadd.s32 $0xFFFFC000  }
0x99: {  	[spmem:s2] =	stream.indirect.scatter.add.f32 [tilespmem:s25], [sflag:$0x4], $0x80, s29, s23, $0xb8;
	[tilespmem:$0x1F0C0] =	vst v63  }
0x9a: {  	_ =	swait.ge [sflag:s30], $0x4000  }
0x9b: {  	[sflag:s30] =	ssyncset.done $0x0  }
0x9c: {  	s7 =	simm.s32 $0xFFFFD800;
	[sflag:s30] =	ssyncadd.s32 $0xFFFFC000  }
0x9d: {  	[tilespmem:s24], [sflag:$0x1] =	stream.indirect.gather [hbm4b:s4+s23], $0x80, s31, s23, $0xb8;
	[tilespmem:$0x1F0C0] =	vst v63  }
.LBB2_12:
0x9e: {  	_ =	swait.ge [sflag:s0], $0x4000  }
0x9f: {  	s8 =	sshra.s32 s7, $0x2;
	[sflag:s0] =	ssyncset.done $0x0  }
0xa0: {  	s9 =	sadd.s32 $0xB80, s8;
	[sflag:s0] =	ssyncadd.s32 $0xFFFFC000  }
0xa1: {  	[tilespmem:s25], [sflag:$0x2] =	stream.indirect.gather [hbm4b:s4+s23], $0x80, s9, s23, $0xb8;
	[tilespmem:$0x1F0C0] =	vst v63  }
0xa2: {  	_ =	swait.ge [sflag:s26], $0x4000  }
0xa3: {  	[sflag:s26] =	ssyncset.done $0x0  }
0xa4: {  	s9 =	sadd.s32 $0x2700, s8;
	[sflag:s26] =	ssyncadd.s32 $0xFFFFC000  }
0xa5: {  	[spmem:s2] =	stream.indirect.scatter.add.f32 [tilespmem:s24], [sflag:$0x3], $0x80, s9, s23, $0xb8;
	[tilespmem:$0x1F0C0] =	vst v63  }
0xa6: {  	_ =	swait.ge [sflag:s28], $0x4000  }
0xa7: {  	p2 =	seq.s32 s7, $0x0;
	[sflag:s28] =	ssyncset.done $0x0  }
.Ltmp7:
0xa8: {  	s9 =	sadd.s32 $0x2780, s8;
	[sflag:s28] =	ssyncadd.s32 $0xFFFFC000;
	(pc) =	sbr.rel @p2 .LBB2_14-.Ltmp7, $4  }
0xa9: {  	[spmem:s2] =	stream.indirect.scatter.add.f32 [tilespmem:s25], [sflag:$0x4], $0x80, s9, s23, $0xb8;
	[tilespmem:$0x1F0C0] =	vst v63  }
0xaa: {  	_ =	swait.ge [sflag:s30], $0x4000  }
0xab: {  	[sflag:s30] =	ssyncset.done $0x0  }
0xac: {  	[sflag:s30] =	ssyncadd.s32 $0xFFFFC000  }
.Ltmp8:
0xad: {  	(pc) =	sbr.rel .LBB2_12-.Ltmp8, $3  }
0xae: {  	_ =	sdelay $0x1  }
0xaf: {  	s8 =	sadd.s32 $0xC00, s8;
	s7 =	sadd.s32 $0x400, s7  }
0xb0: {  	[tilespmem:s24], [sflag:$0x1] =	stream.indirect.gather [hbm4b:s4+s23], $0x80, s8, s23, $0xb8;
	[tilespmem:$0x1F0C0] =	vst v63  }
.LBB2_5:
0xb1: {  	_ =	swait.ge [sflag:s0], $0x4000  }
0xb2: {  	[sflag:s0] =	ssyncset.done $0x0  }
0xb3: {  	s7 =	rddreg [dreg:$0x5];
	[sflag:s0] =	ssyncadd.s32 $0xFFFFC000  }
0xb4: {  	[tilespmem:s3], [sflag:$0x5] =	stream.linear.gather [hbm4b:s7+s3], $0x1C00, $0x38;
	[tilespmem:$0x1F0C0] =	vst v63  }
0xb5: {  	_ =	swait.ge [sflag:s21], $0x1C00  }
0xb6: {  	[sflag:s21] =	ssyncset.done $0x0  }
0xb7: {  	[sflag:s21] =	ssyncadd.s32 $0xFFFFE400  }
0xb8: {  	[tilespmem:s22], [sflag:$0x5] =	stream.linear.gather [hbm4b:s10+s3], $0x1C00, $0x38;
	[tilespmem:$0x1F0C0] =	vst v63  }
0xb9: {  	_ =	swait.ge [sflag:s21], $0x1C00  }
0xba: {  	[sflag:s21] =	ssyncset.done $0x0  }
0xbb: {  	[sflag:s21] =	ssyncadd.s32 $0xFFFFE400  }
0xbc: {  	[tilespmem:s24], [sflag:$0x1] =	stream.indirect.gather [hbm4b:s4+s23], $0x80, s3, s23, $0xb8;
	[tilespmem:$0x1F0C0] =	vst v63  }
0xbd: {  	_ = 	snop  }
0xbe: {  	[tilespmem:s25], [sflag:$0x2] =	stream.indirect.gather [hbm4b:s4+s23], $0x80, s23, s23, $0xb8;
	[tilespmem:$0x1F0C0] =	vst v63  }
0xbf: {  	_ =	swait.ge [sflag:s26], $0x4000  }
0xc0: {  	[sflag:s26] =	ssyncset.done $0x0  }
0xc1: {  	[sflag:s26] =	ssyncadd.s32 $0xFFFFC000  }
0xc2: {  	[spmem:s2] =	stream.indirect.scatter.add.f32 [tilespmem:s24], [sflag:$0x3], $0x80, s22, s23, $0xb8;
	[tilespmem:$0x1F0C0] =	vst v63  }
0xc3: {  	_ =	swait.ge [sflag:s28], $0x4000  }
0xc4: {  	[sflag:s28] =	ssyncset.done $0x0  }
0xc5: {  	[sflag:s28] =	ssyncadd.s32 $0xFFFFC000  }
0xc6: {  	[spmem:s2] =	stream.indirect.scatter.add.f32 [tilespmem:s25], [sflag:$0x4], $0x80, s29, s23, $0xb8;
	[tilespmem:$0x1F0C0] =	vst v63  }
0xc7: {  	_ =	swait.ge [sflag:s30], $0x4000  }
0xc8: {  	[sflag:s30] =	ssyncset.done $0x0  }
0xc9: {  	s7 =	simm.s32 $0xFFFF9800;
	[sflag:s30] =	ssyncadd.s32 $0xFFFFC000  }
0xca: {  	[tilespmem:s24], [sflag:$0x1] =	stream.indirect.gather [hbm4b:s4+s23], $0x80, s31, s23, $0xb8;
	[tilespmem:$0x1F0C0] =	vst v63  }
.LBB2_6:
0xcb: {  	_ =	swait.ge [sflag:s0], $0x4000  }
0xcc: {  	s8 =	sshra.s32 s7, $0x2;
	[sflag:s0] =	ssyncset.done $0x0  }
0xcd: {  	s9 =	sadd.s32 $0x1B80, s8;
	[sflag:s0] =	ssyncadd.s32 $0xFFFFC000  }
0xce: {  	[tilespmem:s25], [sflag:$0x2] =	stream.indirect.gather [hbm4b:s4+s23], $0x80, s9, s23, $0xb8;
	[tilespmem:$0x1F0C0] =	vst v63  }
0xcf: {  	_ =	swait.ge [sflag:s26], $0x4000  }
0xd0: {  	[sflag:s26] =	ssyncset.done $0x0  }
0xd1: {  	s9 =	sadd.s32 $0x3700, s8;
	[sflag:s26] =	ssyncadd.s32 $0xFFFFC000  }
0xd2: {  	[spmem:s2] =	stream.indirect.scatter.add.f32 [tilespmem:s24], [sflag:$0x3], $0x80, s9, s23, $0xb8;
	[tilespmem:$0x1F0C0] =	vst v63  }
0xd3: {  	_ =	swait.ge [sflag:s28], $0x4000  }
0xd4: {  	p2 =	seq.s32 s7, $0x0;
	[sflag:s28] =	ssyncset.done $0x0  }
.Ltmp9:
0xd5: {  	s9 =	sadd.s32 $0x3780, s8;
	[sflag:s28] =	ssyncadd.s32 $0xFFFFC000;
	(pc) =	sbr.rel @p2 .LBB2_14-.Ltmp9, $4  }
0xd6: {  	[spmem:s2] =	stream.indirect.scatter.add.f32 [tilespmem:s25], [sflag:$0x4], $0x80, s9, s23, $0xb8;
	[tilespmem:$0x1F0C0] =	vst v63  }
0xd7: {  	_ =	swait.ge [sflag:s30], $0x4000  }
0xd8: {  	[sflag:s30] =	ssyncset.done $0x0  }
0xd9: {  	[sflag:s30] =	ssyncadd.s32 $0xFFFFC000  }
.Ltmp10:
0xda: {  	(pc) =	sbr.rel .LBB2_6-.Ltmp10, $3  }
0xdb: {  	_ =	sdelay $0x1  }
0xdc: {  	s8 =	sadd.s32 $0x1C00, s8;
	s7 =	sadd.s32 $0x400, s7  }
0xdd: {  	[tilespmem:s24], [sflag:$0x1] =	stream.indirect.gather [hbm4b:s4+s23], $0x80, s8, s23, $0xb8;
	[tilespmem:$0x1F0C0] =	vst v63  }
.LBB2_15:
0xde: {  	_ =	sfence.sel $0x180000  }
0xdf: {  	[bflag:$0x0] =	sbarrier.arrive $0xFFFF  }
0xe0: {  	_ =	strace $0x9000004A  }
0xe1: {  	s0 =	stileid.u32;
	[bflag:$0x2] =	sbarrier.arrive $0xFFFF  }
0xe2: {  	p0 =	sne.s32 s0, $0x0;
	s0 =	rddreg [dreg:$0x2]  }
0xe3: {  	s0 =	sadd.s32 @!p0 $0x100000, s0  }
0xe4: {  	[sflag:s0] =	ssyncadd.tile.s32 @!p0 $0x1;
	_ =	shalt  }
.Lfunc_end2:
_tile_overlayer_lowered:
.L_overlay_start_2:
0xe5: {  	(tag) =	ssettag $0x2  }
0xe6: {  	s0 =	rddreg [dreg:$0x0];
	s2 =	stileid.u32  }
0xe7: {  	s1 =	rddreg [dreg:$0x1];
	p0 =	sne.s32 s2, $0x0  }
0xe8: {  	s3 =	rddreg [dreg:$0x2];
	[bflag:$0x3] =	sbarrier.arrive $0xFFFF;
	s2 =	simm.s32 @!p0 $0x1C05  }
0xe9: {  	[timem:s3], [sflag:s2] =	dma.local @!p0 [hbm:s0], s1  }
0xea: {  	s0 =	simm.s32 @!p0 $0x5  }
0xeb: {  	_ =	swait.ge @!p0 [sflag:s0], s1  }
0xec: {  	s1 =	ssub.s32 @!p0 $0x0, s1;
	[sflag:s0] =	ssyncset.done @!p0 $0x0  }
0xed: {  	[sflag:s0] =	ssyncadd.s32 @!p0 s1  }
0xee: {  	[bflag:$0x3] =	sbarrier.arrive $0xFFFF  }
0xef: {  	_ =	shalt  }

// kernel: kernel.14.cloned.1.call-start
scs
__scs_entry_jumppad:
0x0: {  	(pc) =	sbr.rel $0x88, $3  }
0x1: {  	(tag) =	ssettag $0x0;
	lr =	simm.s32 $0x1  }
0x2: {  	[smem:$0x3F99] =	sst lr;
	_ =	strace $0xD0000000  }
0x3: {  	_ = 	snop  }
0x4: {  	_ = 	snop  }
0x5: {  	_ = 	snop  }
0x6: {  	_ = 	snop  }
0x7: {  	_ = 	snop  }
__scs_overlays_trampoline_lowered:
0x8: {  	[smem:$0x3FA8] =	sst s0  }
0x9: {  	[smem:$0x3FA9] =	sst s1  }
0xa: {  	[smem:$0x3FAA] =	sst s2  }
0xb: {  	[smem:$0x3FAB] =	sst s3  }
0xc: {  	[smem:$0x3FAC] =	sst s4  }
0xd: {  	[smem:$0x3FAD] =	sst s5  }
0xe: {  	[smem:$0x3FAE] =	sst s6  }
0xf: {  	[smem:$0x3FAF] =	sst s7  }
0x10: {  	[smem:$0x3FB0] =	sst s8  }
0x11: {  	[smem:$0x3FB1] =	sst s9;
	s0 =	simm.s32 @!p0 $0x0  }
0x12: {  	s1 =	sld [smem:$0x3F97];
	s0 =	simm.s32 @p0 $0x1  }
0x13: {  	[smem:$0x3FB2] =	sst s0;
	s0 =	simm.s32 @!p1 $0x0  }
0x14: {  	s2 =	sld [smem:$0x3F96];
	s0 =	simm.s32 @p1 $0x1  }
0x15: {  	[smem:$0x3FB3] =	sst s0;
	s0 =	simm.s32 @!p2 $0x0  }
0x16: {  	s3 =	sld [smem:$0x3FDB];
	s0 =	simm.s32 @p2 $0x1  }
0x17: {  	s4 =	simm.s32 $0x1BF5;
	[smem:$0x3FB5] =	sst s0  }
0x18: {  	s0 =	sld [smem:$0x3F98];
	_ =	swait.ge [sflag:s4], $0x0  }
0x19: {  	s7 =	sld [smem:$0x3F99]  }
0x1a: {  	s8 =	sadd.s32 $0xFFFFE003, lr  }
0x1b: {  	s9 =	sadd.s32 $0xFFFFFEF7, lr;
	s5 =	simm.s32 $0xFFFFFFFF;
	p2 =	slt.u32 s8, $0xFFFFF086  }
0x1c: {  	p1 =	slt.u32 s9, $0xF7A;
	s5 =	simm.s32 @!p2 $0x0  }
0x1d: {  	s5 =	simm.s32 @p1 $0x1;
	p0 =	seq.s32 s7, s2  }
0x1e: {  	s7 =	smul.u32 @!p0 $0xF7A, s2;
	p2 =	seq.s32 @!p0 s5, $0x0  }
0x1f: {  	s9 =	smul.u32 $0xF7A, s1;
	s8 =	simm.s32 @!p0 $0x1BF5;
	p2 =	por !p2, p0  }
0x20: {  	[sflag:s8] =	ssyncset.s32 @!p0 $0xFFFFF086;
	s6 =	sadd.s32 @!p0 s3, s7;
	s7 =	simm.s32 @!p0 $0x108  }
0x21: {  	s3 =	sadd.s32 s3, s9;
	s6 =	sadd.s32 @!p0 $0x88, s6;
	s7 =	simm.s32 @p2 $0x1082  }
0x22: {  	[simem:s7], [sflag:s8] =	dma.local @!p0 [hbm:s6], $0xF7A  }
0x23: {  	s9 =	sor.u32 $0xD0000000, s2;
	s6 =	simm.s32 $0x108;
	_ =	swait.ge @!p0 [sflag:s8], $0x0  }
0x24: {  	s3 =	sadd.s32 $0x88, s3;
	s6 =	simm.s32 @!p1 $0x1082;
	[sflag:s4] =	ssyncset.s32 $0xFFFFF086  }
0x25: {  	[simem:s6], [sflag:s4] =	dma.local [hbm:s3], $0xF7A  }
0x26: {  	[smem:$0x3F99] =	sst s1;
	(tag) =	ssettag s2;
	_ =	strace s9  }
0x27: {  	s1 =	sld [smem:$0x3FA9]  }
0x28: {  	s2 =	sld [smem:$0x3FAA]  }
0x29: {  	s4 =	sld [smem:$0x3FAC]  }
0x2a: {  	p0 =	seq.s32 s5, $0x0;
	s5 =	sld [smem:$0x3FAD]  }
0x2b: {  	s6 =	sld [smem:$0x3FAE]  }
0x2c: {  	s7 =	sld [smem:$0x3FAF]  }
0x2d: {  	s3 =	simm.s32 $0x108;
	s8 =	sld [smem:$0x3FB0]  }
0x2e: {  	s3 =	simm.s32 @!p0 $0x1082;
	s9 =	sld [smem:$0x3FB1]  }
0x2f: {  	lr =	sadd.s32 s0, s3;
	s0 =	sld [smem:$0x3FA8]  }
0x30: {  	s3 =	sld [smem:$0x3FAB]  }
0x31: {  	[smem:$0x3FB4] =	sst s10  }
0x32: {  	s10 =	sld [smem:$0x3FB2];
	_ =	sdelay $0x3  }
0x33: {  	p0 =	seq.s32 s10, $0x1;
	s10 =	sld [smem:$0x3FB4];
	_ =	sdelay $0x3  }
0x34: {  	[smem:$0x3FB4] =	sst s10  }
0x35: {  	s10 =	sld [smem:$0x3FB3];
	_ =	sdelay $0x3  }
0x36: {  	p1 =	seq.s32 s10, $0x1;
	s10 =	sld [smem:$0x3FB4];
	_ =	sdelay $0x3  }
0x37: {  	[smem:$0x3FB4] =	sst s10  }
0x38: {  	s10 =	sld [smem:$0x3FB5]  }
0x39: {  	_ = 	snop;
	(pc) =	sbr.ind lr, $3  }
0x3a: {  	_ = 	snop  }
0x3b: {  	_ = 	snop  }
0x3c: {  	p2 =	seq.s32 s10, $0x1;
	s10 =	sld [smem:$0x3FB4]  }
0x3d: {  	_ =	shalt  }
0x3e: {  	_ =	shalt  }
0x3f: {  	_ =	shalt  }
0x40: {  	_ =	shalt  }
0x41: {  	_ =	shalt  }
0x42: {  	_ =	shalt  }
0x43: {  	_ =	shalt  }
0x44: {  	_ =	shalt  }
0x45: {  	_ =	shalt  }
0x46: {  	_ =	shalt  }
0x47: {  	_ =	shalt  }
0x48: {  	_ =	shalt  }
0x49: {  	_ =	shalt  }
0x4a: {  	_ =	shalt  }
0x4b: {  	_ =	shalt  }
0x4c: {  	_ =	shalt  }
0x4d: {  	_ =	shalt  }
0x4e: {  	_ =	shalt  }
0x4f: {  	_ =	shalt  }
0x50: {  	_ =	shalt  }
0x51: {  	_ =	shalt  }
0x52: {  	_ =	shalt  }
0x53: {  	_ =	shalt  }
0x54: {  	_ =	shalt  }
0x55: {  	_ =	shalt  }
0x56: {  	_ =	shalt  }
0x57: {  	_ =	shalt  }
0x58: {  	_ =	shalt  }
0x59: {  	_ =	shalt  }
0x5a: {  	_ =	shalt  }
0x5b: {  	_ =	shalt  }
0x5c: {  	_ =	shalt  }
0x5d: {  	_ =	shalt  }
0x5e: {  	_ =	shalt  }
0x5f: {  	_ =	shalt  }
0x60: {  	_ =	shalt  }
0x61: {  	_ =	shalt  }
0x62: {  	_ =	shalt  }
0x63: {  	_ =	shalt  }
0x64: {  	_ =	shalt  }
0x65: {  	_ =	shalt  }
0x66: {  	_ =	shalt  }
0x67: {  	_ =	shalt  }
0x68: {  	_ =	shalt  }
0x69: {  	_ =	shalt  }
0x6a: {  	_ =	shalt  }
0x6b: {  	_ =	shalt  }
0x6c: {  	_ =	shalt  }
0x6d: {  	_ =	shalt  }
0x6e: {  	_ =	shalt  }
0x6f: {  	_ =	shalt  }
0x70: {  	_ =	shalt  }
0x71: {  	_ =	shalt  }
0x72: {  	_ =	shalt  }
0x73: {  	_ =	shalt  }
0x74: {  	_ =	shalt  }
0x75: {  	_ =	shalt  }
0x76: {  	_ =	shalt  }
0x77: {  	_ =	shalt  }
0x78: {  	_ =	shalt  }
0x79: {  	_ =	shalt  }
0x7a: {  	_ =	shalt  }
0x7b: {  	_ =	shalt  }
0x7c: {  	_ =	shalt  }
0x7d: {  	_ =	shalt  }
0x7e: {  	_ =	shalt  }
0x7f: {  	_ =	shalt  }
0x80: {  	_ =	shalt  }
0x81: {  	_ =	shalt  }
0x82: {  	_ =	shalt  }
0x83: {  	_ =	shalt  }
0x84: {  	_ =	shalt  }
0x85: {  	_ =	shalt  }
0x86: {  	_ =	shalt  }
0x87: {  	_ =	shalt  }
.Lfunc_end0:
.L_simem_size_0:
called_computation.2_lowered:
.L_overlay_start_0:
0x88: {  	s2 =	sld [smem:$0x3FD9]  }
0x89: {  	s3 =	sld [smem:$0x3FFE];
	_ =	sdelay $0x1  }
0x8a: {  	s1 =	srdreg.scid  }
0x8b: {  	s0 =	sand.u32 $0x1, s1  }
0x8c: {  	s16 =	sshll.u32 s0, $0xA;
	s2 =	sadd.s32 s3, s2  }
0x8d: {  	s2 =	sadd.s32 s2, s16  }
0x8e: {  	[smem:$0x3FC0] =	sst s2  }
0x8f: {  	_ = 	snop  }
0x90: {  	(tm) =	ssettm $0x1  }
0x91: {  	s17 =	sld [smem:$0x3FFB];
	_ =	sdelay $0x3  }
0x92: {  	_ =	strace s17  }
0x93: {  	s2 =	sld [smem:$0x3FFC];
	_ =	sdelay $0x3  }
0x94: {  	_ =	strace s2  }
0x95: {  	s2 =	sld [smem:$0x3FFD];
	_ =	sdelay $0x3  }
0x96: {  	_ =	strace s2  }
0x97: {  	_ =	strace $0x8FFFFFFF  }
0x98: {  	s18 =	sld [smem:$0x3FDB];
	_ =	sdelay $0x1  }
0x99: {  	s19 =	simm.s32 $_scs_section_size  }
0x9a: {  	s4 =	simm.s32 $_size__tile_overlayer_lowered;
	s5 =	simm.s32 $_tile_overlayer_lowered  }
0x9b: {  	s22 =	simm.s32 $0x1BFF;
	s21 =	sshll.u32 s5, $0x1;
	s2 =	sadd.s32 s19, s18  }
0x9c: {  	s6 =	simm.s32 $0x0;
	s20 =	sshll.u32 s4, $0x1;
	s4 =	sadd.s32 s21, s2  }
0x9d: {  	[timem:s6], [sflag:s22] =	dma.local [hbm:s4], s20  }
0x9e: {  	_ =	swait.ge [sflag:s22], s20  }
0x9f: {  	s3 =	ssub.s32 $0x0, s20;
	[sflag:s22] =	ssyncset.done $0x0  }
0xa0: {  	[sflag:s22] =	ssyncadd.s32 s3;
	_ =	sdelay $0x1  }
0xa1: {  	s23 =	simm.s32 $0x1B8B  }
0xa2: {  	_ =	swait.ge [sflag:s23], $0x1  }
0xa3: {  	[sflag:s23] =	ssyncset.done $0x0  }
0xa4: {  	s25 =	simm.s32 $0x1B8E;
	s24 =	sld [smem:$0x3FFE];
	[sflag:s23] =	ssyncadd.s32 $0xFFFFFFFF  }
0xa5: {  	s26 =	simm.s32 $execute0_lowered;
	[smem:$0x3FD2] =	sst s25  }
0xa6: {  	s4 =	sshll.u32 s26, $0x1;
	_ =	strace $0x8000004C;
	[dreg:$0x1] =	wrdreg $0xFFFFFFFF  }
0xa7: {  	s28 =	simm.s32 $_size_execute0_lowered;
	s2 =	sadd.s32 s2, s4;
	[dreg:$0x0] =	wrdreg $0x0  }
0xa8: {  	s4 =	sshll.u32 s28, $0x1;
	[dreg:$0x2] =	wrdreg s2  }
0xa9: {  	[dreg:$0x3] =	wrdreg s4  }
0xaa: {  	[dreg:$0x4] =	wrdreg $0xC0  }
0xab: {  	_ =	task [dreg:s6], $0x5FFFF  }
0xac: {  	[dreg:$0x1] =	wrdreg $0xFFFFFFFF  }
0xad: {  	[dreg:$0x0] =	wrdreg $0x60  }
0xae: {  	[dreg:$0x2] =	wrdreg s24  }
0xaf: {  	[dreg:$0x3] =	wrdreg $0xB8000  }
0xb0: {  	[dreg:$0x4] =	wrdreg $0x9  }
0xb1: {  	_ =	task.clear_ibuf [dreg:s6], $0x5FFFF;
	_ =	strace $0x9000004C  }
0xb2: {  	s29 =	simm.s32 $0x9;
	_ =	strace $0x8000004E  }
0xb3: {  	_ =	swait.ge [sflag:s29], $0x1  }
0xb4: {  	[sflag:s29] =	ssyncadd.s32 $0xFFFFFFFF  }
0xb5: {  	_ =	strace $0x9000004E  }
0xb6: {  	_ =	sfence  }
0xb7: {  	s30 =	sld [smem:$0x0];
	_ =	sdelay $0x2  }
0xb8: {  	s31 =	sshll.u32 s1, $0xD;
	s1 =	sshrl.u32 s1, $0x2  }
0xb9: {  	s3 =	sand.u32 $0x4000, s31;
	s1 =	sadd.s32 s1, s30  }
0xba: {  	s0 =	sor.u32 s3, s0;
	s1 =	sshll.u32 s1, $0x11  }
0xbb: {  	s0 =	sor.u32 s1, s0  }
0xbc: {  	s0 =	sadd.s32 $0x8F2B, s0  }
0xbd: {  	[sflag:s0] =	ssyncadd.remote.s32 $0x1  }
0xbe: {  	_ =	sfence.sel $0xFFFF  }
0xbf: {  	[dreg:$0x0] =	wrdreg $0xFFFFFFFF;
	(pc) =	sbr.abs _section_cstart, $3  }
0xc0: {  	[dreg:$0x1] =	wrdreg $0xFFFFFFFF  }
0xc1: {  	_ =	task.clear_ibuf [dreg:s6], $0x2FFFF;
	_ =	strace $0x9FFFFFFF  }
0xc2: {  	(tm) =	ssettm $0x7FFFFFFF  }
0xc3: {  	_ =	shalt  }
tec
execute0_lowered:
.L_overlay_start_1:
0x0: {  	(tag) =	ssettag $0x1  }
0x1: {  	s0 =	rddreg [dreg:$0x0]  }
0x2: {  	s2 =	rddreg [dreg:$0x1];
	s3 =	simm.s32 $0x0  }
0x3: {  	s19 =	stileid.u32;
	s5 =	srdreg.scid;
	s28 =	simm.s32 $0x2  }
0x4: {  	s29 =	simm.s32 $0x1C80;
	s30 =	simm.s32 $0x3;
	s1 =	smul.u32 $0x5000, s19  }
0x5: {  	s31 =	simm.s32 $0x100;
	[smem:$0x7FF] =	sst s3;
	s6 =	smul.u32 $0x2780, s19  }
0x6: {  	s4 =	sadd.s32 $0x16600, s0;
	s7 =	sand.u32 $0x1, s5;
	s8 =	smul.u32 $0x4F000, s19  }
0x7: {  	s16 =	sadd.s32 $0x64A00, s0;
	s18 =	sadd.s32 $0x128400, s2;
	s24 =	smul.u32 $0x13C00, s19  }
0x8: {  	p1 =	seq.s32 s19, $0xF;
	_ =	strace $0x8000004D;
	s5 =	ssub.s32 $0x2, s7  }
0x9: {  	p0 =	seq.s32 s7, $0x1;
	s21 =	smul.u32 $0x138800, s7;
	s18 =	sshrl.u32 @p1 s18, $0x3  }
0xa: {  	s1 =	sshrl.u32 s1, $0x3;
	s6 =	sadd.s32 s6, s0;
	s9 =	sshrl.u32 s5, $0x1  }
0xb: {  	s20 =	sshrl.u32 s8, $0x2;
	s1 =	sadd.s32 s1, s0;
	s17 =	ssub.s32 s5, s9  }
0xc: {  	s8 =	sadd.s32 s20, s2;
	s5 =	sadd.s32 $0x3D800, s6;
	s6 =	sadd.s32 $0x62880, s0  }
0xd: {  	s7 =	sadd.s32 s24, s21;
	s0 =	sshrl.u32 s21, $0x3;
	s21 =	simm.s32 $0x5  }
0xe: {  	s24 =	simm.s32 $0x3800;
	s22 =	sadd.s32 $0x2600, s1;
	s23 =	sadd.s32 $0xC600, s1  }
0xf: {  	s25 =	sadd.s32 $0x2980, s1;
	s10 =	sadd.s32 $0xC980, s1;
	s11 =	sadd.s32 $0x2D00, s1  }
0x10: {  	s12 =	sadd.s32 $0xCD00, s1;
	s13 =	sadd.s32 $0x2E80, s1;
	s14 =	sadd.s32 $0xCE80, s1  }
0x11: {  	s26 =	sshrl.u32 s7, $0x3;
	s0 =	sadd.s32 s16, s0;
	[dreg:$0x3] =	wrdreg s22  }
.Ltmp0:
0x12: {  	s17 =	smax.u32 s17, $0x1;
	[dreg:$0x4] =	wrdreg s23;
	(pc) =	sbr.rel .LBB2_1-.Ltmp0, $4  }
0x13: {  	s20 =	sshrl.u32 @!p1 s8, $0x3;
	s1 =	simm.s32 $0x0;
	[dreg:$0x5] =	wrdreg s25  }
0x14: {  	s15 =	sadd.s32 s16, s26;
	s16 =	sadd.s32 $0x25080, s0;
	s0 =	sshll.u32 @!p1 s19, $0x6  }
0x15: {  	s22 =	simm.s32 $0x1C00;
	s23 =	simm.s32 $0x80;
	s25 =	simm.s32 $0x7800  }
0x16: {  	s26 =	simm.s32 $0x1;
	s19 =	sor.u32 @!p1 $0x1C05, s0;
	s0 =	simm.s32 $0x4  }
.LBB2_14:
0x17: {  	_ =	swait.ge [sflag:s0], $0x4000  }
0x18: {  	[sflag:s0] =	ssyncset.done $0x0  }
0x19: {  	[sflag:s0] =	ssyncadd.s32 $0xFFFFC000  }
0x1a: {  	s7 =	simm.s32 @p1 $0x1FC5;
	[bflag:$0x0] =	sbarrier.arrive $0xFFFF  }
0x1b: {  	[hbm:s16], [sflag:s7] =	dma.local @p1 [spmem:s18], $0x2080  }
0x1c: {  	s7 =	simm.s32 @p1 $0x5  }
0x1d: {  	s1 =	sadd.s32 $0x1, s1;
	_ =	swait.ge @p1 [sflag:s7], $0x2080  }
0x1e: {  	p2 =	sne.s32 s1, s17;
	[sflag:s7] =	ssyncset.done @p1 $0x0  }
.Ltmp1:
0x1f: {  	[sflag:s7] =	ssyncadd.s32 @p1 $0xFFFFDF80;
	s7 =	simm.s32 @!p1 $0x5;
	(pc) =	sbr.rel @!p2 .LBB2_15-.Ltmp1, $4  }
0x20: {  	[hbm:s15], [sflag:s19] =	dma.local @!p1 [spmem:s20], $0x2780  }
0x21: {  	_ =	swait.ge @!p1 [sflag:s7], $0x2780  }
0x22: {  	[sflag:s7] =	ssyncset.done @!p1 $0x0  }
0x23: {  	[sflag:s7] =	ssyncadd.s32 @!p1 $0xFFFFD880  }
.LBB2_1:
0x24: {  	s7 =	simm.s32 @p1 $0x1FC5  }
0x25: {  	[spmem:s18], [sflag:s7] =	dma.local @p1 [hbm:s6], $0x2100  }
0x26: {  	s7 =	simm.s32 @p1 $0x5  }
0x27: {  	_ =	swait.ge @p1 [sflag:s7], $0x2100  }
0x28: {  	[sflag:s7] =	ssyncset.done @p1 $0x0  }
0x29: {  	[sflag:s7] =	ssyncadd.s32 @p1 $0xFFFFDF00;
	s7 =	simm.s32 @!p1 $0x5  }
0x2a: {  	[spmem:s20], [sflag:s19] =	dma.local @!p1 [hbm:s5], $0x2780  }
.Ltmp2:
0x2b: {  	_ =	swait.ge @!p1 [sflag:s7], $0x2780;
	(pc) =	sbr.rel @!p0 .LBB2_2-.Ltmp2, $3  }
0x2c: {  	[sflag:s7] =	ssyncset.done @!p1 $0x0  }
0x2d: {  	[sflag:s7] =	ssyncadd.s32 @!p1 $0xFFFFD880  }
0x2e: {  	[bflag:$0x0] =	sbarrier.arrive $0xFFFF;
	_ =	sdelay $0x1  }
0x2f: {  	[tilespmem:s3], [sflag:$0x5] =	stream.linear.gather [hbm4b:s11+s3], $0xC00, $0x38;
	[tilespmem:$0x1F0C0] =	vst v63  }
0x30: {  	_ =	swait.ge [sflag:s21], $0xC00  }
0x31: {  	[sflag:s21] =	ssyncset.done $0x0  }
0x32: {  	[sflag:s21] =	ssyncadd.s32 $0xFFFFF400  }
0x33: {  	[tilespmem:s22], [sflag:$0x5] =	stream.linear.gather [hbm4b:s12+s3], $0xC00, $0x38;
	[tilespmem:$0x1F0C0] =	vst v63  }
0x34: {  	_ =	swait.ge [sflag:s21], $0xC00  }
0x35: {  	[sflag:s21] =	ssyncset.done $0x0  }
0x36: {  	[sflag:s21] =	ssyncadd.s32 $0xFFFFF400  }
0x37: {  	[tilespmem:s24], [sflag:$0x1] =	stream.indirect.gather [hbm4b:s4+s23], $0x80, s3, s23, $0xb8;
	[tilespmem:$0x1F0C0] =	vst v63  }
0x38: {  	_ = 	snop  }
0x39: {  	[tilespmem:s25], [sflag:$0x2] =	stream.indirect.gather [hbm4b:s4+s23], $0x80, s23, s23, $0xb8;
	[tilespmem:$0x1F0C0] =	vst v63  }
0x3a: {  	_ =	swait.ge [sflag:s26], $0x4000  }
0x3b: {  	[sflag:s26] =	ssyncset.done $0x0  }
0x3c: {  	[sflag:s26] =	ssyncadd.s32 $0xFFFFC000  }
0x3d: {  	[spmem:s2] =	stream.indirect.scatter.add.f32 [tilespmem:s24], [sflag:$0x3], $0x80, s22, s23, $0xb8;
	[tilespmem:$0x1F0C0] =	vst v63  }
0x3e: {  	_ =	swait.ge [sflag:s28], $0x4000  }
0x3f: {  	[sflag:s28] =	ssyncset.done $0x0  }
0x40: {  	[sflag:s28] =	ssyncadd.s32 $0xFFFFC000  }
0x41: {  	[spmem:s2] =	stream.indirect.scatter.add.f32 [tilespmem:s25], [sflag:$0x4], $0x80, s29, s23, $0xb8;
	[tilespmem:$0x1F0C0] =	vst v63  }
0x42: {  	_ =	swait.ge [sflag:s30], $0x4000  }
0x43: {  	[sflag:s30] =	ssyncset.done $0x0  }
0x44: {  	s7 =	simm.s32 $0xFFFFD800;
	[sflag:s30] =	ssyncadd.s32 $0xFFFFC000  }
0x45: {  	[tilespmem:s24], [sflag:$0x1] =	stream.indirect.gather [hbm4b:s4+s23], $0x80, s31, s23, $0xb8;
	[tilespmem:$0x1F0C0] =	vst v63  }
.LBB2_9:
0x46: {  	_ =	swait.ge [sflag:s0], $0x4000  }
0x47: {  	s8 =	sshra.s32 s7, $0x2;
	[sflag:s0] =	ssyncset.done $0x0  }
0x48: {  	s9 =	sadd.s32 $0xB80, s8;
	[sflag:s0] =	ssyncadd.s32 $0xFFFFC000  }
0x49: {  	[tilespmem:s25], [sflag:$0x2] =	stream.indirect.gather [hbm4b:s4+s23], $0x80, s9, s23, $0xb8;
	[tilespmem:$0x1F0C0] =	vst v63  }
0x4a: {  	_ =	swait.ge [sflag:s26], $0x4000  }
0x4b: {  	[sflag:s26] =	ssyncset.done $0x0  }
0x4c: {  	s9 =	sadd.s32 $0x2700, s8;
	[sflag:s26] =	ssyncadd.s32 $0xFFFFC000  }
0x4d: {  	[spmem:s2] =	stream.indirect.scatter.add.f32 [tilespmem:s24], [sflag:$0x3], $0x80, s9, s23, $0xb8;
	[tilespmem:$0x1F0C0] =	vst v63  }
0x4e: {  	_ =	swait.ge [sflag:s28], $0x4000  }
0x4f: {  	p2 =	seq.s32 s7, $0x0;
	[sflag:s28] =	ssyncset.done $0x0  }
.Ltmp3:
0x50: {  	s9 =	sadd.s32 $0x2780, s8;
	[sflag:s28] =	ssyncadd.s32 $0xFFFFC000;
	(pc) =	sbr.rel @p2 .LBB2_11-.Ltmp3, $4  }
0x51: {  	[spmem:s2] =	stream.indirect.scatter.add.f32 [tilespmem:s25], [sflag:$0x4], $0x80, s9, s23, $0xb8;
	[tilespmem:$0x1F0C0] =	vst v63  }
0x52: {  	_ =	swait.ge [sflag:s30], $0x4000  }
0x53: {  	[sflag:s30] =	ssyncset.done $0x0  }
0x54: {  	[sflag:s30] =	ssyncadd.s32 $0xFFFFC000  }
.Ltmp4:
0x55: {  	(pc) =	sbr.rel .LBB2_9-.Ltmp4, $3  }
0x56: {  	_ =	sdelay $0x1  }
0x57: {  	s8 =	sadd.s32 $0xC00, s8;
	s7 =	sadd.s32 $0x400, s7  }
0x58: {  	[tilespmem:s24], [sflag:$0x1] =	stream.indirect.gather [hbm4b:s4+s23], $0x80, s8, s23, $0xb8;
	[tilespmem:$0x1F0C0] =	vst v63  }
.LBB2_2:
0x59: {  	s7 =	rddreg [dreg:$0x3]  }
0x5a: {  	[tilespmem:s3], [sflag:$0x5] =	stream.linear.gather [hbm4b:s7+s3], $0x1C00, $0x38;
	[tilespmem:$0x1F0C0] =	vst v63  }
0x5b: {  	_ =	swait.ge [sflag:s21], $0x1C00  }
0x5c: {  	[sflag:s21] =	ssyncset.done $0x0  }
0x5d: {  	s9 =	rddreg [dreg:$0x4];
	[sflag:s21] =	ssyncadd.s32 $0xFFFFE400  }
0x5e: {  	[tilespmem:s22], [sflag:$0x5] =	stream.linear.gather [hbm4b:s9+s3], $0x1C00, $0x38;
	[tilespmem:$0x1F0C0] =	vst v63  }
0x5f: {  	_ =	swait.ge [sflag:s21], $0x1C00  }
0x60: {  	[sflag:s21] =	ssyncset.done $0x0  }
0x61: {  	[sflag:s21] =	ssyncadd.s32 $0xFFFFE400  }
0x62: {  	[tilespmem:s24], [sflag:$0x1] =	stream.indirect.gather [hbm4b:s4+s23], $0x80, s3, s23, $0xb8;
	[tilespmem:$0x1F0C0] =	vst v63  }
0x63: {  	_ = 	snop  }
0x64: {  	[tilespmem:s25], [sflag:$0x2] =	stream.indirect.gather [hbm4b:s4+s23], $0x80, s23, s23, $0xb8;
	[tilespmem:$0x1F0C0] =	vst v63  }
0x65: {  	_ =	swait.ge [sflag:s26], $0x4000  }
0x66: {  	[sflag:s26] =	ssyncset.done $0x0  }
0x67: {  	[sflag:s26] =	ssyncadd.s32 $0xFFFFC000  }
0x68: {  	[spmem:s2] =	stream.indirect.scatter.add.f32 [tilespmem:s24], [sflag:$0x3], $0x80, s22, s23, $0xb8;
	[tilespmem:$0x1F0C0] =	vst v63  }
0x69: {  	_ =	swait.ge [sflag:s28], $0x4000  }
0x6a: {  	[sflag:s28] =	ssyncset.done $0x0  }
0x6b: {  	[sflag:s28] =	ssyncadd.s32 $0xFFFFC000  }
0x6c: {  	[spmem:s2] =	stream.indirect.scatter.add.f32 [tilespmem:s25], [sflag:$0x4], $0x80, s29, s23, $0xb8;
	[tilespmem:$0x1F0C0] =	vst v63  }
0x6d: {  	_ =	swait.ge [sflag:s30], $0x4000  }
0x6e: {  	[sflag:s30] =	ssyncset.done $0x0  }
0x6f: {  	s7 =	simm.s32 $0xFFFF9800;
	[sflag:s30] =	ssyncadd.s32 $0xFFFFC000  }
0x70: {  	[tilespmem:s24], [sflag:$0x1] =	stream.indirect.gather [hbm4b:s4+s23], $0x80, s31, s23, $0xb8;
	[tilespmem:$0x1F0C0] =	vst v63  }
.LBB2_3:
0x71: {  	_ =	swait.ge [sflag:s0], $0x4000  }
0x72: {  	s8 =	sshra.s32 s7, $0x2;
	[sflag:s0] =	ssyncset.done $0x0  }
0x73: {  	s9 =	sadd.s32 $0x1B80, s8;
	[sflag:s0] =	ssyncadd.s32 $0xFFFFC000  }
0x74: {  	[tilespmem:s25], [sflag:$0x2] =	stream.indirect.gather [hbm4b:s4+s23], $0x80, s9, s23, $0xb8;
	[tilespmem:$0x1F0C0] =	vst v63  }
0x75: {  	_ =	swait.ge [sflag:s26], $0x4000  }
0x76: {  	[sflag:s26] =	ssyncset.done $0x0  }
0x77: {  	s9 =	sadd.s32 $0x3700, s8;
	[sflag:s26] =	ssyncadd.s32 $0xFFFFC000  }
0x78: {  	[spmem:s2] =	stream.indirect.scatter.add.f32 [tilespmem:s24], [sflag:$0x3], $0x80, s9, s23, $0xb8;
	[tilespmem:$0x1F0C0] =	vst v63  }
0x79: {  	_ =	swait.ge [sflag:s28], $0x4000  }
0x7a: {  	p2 =	seq.s32 s7, $0x0;
	[sflag:s28] =	ssyncset.done $0x0  }
.Ltmp5:
0x7b: {  	s9 =	sadd.s32 $0x3780, s8;
	[sflag:s28] =	ssyncadd.s32 $0xFFFFC000;
	(pc) =	sbr.rel @p2 .LBB2_5-.Ltmp5, $4  }
0x7c: {  	[spmem:s2] =	stream.indirect.scatter.add.f32 [tilespmem:s25], [sflag:$0x4], $0x80, s9, s23, $0xb8;
	[tilespmem:$0x1F0C0] =	vst v63  }
0x7d: {  	_ =	swait.ge [sflag:s30], $0x4000  }
0x7e: {  	[sflag:s30] =	ssyncset.done $0x0  }
0x7f: {  	[sflag:s30] =	ssyncadd.s32 $0xFFFFC000  }
.Ltmp6:
0x80: {  	(pc) =	sbr.rel .LBB2_3-.Ltmp6, $3  }
0x81: {  	_ =	sdelay $0x1  }
0x82: {  	s8 =	sadd.s32 $0x1C00, s8;
	s7 =	sadd.s32 $0x400, s7  }
0x83: {  	[tilespmem:s24], [sflag:$0x1] =	stream.indirect.gather [hbm4b:s4+s23], $0x80, s8, s23, $0xb8;
	[tilespmem:$0x1F0C0] =	vst v63  }
.LBB2_11:
0x84: {  	_ =	swait.ge [sflag:s0], $0x4000  }
0x85: {  	[sflag:s0] =	ssyncset.done $0x0  }
0x86: {  	[sflag:s0] =	ssyncadd.s32 $0xFFFFC000  }
0x87: {  	[tilespmem:s3], [sflag:$0x5] =	stream.linear.gather [hbm4b:s13+s3], $0xC00, $0x38;
	[tilespmem:$0x1F0C0] =	vst v63  }
0x88: {  	_ =	swait.ge [sflag:s21], $0xC00  }
0x89: {  	[sflag:s21] =	ssyncset.done $0x0  }
0x8a: {  	[sflag:s21] =	ssyncadd.s32 $0xFFFFF400  }
0x8b: {  	[tilespmem:s22], [sflag:$0x5] =	stream.linear.gather [hbm4b:s14+s3], $0xC00, $0x38;
	[tilespmem:$0x1F0C0] =	vst v63  }
0x8c: {  	_ =	swait.ge [sflag:s21], $0xC00  }
0x8d: {  	[sflag:s21] =	ssyncset.done $0x0  }
0x8e: {  	[sflag:s21] =	ssyncadd.s32 $0xFFFFF400  }
0x8f: {  	[tilespmem:s24], [sflag:$0x1] =	stream.indirect.gather [hbm4b:s4+s23], $0x80, s3, s23, $0xb8;
	[tilespmem:$0x1F0C0] =	vst v63  }
0x90: {  	_ = 	snop  }
0x91: {  	[tilespmem:s25], [sflag:$0x2] =	stream.indirect.gather [hbm4b:s4+s23], $0x80, s23, s23, $0xb8;
	[tilespmem:$0x1F0C0] =	vst v63  }
0x92: {  	_ =	swait.ge [sflag:s26], $0x4000  }
0x93: {  	[sflag:s26] =	ssyncset.done $0x0  }
0x94: {  	[sflag:s26] =	ssyncadd.s32 $0xFFFFC000  }
0x95: {  	[spmem:s2] =	stream.indirect.scatter.add.f32 [tilespmem:s24], [sflag:$0x3], $0x80, s22, s23, $0xb8;
	[tilespmem:$0x1F0C0] =	vst v63  }
0x96: {  	_ =	swait.ge [sflag:s28], $0x4000  }
0x97: {  	[sflag:s28] =	ssyncset.done $0x0  }
0x98: {  	[sflag:s28] =	ssyncadd.s32 $0xFFFFC000  }
0x99: {  	[spmem:s2] =	stream.indirect.scatter.add.f32 [tilespmem:s25], [sflag:$0x4], $0x80, s29, s23, $0xb8;
	[tilespmem:$0x1F0C0] =	vst v63  }
0x9a: {  	_ =	swait.ge [sflag:s30], $0x4000  }
0x9b: {  	[sflag:s30] =	ssyncset.done $0x0  }
0x9c: {  	s7 =	simm.s32 $0xFFFFD800;
	[sflag:s30] =	ssyncadd.s32 $0xFFFFC000  }
0x9d: {  	[tilespmem:s24], [sflag:$0x1] =	stream.indirect.gather [hbm4b:s4+s23], $0x80, s31, s23, $0xb8;
	[tilespmem:$0x1F0C0] =	vst v63  }
.LBB2_12:
0x9e: {  	_ =	swait.ge [sflag:s0], $0x4000  }
0x9f: {  	s8 =	sshra.s32 s7, $0x2;
	[sflag:s0] =	ssyncset.done $0x0  }
0xa0: {  	s9 =	sadd.s32 $0xB80, s8;
	[sflag:s0] =	ssyncadd.s32 $0xFFFFC000  }
0xa1: {  	[tilespmem:s25], [sflag:$0x2] =	stream.indirect.gather [hbm4b:s4+s23], $0x80, s9, s23, $0xb8;
	[tilespmem:$0x1F0C0] =	vst v63  }
0xa2: {  	_ =	swait.ge [sflag:s26], $0x4000  }
0xa3: {  	[sflag:s26] =	ssyncset.done $0x0  }
0xa4: {  	s9 =	sadd.s32 $0x2700, s8;
	[sflag:s26] =	ssyncadd.s32 $0xFFFFC000  }
0xa5: {  	[spmem:s2] =	stream.indirect.scatter.add.f32 [tilespmem:s24], [sflag:$0x3], $0x80, s9, s23, $0xb8;
	[tilespmem:$0x1F0C0] =	vst v63  }
0xa6: {  	_ =	swait.ge [sflag:s28], $0x4000  }
0xa7: {  	p2 =	seq.s32 s7, $0x0;
	[sflag:s28] =	ssyncset.done $0x0  }
.Ltmp7:
0xa8: {  	s9 =	sadd.s32 $0x2780, s8;
	[sflag:s28] =	ssyncadd.s32 $0xFFFFC000;
	(pc) =	sbr.rel @p2 .LBB2_14-.Ltmp7, $4  }
0xa9: {  	[spmem:s2] =	stream.indirect.scatter.add.f32 [tilespmem:s25], [sflag:$0x4], $0x80, s9, s23, $0xb8;
	[tilespmem:$0x1F0C0] =	vst v63  }
0xaa: {  	_ =	swait.ge [sflag:s30], $0x4000  }
0xab: {  	[sflag:s30] =	ssyncset.done $0x0  }
0xac: {  	[sflag:s30] =	ssyncadd.s32 $0xFFFFC000  }
.Ltmp8:
0xad: {  	(pc) =	sbr.rel .LBB2_12-.Ltmp8, $3  }
0xae: {  	_ =	sdelay $0x1  }
0xaf: {  	s8 =	sadd.s32 $0xC00, s8;
	s7 =	sadd.s32 $0x400, s7  }
0xb0: {  	[tilespmem:s24], [sflag:$0x1] =	stream.indirect.gather [hbm4b:s4+s23], $0x80, s8, s23, $0xb8;
	[tilespmem:$0x1F0C0] =	vst v63  }
.LBB2_5:
0xb1: {  	_ =	swait.ge [sflag:s0], $0x4000  }
0xb2: {  	[sflag:s0] =	ssyncset.done $0x0  }
0xb3: {  	s7 =	rddreg [dreg:$0x5];
	[sflag:s0] =	ssyncadd.s32 $0xFFFFC000  }
0xb4: {  	[tilespmem:s3], [sflag:$0x5] =	stream.linear.gather [hbm4b:s7+s3], $0x1C00, $0x38;
	[tilespmem:$0x1F0C0] =	vst v63  }
0xb5: {  	_ =	swait.ge [sflag:s21], $0x1C00  }
0xb6: {  	[sflag:s21] =	ssyncset.done $0x0  }
0xb7: {  	[sflag:s21] =	ssyncadd.s32 $0xFFFFE400  }
0xb8: {  	[tilespmem:s22], [sflag:$0x5] =	stream.linear.gather [hbm4b:s10+s3], $0x1C00, $0x38;
	[tilespmem:$0x1F0C0] =	vst v63  }
0xb9: {  	_ =	swait.ge [sflag:s21], $0x1C00  }
0xba: {  	[sflag:s21] =	ssyncset.done $0x0  }
0xbb: {  	[sflag:s21] =	ssyncadd.s32 $0xFFFFE400  }
0xbc: {  	[tilespmem:s24], [sflag:$0x1] =	stream.indirect.gather [hbm4b:s4+s23], $0x80, s3, s23, $0xb8;
	[tilespmem:$0x1F0C0] =	vst v63  }
0xbd: {  	_ = 	snop  }
0xbe: {  	[tilespmem:s25], [sflag:$0x2] =	stream.indirect.gather [hbm4b:s4+s23], $0x80, s23, s23, $0xb8;
	[tilespmem:$0x1F0C0] =	vst v63  }
0xbf: {  	_ =	swait.ge [sflag:s26], $0x4000  }
0xc0: {  	[sflag:s26] =	ssyncset.done $0x0  }
0xc1: {  	[sflag:s26] =	ssyncadd.s32 $0xFFFFC000  }
0xc2: {  	[spmem:s2] =	stream.indirect.scatter.add.f32 [tilespmem:s24], [sflag:$0x3], $0x80, s22, s23, $0xb8;
	[tilespmem:$0x1F0C0] =	vst v63  }
0xc3: {  	_ =	swait.ge [sflag:s28], $0x4000  }
0xc4: {  	[sflag:s28] =	ssyncset.done $0x0  }
0xc5: {  	[sflag:s28] =	ssyncadd.s32 $0xFFFFC000  }
0xc6: {  	[spmem:s2] =	stream.indirect.scatter.add.f32 [tilespmem:s25], [sflag:$0x4], $0x80, s29, s23, $0xb8;
	[tilespmem:$0x1F0C0] =	vst v63  }
0xc7: {  	_ =	swait.ge [sflag:s30], $0x4000  }
0xc8: {  	[sflag:s30] =	ssyncset.done $0x0  }
0xc9: {  	s7 =	simm.s32 $0xFFFF9800;
	[sflag:s30] =	ssyncadd.s32 $0xFFFFC000  }
0xca: {  	[tilespmem:s24], [sflag:$0x1] =	stream.indirect.gather [hbm4b:s4+s23], $0x80, s31, s23, $0xb8;
	[tilespmem:$0x1F0C0] =	vst v63  }
.LBB2_6:
0xcb: {  	_ =	swait.ge [sflag:s0], $0x4000  }
0xcc: {  	s8 =	sshra.s32 s7, $0x2;
	[sflag:s0] =	ssyncset.done $0x0  }
0xcd: {  	s9 =	sadd.s32 $0x1B80, s8;
	[sflag:s0] =	ssyncadd.s32 $0xFFFFC000  }
0xce: {  	[tilespmem:s25], [sflag:$0x2] =	stream.indirect.gather [hbm4b:s4+s23], $0x80, s9, s23, $0xb8;
	[tilespmem:$0x1F0C0] =	vst v63  }
0xcf: {  	_ =	swait.ge [sflag:s26], $0x4000  }
0xd0: {  	[sflag:s26] =	ssyncset.done $0x0  }
0xd1: {  	s9 =	sadd.s32 $0x3700, s8;
	[sflag:s26] =	ssyncadd.s32 $0xFFFFC000  }
0xd2: {  	[spmem:s2] =	stream.indirect.scatter.add.f32 [tilespmem:s24], [sflag:$0x3], $0x80, s9, s23, $0xb8;
	[tilespmem:$0x1F0C0] =	vst v63  }
0xd3: {  	_ =	swait.ge [sflag:s28], $0x4000  }
0xd4: {  	p2 =	seq.s32 s7, $0x0;
	[sflag:s28] =	ssyncset.done $0x0  }
.Ltmp9:
0xd5: {  	s9 =	sadd.s32 $0x3780, s8;
	[sflag:s28] =	ssyncadd.s32 $0xFFFFC000;
	(pc) =	sbr.rel @p2 .LBB2_14-.Ltmp9, $4  }
0xd6: {  	[spmem:s2] =	stream.indirect.scatter.add.f32 [tilespmem:s25], [sflag:$0x4], $0x80, s9, s23, $0xb8;
	[tilespmem:$0x1F0C0] =	vst v63  }
0xd7: {  	_ =	swait.ge [sflag:s30], $0x4000  }
0xd8: {  	[sflag:s30] =	ssyncset.done $0x0  }
0xd9: {  	[sflag:s30] =	ssyncadd.s32 $0xFFFFC000  }
.Ltmp10:
0xda: {  	(pc) =	sbr.rel .LBB2_6-.Ltmp10, $3  }
0xdb: {  	_ =	sdelay $0x1  }
0xdc: {  	s8 =	sadd.s32 $0x1C00, s8;
	s7 =	sadd.s32 $0x400, s7  }
0xdd: {  	[tilespmem:s24], [sflag:$0x1] =	stream.indirect.gather [hbm4b:s4+s23], $0x80, s8, s23, $0xb8;
	[tilespmem:$0x1F0C0] =	vst v63  }
.LBB2_15:
0xde: {  	_ =	sfence.sel $0x180000  }
0xdf: {  	[bflag:$0x0] =	sbarrier.arrive $0xFFFF  }
0xe0: {  	_ =	strace $0x9000004D  }
0xe1: {  	s0 =	stileid.u32;
	[bflag:$0x2] =	sbarrier.arrive $0xFFFF  }
0xe2: {  	p0 =	sne.s32 s0, $0x0;
	s0 =	rddreg [dreg:$0x2]  }
0xe3: {  	s0 =	sadd.s32 @!p0 $0x100000, s0  }
0xe4: {  	[sflag:s0] =	ssyncadd.tile.s32 @!p0 $0x1;
	_ =	shalt  }
.Lfunc_end2:
_tile_overlayer_lowered:
.L_overlay_start_2:
0xe5: {  	(tag) =	ssettag $0x2  }
0xe6: {  	s0 =	rddreg [dreg:$0x0];
	s2 =	stileid.u32  }
0xe7: {  	s1 =	rddreg [dreg:$0x1];
	p0 =	sne.s32 s2, $0x0  }
0xe8: {  	s3 =	rddreg [dreg:$0x2];
	[bflag:$0x3] =	sbarrier.arrive $0xFFFF;
	s2 =	simm.s32 @!p0 $0x1C05  }
0xe9: {  	[timem:s3], [sflag:s2] =	dma.local @!p0 [hbm:s0], s1  }
0xea: {  	s0 =	simm.s32 @!p0 $0x5  }
0xeb: {  	_ =	swait.ge @!p0 [sflag:s0], s1  }
0xec: {  	s1 =	ssub.s32 @!p0 $0x0, s1;
	[sflag:s0] =	ssyncset.done @!p0 $0x0  }
0xed: {  	[sflag:s0] =	ssyncadd.s32 @!p0 s1  }
0xee: {  	[bflag:$0x3] =	sbarrier.arrive $0xFFFF  }
0xef: {  	_ =	shalt  }

// kernel: kernel.8.cloned.1.call-start
scs
__scs_entry_jumppad:
0x0: {  	(pc) =	sbr.rel $0x88, $3  }
0x1: {  	(tag) =	ssettag $0x0;
	lr =	simm.s32 $0x1  }
0x2: {  	[smem:$0x3F99] =	sst lr;
	_ =	strace $0xD0000000  }
0x3: {  	_ = 	snop  }
0x4: {  	_ = 	snop  }
0x5: {  	_ = 	snop  }
0x6: {  	_ = 	snop  }
0x7: {  	_ = 	snop  }
__scs_overlays_trampoline_lowered:
0x8: {  	[smem:$0x3FA8] =	sst s0  }
0x9: {  	[smem:$0x3FA9] =	sst s1  }
0xa: {  	[smem:$0x3FAA] =	sst s2  }
0xb: {  	[smem:$0x3FAB] =	sst s3  }
0xc: {  	[smem:$0x3FAC] =	sst s4  }
0xd: {  	[smem:$0x3FAD] =	sst s5  }
0xe: {  	[smem:$0x3FAE] =	sst s6  }
0xf: {  	[smem:$0x3FAF] =	sst s7  }
0x10: {  	[smem:$0x3FB0] =	sst s8  }
0x11: {  	[smem:$0x3FB1] =	sst s9;
	s0 =	simm.s32 @!p0 $0x0  }
0x12: {  	s1 =	sld [smem:$0x3F97];
	s0 =	simm.s32 @p0 $0x1  }
0x13: {  	[smem:$0x3FB2] =	sst s0;
	s0 =	simm.s32 @!p1 $0x0  }
0x14: {  	s2 =	sld [smem:$0x3F96];
	s0 =	simm.s32 @p1 $0x1  }
0x15: {  	[smem:$0x3FB3] =	sst s0;
	s0 =	simm.s32 @!p2 $0x0  }
0x16: {  	s3 =	sld [smem:$0x3FDB];
	s0 =	simm.s32 @p2 $0x1  }
0x17: {  	s4 =	simm.s32 $0x1BF5;
	[smem:$0x3FB5] =	sst s0  }
0x18: {  	s0 =	sld [smem:$0x3F98];
	_ =	swait.ge [sflag:s4], $0x0  }
0x19: {  	s7 =	sld [smem:$0x3F99]  }
0x1a: {  	s8 =	sadd.s32 $0xFFFFE003, lr  }
0x1b: {  	s9 =	sadd.s32 $0xFFFFFEF7, lr;
	s5 =	simm.s32 $0xFFFFFFFF;
	p2 =	slt.u32 s8, $0xFFFFF086  }
0x1c: {  	p1 =	slt.u32 s9, $0xF7A;
	s5 =	simm.s32 @!p2 $0x0  }
0x1d: {  	s5 =	simm.s32 @p1 $0x1;
	p0 =	seq.s32 s7, s2  }
0x1e: {  	s7 =	smul.u32 @!p0 $0xF7A, s2;
	p2 =	seq.s32 @!p0 s5, $0x0  }
0x1f: {  	s9 =	smul.u32 $0xF7A, s1;
	s8 =	simm.s32 @!p0 $0x1BF5;
	p2 =	por !p2, p0  }
0x20: {  	[sflag:s8] =	ssyncset.s32 @!p0 $0xFFFFF086;
	s6 =	sadd.s32 @!p0 s3, s7;
	s7 =	simm.s32 @!p0 $0x108  }
0x21: {  	s3 =	sadd.s32 s3, s9;
	s6 =	sadd.s32 @!p0 $0x88, s6;
	s7 =	simm.s32 @p2 $0x1082  }
0x22: {  	[simem:s7], [sflag:s8] =	dma.local @!p0 [hbm:s6], $0xF7A  }
0x23: {  	s9 =	sor.u32 $0xD0000000, s2;
	s6 =	simm.s32 $0x108;
	_ =	swait.ge @!p0 [sflag:s8], $0x0  }
0x24: {  	s3 =	sadd.s32 $0x88, s3;
	s6 =	simm.s32 @!p1 $0x1082;
	[sflag:s4] =	ssyncset.s32 $0xFFFFF086  }
0x25: {  	[simem:s6], [sflag:s4] =	dma.local [hbm:s3], $0xF7A  }
0x26: {  	[smem:$0x3F99] =	sst s1;
	(tag) =	ssettag s2;
	_ =	strace s9  }
0x27: {  	s1 =	sld [smem:$0x3FA9]  }
0x28: {  	s2 =	sld [smem:$0x3FAA]  }
0x29: {  	s4 =	sld [smem:$0x3FAC]  }
0x2a: {  	p0 =	seq.s32 s5, $0x0;
	s5 =	sld [smem:$0x3FAD]  }
0x2b: {  	s6 =	sld [smem:$0x3FAE]  }
0x2c: {  	s7 =	sld [smem:$0x3FAF]  }
0x2d: {  	s3 =	simm.s32 $0x108;
	s8 =	sld [smem:$0x3FB0]  }
0x2e: {  	s3 =	simm.s32 @!p0 $0x1082;
	s9 =	sld [smem:$0x3FB1]  }
0x2f: {  	lr =	sadd.s32 s0, s3;
	s0 =	sld [smem:$0x3FA8]  }
0x30: {  	s3 =	sld [smem:$0x3FAB]  }
0x31: {  	[smem:$0x3FB4] =	sst s10  }
0x32: {  	s10 =	sld [smem:$0x3FB2];
	_ =	sdelay $0x3  }
0x33: {  	p0 =	seq.s32 s10, $0x1;
	s10 =	sld [smem:$0x3FB4];
	_ =	sdelay $0x3  }
0x34: {  	[smem:$0x3FB4] =	sst s10  }
0x35: {  	s10 =	sld [smem:$0x3FB3];
	_ =	sdelay $0x3  }
0x36: {  	p1 =	seq.s32 s10, $0x1;
	s10 =	sld [smem:$0x3FB4];
	_ =	sdelay $0x3  }
0x37: {  	[smem:$0x3FB4] =	sst s10  }
0x38: {  	s10 =	sld [smem:$0x3FB5]  }
0x39: {  	_ = 	snop;
	(pc) =	sbr.ind lr, $3  }
0x3a: {  	_ = 	snop  }
0x3b: {  	_ = 	snop  }
0x3c: {  	p2 =	seq.s32 s10, $0x1;
	s10 =	sld [smem:$0x3FB4]  }
0x3d: {  	_ =	shalt  }
0x3e: {  	_ =	shalt  }
0x3f: {  	_ =	shalt  }
0x40: {  	_ =	shalt  }
0x41: {  	_ =	shalt  }
0x42: {  	_ =	shalt  }
0x43: {  	_ =	shalt  }
0x44: {  	_ =	shalt  }
0x45: {  	_ =	shalt  }
0x46: {  	_ =	shalt  }
0x47: {  	_ =	shalt  }
0x48: {  	_ =	shalt  }
0x49: {  	_ =	shalt  }
0x4a: {  	_ =	shalt  }
0x4b: {  	_ =	shalt  }
0x4c: {  	_ =	shalt  }
0x4d: {  	_ =	shalt  }
0x4e: {  	_ =	shalt  }
0x4f: {  	_ =	shalt  }
0x50: {  	_ =	shalt  }
0x51: {  	_ =	shalt  }
0x52: {  	_ =	shalt  }
0x53: {  	_ =	shalt  }
0x54: {  	_ =	shalt  }
0x55: {  	_ =	shalt  }
0x56: {  	_ =	shalt  }
0x57: {  	_ =	shalt  }
0x58: {  	_ =	shalt  }
0x59: {  	_ =	shalt  }
0x5a: {  	_ =	shalt  }
0x5b: {  	_ =	shalt  }
0x5c: {  	_ =	shalt  }
0x5d: {  	_ =	shalt  }
0x5e: {  	_ =	shalt  }
0x5f: {  	_ =	shalt  }
0x60: {  	_ =	shalt  }
0x61: {  	_ =	shalt  }
0x62: {  	_ =	shalt  }
0x63: {  	_ =	shalt  }
0x64: {  	_ =	shalt  }
0x65: {  	_ =	shalt  }
0x66: {  	_ =	shalt  }
0x67: {  	_ =	shalt  }
0x68: {  	_ =	shalt  }
0x69: {  	_ =	shalt  }
0x6a: {  	_ =	shalt  }
0x6b: {  	_ =	shalt  }
0x6c: {  	_ =	shalt  }
0x6d: {  	_ =	shalt  }
0x6e: {  	_ =	shalt  }
0x6f: {  	_ =	shalt  }
0x70: {  	_ =	shalt  }
0x71: {  	_ =	shalt  }
0x72: {  	_ =	shalt  }
0x73: {  	_ =	shalt  }
0x74: {  	_ =	shalt  }
0x75: {  	_ =	shalt  }
0x76: {  	_ =	shalt  }
0x77: {  	_ =	shalt  }
0x78: {  	_ =	shalt  }
0x79: {  	_ =	shalt  }
0x7a: {  	_ =	shalt  }
0x7b: {  	_ =	shalt  }
0x7c: {  	_ =	shalt  }
0x7d: {  	_ =	shalt  }
0x7e: {  	_ =	shalt  }
0x7f: {  	_ =	shalt  }
0x80: {  	_ =	shalt  }
0x81: {  	_ =	shalt  }
0x82: {  	_ =	shalt  }
0x83: {  	_ =	shalt  }
0x84: {  	_ =	shalt  }
0x85: {  	_ =	shalt  }
0x86: {  	_ =	shalt  }
0x87: {  	_ =	shalt  }
.Lfunc_end0:
.L_simem_size_0:
called_computation_lowered:
.L_overlay_start_0:
0x88: {  	s2 =	sld [smem:$0x3FD9]  }
0x89: {  	s3 =	sld [smem:$0x3FFE];
	_ =	sdelay $0x1  }
0x8a: {  	s1 =	srdreg.scid  }
0x8b: {  	s0 =	sand.u32 $0x1, s1  }
0x8c: {  	s17 =	sshll.u32 s0, $0xA;
	s2 =	sadd.s32 s3, s2  }
0x8d: {  	s2 =	sadd.s32 s2, s17  }
0x8e: {  	[smem:$0x3FC0] =	sst s2  }
0x8f: {  	_ = 	snop  }
0x90: {  	s2 =	sld [smem:$0x3FD0];
	(tm) =	ssettm $0x1  }
0x91: {  	s18 =	sld [smem:$0x3FFB];
	_ =	sdelay $0x3  }
0x92: {  	_ =	strace s18  }
0x93: {  	s3 =	sld [smem:$0x3FFC];
	_ =	sdelay $0x3  }
0x94: {  	_ =	strace s3  }
0x95: {  	s3 =	sld [smem:$0x3FFD];
	_ =	sdelay $0x3  }
0x96: {  	_ =	strace s3  }
0x97: {  	_ =	strace $0x8FFFFFFF  }
0x98: {  	s19 =	sld [smem:$0x3FDB];
	_ =	sdelay $0x1  }
0x99: {  	s4 =	simm.s32 $_scs_section_size  }
0x9a: {  	s5 =	simm.s32 $_size__tile_overlayer_lowered;
	s6 =	simm.s32 $_tile_overlayer_lowered  }
0x9b: {  	s22 =	simm.s32 $0x1BFF;
	s21 =	sshll.u32 s6, $0x1;
	s3 =	sadd.s32 s4, s19  }
0x9c: {  	s7 =	simm.s32 $0x0;
	s20 =	sshll.u32 s5, $0x1;
	s5 =	sadd.s32 s21, s3  }
0x9d: {  	[timem:s7], [sflag:s22] =	dma.local [hbm:s5], s20  }
0x9e: {  	_ =	swait.ge [sflag:s22], s20  }
0x9f: {  	s4 =	ssub.s32 $0x0, s20;
	[sflag:s22] =	ssyncset.done $0x0  }
0xa0: {  	[sflag:s22] =	ssyncadd.s32 s4;
	_ =	sdelay $0x1  }
0xa1: {  	s23 =	simm.s32 $0x1B8B  }
0xa2: {  	_ =	swait.ge [sflag:s23], $0x1  }
0xa3: {  	[sflag:s23] =	ssyncset.done $0x0  }
0xa4: {  	s25 =	simm.s32 $0x1B8E;
	s24 =	sld [smem:$0x3FFE];
	[sflag:s23] =	ssyncadd.s32 $0xFFFFFFFF  }
0xa5: {  	s26 =	simm.s32 $execute0_lowered;
	[smem:$0x3FD2] =	sst s25  }
0xa6: {  	s5 =	sshll.u32 s26, $0x1;
	_ =	strace $0x80000046;
	[dreg:$0x1] =	wrdreg $0xFFFFFFFF  }
0xa7: {  	s28 =	simm.s32 $_size_execute0_lowered;
	s3 =	sadd.s32 s3, s5;
	[dreg:$0x0] =	wrdreg $0x0  }
0xa8: {  	s5 =	sshll.u32 s28, $0x1;
	[dreg:$0x2] =	wrdreg s3  }
0xa9: {  	[dreg:$0x3] =	wrdreg s5  }
0xaa: {  	[dreg:$0x4] =	wrdreg $0xC0  }
0xab: {  	_ =	task [dreg:s7], $0x5FFFF  }
0xac: {  	[dreg:$0x1] =	wrdreg $0xFFFFFFFF  }
0xad: {  	[dreg:$0x0] =	wrdreg $0x60  }
0xae: {  	[dreg:$0x2] =	wrdreg s24  }
0xaf: {  	[dreg:$0x3] =	wrdreg s2  }
0xb0: {  	[dreg:$0x4] =	wrdreg $0x28800  }
0xb1: {  	[dreg:$0x5] =	wrdreg $0x9  }
0xb2: {  	_ =	task.clear_ibuf [dreg:s7], $0x6FFFF;
	_ =	strace $0x90000046  }
0xb3: {  	s29 =	simm.s32 $0x9;
	_ =	strace $0x80000048  }
0xb4: {  	_ =	swait.ge [sflag:s29], $0x1  }
0xb5: {  	[sflag:s29] =	ssyncadd.s32 $0xFFFFFFFF  }
0xb6: {  	_ =	strace $0x90000048  }
0xb7: {  	_ =	sfence  }
0xb8: {  	s30 =	sld [smem:$0x0];
	_ =	sdelay $0x2  }
0xb9: {  	s31 =	sshll.u32 s1, $0xD;
	s1 =	sshrl.u32 s1, $0x2  }
0xba: {  	s3 =	sand.u32 $0x4000, s31;
	s1 =	sadd.s32 s1, s30  }
0xbb: {  	s0 =	sor.u32 s3, s0;
	s1 =	sshll.u32 s1, $0x11  }
0xbc: {  	s0 =	sor.u32 s1, s0  }
0xbd: {  	s0 =	sadd.s32 $0x8F2B, s0  }
0xbe: {  	[sflag:s0] =	ssyncadd.remote.s32 $0x1  }
0xbf: {  	_ =	sfence.sel $0xFFFF  }
0xc0: {  	[dreg:$0x0] =	wrdreg $0xFFFFFFFF;
	(pc) =	sbr.abs _section_cstart, $3  }
0xc1: {  	[dreg:$0x1] =	wrdreg $0xFFFFFFFF  }
0xc2: {  	_ =	task.clear_ibuf [dreg:s7], $0x2FFFF;
	_ =	strace $0x9FFFFFFF  }
0xc3: {  	(tm) =	ssettm $0x7FFFFFFF  }
tec
execute0_lowered:
.L_overlay_start_1:
0x0: {  	(tag) =	ssettag $0x1  }
0x1: {  	s6 =	rddreg [dreg:$0x0]  }
0x2: {  	s1 =	rddreg [dreg:$0x1]  }
0x3: {  	s3 =	rddreg [dreg:$0x2]  }
0x4: {  	s0 =	rddreg [dreg:$0x3]  }
0x5: {  	s4 =	simm.s32 $0x0;
	s2 =	stileid.u32;
	s7 =	srdreg.scid  }
0x6: {  	s13 =	simm.s32 $0x80;
	s14 =	simm.s32 $0x20;
	s15 =	simm.s32 $0x10  }
0x7: {  	s16 =	simm.s32 $0x0;
	[smem:$0x7FF] =	sst s4;
	s5 =	smul.u32 $0x280, s2  }
0x8: {  	s7 =	sand.u32 $0x1, s7;
	s8 =	smul.u32 $0x500, s2;
	s9 =	sshll.u32 s2, $0x1  }
0x9: {  	s31 =	sshll.u32 s2, $0x6;
	_ =	strace $0x80000047;
	s11 =	sshll.u32 s7, $0x7  }
0xa: {  	s9 =	sor.u32 s7, s9;
	s7 =	ssub.s32 $0x2, s7;
	s10 =	sshrl.u32 s5, $0x3  }
0xb: {  	s8 =	sor.u32 s11, s8;
	s9 =	smul.u32 $0x2800, s9;
	s29 =	sshrl.u32 s7, $0x1  }
0xc: {  	s12 =	sadd.s32 s5, s3;
	s10 =	sadd.s32 s10, s6;
	s8 =	sshrl.u32 s8, $0x3  }
0xd: {  	s11 =	ssub.s32 s7, s29;
	s12 =	sshrl.u32 s12, $0x3;
	s8 =	sadd.s32 s8, s6  }
0xe: {  	s30 =	sshrl.u32 s9, $0x3;
	s5 =	sadd.s32 $0x16600, s10;
	s9 =	simm.s32 $0x2800  }
0xf: {  	s10 =	simm.s32 $0x1;
	s6 =	sadd.s32 s6, s30;
	s7 =	sadd.s32 $0x16C00, s8  }
0x10: {  	s8 =	smax.u32 s11, $0x1;
	s11 =	sor.u32 $0x1C01, s31;
	s6 =	sadd.s32 $0xC600, s6  }
.LBB2_1:
0x11: {  	[tilespmem:s9], [sflag:$0x1] =	stream.linear.gather [hbm4b:s1+s4], $0x80, $0x38;
	[tilespmem:$0x2B00] =	vst v63  }
0x12: {  	_ =	swait.ge [sflag:s10], $0x80  }
0x13: {  	[sflag:s10] =	ssyncset.done $0x0  }
0x14: {  	[sflag:s10] =	ssyncadd.s32 $0xFFFFFF80  }
0x15: {  	[spmem:s12], [sflag:s11] =	dma.local [hbm:s5], $0x50  }
0x16: {  	_ =	swait.ge [sflag:s10], $0x50  }
0x17: {  	[sflag:s10] =	ssyncset.done $0x0  }
0x18: {  	[sflag:s10] =	ssyncadd.s32 $0xFFFFFFB0  }
0x19: {  	[tilespmem:s4], [sflag:$0x1] =	stream.linear.gather [hbm4b:s6+s4], $0x2800, $0x38;
	[tilespmem:$0x2B00] =	vst v63  }
0x1a: {  	_ =	swait.ge [sflag:s10], $0x2800  }
0x1b: {  	[sflag:s10] =	ssyncset.done $0x0  }
0x1c: {  	[sflag:s10] =	ssyncadd.s32 $0xFFFFD800  }
0x1d: {  	s17 =	simm.s32 $0x0;
	[bflag:$0x0] =	sbarrier.arrive $0xFFFF  }
0x1e: {  	[spmem:s3] =	stream.indirect.scatter.add.f32 [tilespmem:s9], [sflag:$0x1], $0x1, s17, s13, $0xb8;
	[tilespmem:$0x2B00] =	vst v63  }
0x1f: {  	_ =	swait.ge [sflag:s10], $0x80  }
0x20: {  	s17 =	simm.s32 $0x200;
	[sflag:s10] =	ssyncset.done $0x0  }
.LBB2_2:
0x21: {  	s18 =	sshra.s32 s17, $0x2;
	[sflag:s10] =	ssyncadd.s32 $0xFFFFFF80;
	p0 =	sne.s32 s17, $0x9E00  }
0x22: {  	[spmem:s3] =	stream.indirect.scatter.add.f32 [tilespmem:s9], [sflag:$0x1], $0x1, s18, s13, $0xb8;
	[tilespmem:$0x2B00] =	vst v63  }
.Ltmp0:
0x23: {  	_ = 	snop;
	(pc) =	sbr.rel @p0 .LBB2_2-.Ltmp0, $4  }
0x24: {  	_ = 	snop  }
0x25: {  	s17 =	sadd.s32 $0x200, s17  }
0x26: {  	_ =	swait.ge [sflag:s10], $0x80  }
0x27: {  	[sflag:s10] =	ssyncset.done $0x0  }
0x28: {  	s16 =	sadd.s32 $0x1, s16  }
0x29: {  	[sflag:s10] =	ssyncadd.s32 $0xFFFFFF80;
	p0 =	sne.s32 s16, s8  }
.Ltmp1:
0x2a: {  	[bflag:$0x0] =	sbarrier.arrive $0xFFFF;
	(pc) =	sbr.rel @p0 .LBB2_1-.Ltmp1, $4  }
0x2b: {  	[hbm:s7@s14], [sflag:s11] =	dma.strided [spmem:s12@s15], $0x50, s10, $0x10   }
0x2c: {  	_ =	swait.ge [sflag:s10], $0x50  }
0x2d: {  	[sflag:s10] =	ssyncset.done $0x0  }
0x2e: {  	[sflag:s10] =	ssyncadd.s32 $0xFFFFFFB0  }
0x2f: {  	_ =	sfence.sel $0x180000  }
0x30: {  	[bflag:$0x0] =	sbarrier.arrive $0xFFFF  }
0x31: {  	p0 =	sne.s32 s2, $0x0;
	_ =	strace $0x90000047  }
0x32: {  	s0 =	sadd.s32 @!p0 $0x100000, s0;
	[bflag:$0x2] =	sbarrier.arrive $0xFFFF  }
0x33: {  	[sflag:s0] =	ssyncadd.tile.s32 @!p0 $0x1;
	_ =	shalt  }
.Lfunc_end2:
_tile_overlayer_lowered:
.L_overlay_start_2:
0x34: {  	(tag) =	ssettag $0x2  }
0x35: {  	s0 =	rddreg [dreg:$0x0];
	s2 =	stileid.u32  }
0x36: {  	s1 =	rddreg [dreg:$0x1];
	p0 =	sne.s32 s2, $0x0  }
0x37: {  	s3 =	rddreg [dreg:$0x2];
	[bflag:$0x3] =	sbarrier.arrive $0xFFFF;
	s2 =	simm.s32 @!p0 $0x1C01  }
0x38: {  	[timem:s3], [sflag:s2] =	dma.local @!p0 [hbm:s0], s1  }
0x39: {  	s0 =	simm.s32 @!p0 $0x1  }
0x3a: {  	_ =	swait.ge @!p0 [sflag:s0], s1  }
0x3b: {  	s1 =	ssub.s32 @!p0 $0x0, s1;
	[sflag:s0] =	ssyncset.done @!p0 $0x0  }
0x3c: {  	[sflag:s0] =	ssyncadd.s32 @!p0 s1  }
0x3d: {  	[bflag:$0x3] =	sbarrier.arrive $0xFFFF  }
0x3e: {  	_ =	shalt  }

</sc_bundles>
